<compile_context>
chip_gen: v7x
topology: tpu7x:2x2x1
jax: 0.10.2.dev20260603
libtpu: 0.0.44.dev20260713+nightly
codegen_flags: <defaults>
</compile_context>

<pallas_src>
import jax
import jax.numpy as jnp
from jax import lax
from jax.experimental import pallas as pl
from jax.experimental.pallas import tpu as pltpu
from jax.experimental.pallas import tpu_sc as plsc

N = 10000
E = 320000
D_IN = 128
D_H = 128
D_OUT = 16

NC = 2
NS = 16
LW = 128
CPS = E // (NC * LW)
CPT = CPS // NS
EXTRA = CPS - CPT * NS
NACC = 10240
ACC_ROWS_PER_TILE = NACC // NS
DEGW = 16
SLAB = 640
TAIL_LO = 15 * SLAB
TAIL_ROWS = N - TAIL_LO


def _slab_copy(s, src_at, dst_at):

    @pl.when(s < NS - 1)
    def _():
        pltpu.sync_copy(*_slab_refs(src_at, dst_at, s * SLAB, SLAB))

    @pl.when(s == NS - 1)
    def _():
        pltpu.sync_copy(*_slab_refs(src_at, dst_at, TAIL_LO, TAIL_ROWS))


def _slab_refs(src_at, dst_at, lo, size):
    return src_at(lo, size), dst_at(lo, size)


def _sc_mesh():
    return plsc.VectorSubcoreMesh(core_axis_name="c", subcore_axis_name="s")


def _stage_idx(c, s, idx_hbm, idx_v):
    lo = s * CPT + jnp.minimum(s, EXTRA)

    @pl.when(s < EXTRA)
    def _():
        pltpu.sync_copy(idx_hbm.at[c, pl.ds(lo, CPT + 1)], idx_v)

    @pl.when(s >= EXTRA)
    def _():
        pltpu.sync_copy(idx_hbm.at[c, pl.ds(lo, CPT)], idx_v.at[pl.ds(0, CPT)])


def _deg_body(dst_hbm, zeros_hbm, ones_hbm, out_hbm, dst_v, ones_v, acc_sh, sem):
    c = lax.axis_index("c")
    s = lax.axis_index("s")
    _stage_idx(c, s, dst_hbm, dst_v)
    pltpu.sync_copy(ones_hbm, ones_v)
    pltpu.sync_copy(
        zeros_hbm, acc_sh.at[pl.ds(s * ACC_ROWS_PER_TILE, ACC_ROWS_PER_TILE)]
    )
    plsc.subcore_barrier()
    def body(j, carry):
        pltpu.sync_copy(ones_v, acc_sh.at[dst_v.at[j]], add=True)
        return carry
    lax.fori_loop(0, CPT, body, 0, unroll=4)

    @pl.when(s < EXTRA)
    def _():
        pltpu.sync_copy(ones_v, acc_sh.at[dst_v.at[CPT]], add=True)

    plsc.subcore_barrier()
    pltpu.sync_copy(
        acc_sh.at[pl.ds(s * ACC_ROWS_PER_TILE, ACC_ROWS_PER_TILE)],
        out_hbm.at[c, pl.ds(s * ACC_ROWS_PER_TILE, ACC_ROWS_PER_TILE)],
    )


def _deg_call(dstp, zeros_deg, ones_deg):
    return pl.kernel(
        _deg_body,
        out_type=jax.ShapeDtypeStruct((NC, NACC, DEGW), jnp.float32),
        mesh=_sc_mesh(),
        compiler_params=pltpu.CompilerParams(use_tc_tiling_on_sc=False),
        scratch_types=[
            pltpu.VMEM((CPT + 1, LW), jnp.int32),
            pltpu.VMEM((LW, DEGW), jnp.float32),
            pltpu.VMEM_SHARED((NACC, DEGW), jnp.float32),
            pltpu.SemaphoreType.DMA,
        ],
    )(dstp, zeros_deg, ones_deg)


def _prop_body(p_hbm, src_hbm, dst_hbm, zeros_hbm, out_hbm,
               src_v, dst_v, rows0, rows1, acc_sh, sem0, sem1):
    c = lax.axis_index("c")
    s = lax.axis_index("s")
    rows = (rows0, rows1)
    sems = (sem0, sem1)
    _stage_idx(c, s, src_hbm, src_v)
    _stage_idx(c, s, dst_hbm, dst_v)

    @pl.when(c == 0)
    def _():
        _slab_copy(s, lambda lo, sz: p_hbm.at[pl.ds(lo, sz)],
                   lambda lo, sz: acc_sh.at[pl.ds(lo, sz)])

    @pl.when(c == 1)
    def _():
        _slab_copy(s, lambda lo, sz: zeros_hbm.at[pl.ds(lo, sz)],
                   lambda lo, sz: acc_sh.at[pl.ds(lo, sz)])

    plsc.subcore_barrier()

    nch = jnp.where(s < EXTRA, CPT + 1, CPT)
    pltpu.async_copy(p_hbm.at[src_v.at[0]], rows0, sem0)
    pltpu.async_copy(p_hbm.at[src_v.at[1]], rows1, sem1)

    def body(i, carry):
        for b in range(2):
            j = i * 2 + b
            pltpu.make_async_copy(
                p_hbm.at[src_v.at[j]], rows[b], sems[b]
            ).wait()
            pltpu.sync_copy(rows[b], acc_sh.at[dst_v.at[j]], add=True)

            @pl.when(j + 2 < nch)
            def _():
                pltpu.async_copy(p_hbm.at[src_v.at[j + 2]], rows[b], sems[b])
        return carry

    lax.fori_loop(0, CPT // 2, body, 0)

    @pl.when(s < EXTRA)
    def _():
        pltpu.make_async_copy(p_hbm.at[src_v.at[CPT]], rows0, sem0).wait()
        pltpu.sync_copy(rows0, acc_sh.at[dst_v.at[CPT]], add=True)

    plsc.subcore_barrier()
    _slab_copy(s, lambda lo, sz: acc_sh.at[pl.ds(lo, sz)],
               lambda lo, sz: out_hbm.at[c, pl.ds(lo, sz)])


def _prop_call(p, srcg, dstg, zeros_nd):
    d = p.shape[1]
    dt = p.dtype
    return pl.kernel(
        _prop_body,
        out_type=jax.ShapeDtypeStruct((NC, N, d), dt),
        mesh=_sc_mesh(),
        compiler_params=pltpu.CompilerParams(use_tc_tiling_on_sc=False),
        scratch_types=[
            pltpu.VMEM((CPT + 1, LW), jnp.int32),
            pltpu.VMEM((CPT + 1, LW), jnp.int32),
            pltpu.VMEM((LW, d), dt),
            pltpu.VMEM((LW, d), dt),
            pltpu.VMEM_SHARED((NACC, d), dt),
            pltpu.SemaphoreType.DMA,
            pltpu.SemaphoreType.DMA,
        ],
    )(p, srcg, dstg, zeros_nd)


_RB = 2000
_GRID = N // _RB


def _mm0_body(feat_ref, w_ref, h_ref):
    h_ref[...] = jnp.dot(
        feat_ref[...], w_ref[...], preferred_element_type=jnp.float32
    )


def _mm0_call(features, w0):
    return pl.pallas_call(
        _mm0_body,
        grid=(_GRID,),
        in_specs=[
            pl.BlockSpec((_RB, D_IN), lambda i: (i, 0)),
            pl.BlockSpec((D_IN, D_H), lambda i: (0, 0)),
        ],
        out_specs=pl.BlockSpec((_RB, D_H), lambda i: (i, 0)),
        out_shape=jax.ShapeDtypeStruct((N, D_H), jnp.float32),
    )(features, w0)


def _pre_body(h_ref, degp_ref, p_ref, dis_ref):
    dp = degp_ref[...]
    dis = lax.rsqrt(dp[0, :, 0:1] + dp[1, :, 0:1] + 1.0)
    p_ref[...] = h_ref[...] * dis
    dis_ref[...] = dis


def _pre_call(h0, degp):
    return pl.pallas_call(
        _pre_body,
        grid=(_GRID,),
        in_specs=[
            pl.BlockSpec((_RB, D_H), lambda i: (i, 0)),
            pl.BlockSpec((NC, _RB, DEGW), lambda i: (0, i, 0)),
        ],
        out_specs=[
            pl.BlockSpec((_RB, D_H), lambda i: (i, 0)),
            pl.BlockSpec((_RB, 1), lambda i: (i, 0)),
        ],
        out_shape=[
            jax.ShapeDtypeStruct((N, D_H), jnp.float32),
            jax.ShapeDtypeStruct((N, 1), jnp.float32),
        ],
    )(h0, degp)


def _mid_body(sp_ref, dis_ref, b_ref, w_ref, p_ref):
    sp = sp_ref[...].astype(jnp.float32)
    dis = dis_ref[...]
    x = jax.nn.relu((sp[0] + sp[1]) * dis + b_ref[...][None, :])
    p_ref[...] = jnp.dot(x, w_ref[...], preferred_element_type=jnp.float32) * dis


def _mid_call(s_parts, dis, b, w):
    d_in, d_out = w.shape
    return pl.pallas_call(
        _mid_body,
        grid=(_GRID,),
        in_specs=[
            pl.BlockSpec((NC, _RB, d_in), lambda i: (0, i, 0)),
            pl.BlockSpec((_RB, 1), lambda i: (i, 0)),
            pl.BlockSpec((d_in,), lambda i: (0,)),
            pl.BlockSpec((d_in, d_out), lambda i: (0, 0)),
        ],
        out_specs=pl.BlockSpec((_RB, d_out), lambda i: (i, 0)),
        out_shape=jax.ShapeDtypeStruct((N, d_out), jnp.float32),
    )(s_parts, dis, b, w)


def _post_body(sp_ref, dis_ref, b_ref, out_ref):
    sp = sp_ref[...].astype(jnp.float32)
    z = (sp[0] + sp[1]) * dis_ref[...] + b_ref[...][None, :]
    m = jnp.max(z, axis=1, keepdims=True)
    lse = m + jnp.log(jnp.sum(jnp.exp(z - m), axis=1, keepdims=True))
    out_ref[...] = z - lse


def _post_call(s_parts, dis, b):
    return pl.pallas_call(
        _post_body,
        grid=(_GRID,),
        in_specs=[
            pl.BlockSpec((NC, _RB, D_OUT), lambda i: (0, i, 0)),
            pl.BlockSpec((_RB, 1), lambda i: (i, 0)),
            pl.BlockSpec((D_OUT,), lambda i: (0,)),
        ],
        out_specs=pl.BlockSpec((_RB, D_OUT), lambda i: (i, 0)),
        out_shape=jax.ShapeDtypeStruct((N, D_OUT), jnp.float32),
    )(s_parts, dis, b)


def kernel(edges, features, W0, b0, W1, b1, W2, b2):
    srcg = edges[0].astype(jnp.int32).reshape(NC, CPS, LW)
    dstg = edges[1].astype(jnp.int32).reshape(NC, CPS, LW)

    zeros_deg = jnp.zeros((ACC_ROWS_PER_TILE, DEGW), jnp.float32)
    ones_deg = jnp.ones((LW, DEGW), jnp.float32)
    zeros_h = jnp.zeros((N, D_H), jnp.bfloat16)
    zeros_o = jnp.zeros((N, D_OUT), jnp.float32)

    degp = _deg_call(dstg, zeros_deg, ones_deg)
    h0 = _mm0_call(features, W0)
    p0, dis = _pre_call(h0, degp)
    s0 = _prop_call(p0.astype(jnp.bfloat16), srcg, dstg, zeros_h)
    p1 = _mid_call(s0.astype(jnp.float32), dis, b0, W1)
    s1 = _prop_call(p1.astype(jnp.bfloat16), srcg, dstg, zeros_h)
    p2 = _mid_call(s1.astype(jnp.float32), dis, b1, W2)
    s2 = _prop_call(p2, srcg, dstg, zeros_o)
    return _post_call(s2, dis, b2)

# --- scband reference (transcript-rebuilt; emitter-appended) ---
"""Pipeline reference for scband-stacked-gcn-44547400794889 (READ-ONLY COPY).

The authoritative reference and input builder live on the scoring server;
editing this copy changes nothing except your own understanding.
"""

import jax, jax.numpy as jnp
import numpy as np

N = 10000
E = 320000
D_IN = 128
D_H = 128
D_OUT = 16


def setup_inputs(seed: int = 0):
    key = jax.random.key(seed)
    ks = jax.random.split(key, 8)
    edges = jax.random.randint(ks[0], (2, E), 0, N)
    features = jax.random.normal(ks[1], (N, D_IN), dtype=jnp.float32)
    # GCNConv params (glorot-ish scale): lin weight [in, out] + bias [out]
    W0 = jax.random.normal(ks[2], (D_IN, D_H), dtype=jnp.float32) / np.sqrt(D_IN)
    b0 = jnp.zeros((D_H,), dtype=jnp.float32)
    W1 = jax.random.normal(ks[3], (D_H, D_H), dtype=jnp.float32) / np.sqrt(D_H)
    b1 = jnp.zeros((D_H,), dtype=jnp.float32)
    W2 = jax.random.normal(ks[4], (D_H, D_OUT), dtype=jnp.float32) / np.sqrt(D_H)
    b2 = jnp.zeros((D_OUT,), dtype=jnp.float32)
    return {"edges": edges, "features": features, "W0": W0, "b0": b0, "W1": W1, "b1": b1, "W2": W2, "b2": b2}


def _gcn_conv(x, src, dst, norm, W, b):
    # PyG GCNConv: h = X W; out_i = sum_{j->i} norm_ji * h_j; out += bias
    h = x @ W
    msgs = h[src] * norm[:, None]
    out = jax.ops.segment_sum(msgs, dst, num_segments=N)
    return out + b


def reference(edges, features, W0, b0, W1, b1, W2, b2):
    src = edges[0]
    dst = edges[1]
    # add self loops + symmetric normalization (GCNConv defaults)
    loop = jnp.arange(N, dtype=src.dtype)
    src = jnp.concatenate([src, loop])
    dst = jnp.concatenate([dst, loop])
    deg = jnp.zeros((N,), dtype=features.dtype).at[dst].add(1.0)
    dis = jnp.where(deg > 0, jax.lax.rsqrt(jnp.maximum(deg, 1e-12)), 0.0)
    norm = dis[src] * dis[dst]
    # StackedGCN forward (eval mode: dropout is identity)
    h = jax.nn.relu(_gcn_conv(features, src, dst, norm, W0, b0))
    h = jax.nn.relu(_gcn_conv(h, src, dst, norm, W1, b1))
    h = _gcn_conv(h, src, dst, norm, W2, b2)
    return jax.nn.log_softmax(h, axis=1)

if __name__ == "__main__":
    import jax
    _d = setup_inputs()
    print(jax.jit(kernel)(*tuple(_d.values())))

</pallas_src>

<mosaic_0001>
#map = affine_map<(d0, d1) -> (0, 0)>
#map1 = affine_map<(d0, d1) -> (0, 0, 0)>
module attributes {stable_mosaic.version = 14 : i64} {
  func.func @_prop_body(%arg0: i32, %arg1: i32, %arg2: memref<10000x16xf32, #tpu.memory_space<hbm>>, %arg3: memref<2x1250x128xi32, #tpu.memory_space<hbm>>, %arg4: memref<2x1250x128xi32, #tpu.memory_space<hbm>>, %arg5: memref<10000x16xf32, #tpu.memory_space<hbm>>, %arg6: memref<2x10000x16xf32, #tpu.memory_space<hbm>>, %arg7: memref<79x128xi32, #tpu.memory_space<vmem>>, %arg8: memref<79x128xi32, #tpu.memory_space<vmem>>, %arg9: memref<128x16xf32, #tpu.memory_space<vmem>>, %arg10: memref<128x16xf32, #tpu.memory_space<vmem>>, %arg11: memref<10240x16xf32, #tpu.memory_space<vmem_shared>>, %arg12: memref<!tpu.dma_semaphore, #tpu.memory_space<semaphore_mem>>, %arg13: memref<!tpu.dma_semaphore, #tpu.memory_space<semaphore_mem>>) attributes {dimension_semantics = [#tpu.dimension_semantics<core_parallel>, #tpu.dimension_semantics<subcore_parallel>], iteration_bounds = array<i64: 2, 16>, scalar_prefetch = 0 : i64, scratch_operands = 7 : i64, tpu.core_type = #tpu.core_type<sc_vector_subcore>, window_params = [{transform_indices = #map}, {transform_indices = #map1}, {transform_indices = #map1}, {transform_indices = #map}, {transform_indices = #map1}]} {
    %mul3A = arith.constant 78 : i32
    %mul3A_0 = arith.muli %arg1, %mul3A : i32
    %min3A = arith.constant 2 : i32
    %min3A_1 = arith.minsi %arg1, %min3A : i32
    %add3A = arith.addi %mul3A_0, %min3A_1 : i32
    %lt3A = arith.constant 2 : i32
    %lt3A_2 = arith.cmpi slt, %arg1, %lt3A : i32
    %convert_element_type3A = arith.extui %lt3A_2 : i1 to i32
    %cond3A = arith.constant 0 : i32
    %cond3A_3 = arith.cmpi ne, %convert_element_type3A, %cond3A : i32
    scf.if %cond3A_3 {
      "tpu.region"() ({
        %run_scoped3A = tpu.sem_alloc : memref<!tpu.dma_semaphore, #tpu.memory_space<semaphore_mem>>
        %dma_start3A_69 = arith.constant 0 : i32
        %dma_start3A_70 = tpu.memref_slice %arg3[%arg0, %add3A, %dma_start3A_69] : memref<2x1250x128xi32, #tpu.memory_space<hbm>> -> memref<1x79x128xi32, #tpu.memory_space<hbm>>
        %dma_start3A_71 = tpu.memref_squeeze %dma_start3A_70 : memref<1x79x128xi32, #tpu.memory_space<hbm>> -> memref<79x128xi32, #tpu.memory_space<hbm>>
        %dma_start3A_72 = arith.constant 0 : i32
        %dma_start3A_73 = tpu.memref_slice %arg3[%arg0, %add3A, %dma_start3A_72] : memref<2x1250x128xi32, #tpu.memory_space<hbm>> -> memref<1x79x128xi32, #tpu.memory_space<hbm>>
        %dma_start3A_74 = tpu.memref_squeeze %dma_start3A_73 : memref<1x79x128xi32, #tpu.memory_space<hbm>> -> memref<79x128xi32, #tpu.memory_space<hbm>>
        tpu.enqueue_dma source(%dma_start3A_74 : memref<79x128xi32, #tpu.memory_space<hbm>>) target(%arg7 : memref<79x128xi32, #tpu.memory_space<vmem>>) target_semaphore(%run_scoped3A : memref<!tpu.dma_semaphore, #tpu.memory_space<semaphore_mem>>)
        %dma_wait3A = arith.constant 0 : i32
        %dma_wait3A_75 = tpu.memref_slice %arg3[%arg0, %add3A, %dma_wait3A] : memref<2x1250x128xi32, #tpu.memory_space<hbm>> -> memref<1x79x128xi32, #tpu.memory_space<hbm>>
        %dma_wait3A_76 = tpu.memref_squeeze %dma_wait3A_75 : memref<1x79x128xi32, #tpu.memory_space<hbm>> -> memref<79x128xi32, #tpu.memory_space<hbm>>
        %dma_wait3A_77 = arith.constant 0 : i32
        %dma_wait3A_78 = tpu.memref_slice %arg3[%arg0, %add3A, %dma_wait3A_77] : memref<2x1250x128xi32, #tpu.memory_space<hbm>> -> memref<1x79x128xi32, #tpu.memory_space<hbm>>
        %dma_wait3A_79 = tpu.memref_squeeze %dma_wait3A_78 : memref<1x79x128xi32, #tpu.memory_space<hbm>> -> memref<79x128xi32, #tpu.memory_space<hbm>>
        tpu.wait_dma2 semaphore(%run_scoped3A : memref<!tpu.dma_semaphore, #tpu.memory_space<semaphore_mem>>) src(%dma_wait3A_79 : memref<79x128xi32, #tpu.memory_space<hbm>>) dst(%arg7 : memref<79x128xi32, #tpu.memory_space<vmem>>)
        tpu.yield
      }) : () -> ()
    } else {
    }
    %ge3A = arith.constant 2 : i32
    %ge3A_4 = arith.cmpi sge, %arg1, %ge3A : i32
    %convert_element_type3A_5 = arith.extui %ge3A_4 : i1 to i32
    %cond3A_6 = arith.constant 0 : i32
    %cond3A_7 = arith.cmpi ne, %convert_element_type3A_5, %cond3A_6 : i32
    scf.if %cond3A_7 {
      "tpu.region"() ({
        %run_scoped3A = tpu.sem_alloc : memref<!tpu.dma_semaphore, #tpu.memory_space<semaphore_mem>>
        %dma_start3A_69 = arith.constant 0 : i32
        %dma_start3A_70 = arith.constant 0 : i32
        %dma_start3A_71 = tpu.memref_slice %arg7[%dma_start3A_69, %dma_start3A_70] : memref<79x128xi32, #tpu.memory_space<vmem>> -> memref<78x128xi32, #tpu.memory_space<vmem>>
        %dma_start3A_72 = arith.constant 0 : i32
        %dma_start3A_73 = tpu.memref_slice %arg3[%arg0, %add3A, %dma_start3A_72] : memref<2x1250x128xi32, #tpu.memory_space<hbm>> -> memref<1x78x128xi32, #tpu.memory_space<hbm>>
        %dma_start3A_74 = tpu.memref_squeeze %dma_start3A_73 : memref<1x78x128xi32, #tpu.memory_space<hbm>> -> memref<78x128xi32, #tpu.memory_space<hbm>>
        %dma_start3A_75 = arith.constant 0 : i32
        %dma_start3A_76 = arith.constant 0 : i32
        %dma_start3A_77 = tpu.memref_slice %arg7[%dma_start3A_75, %dma_start3A_76] : memref<79x128xi32, #tpu.memory_space<vmem>> -> memref<78x128xi32, #tpu.memory_space<vmem>>
        %dma_start3A_78 = arith.constant 0 : i32
        %dma_start3A_79 = tpu.memref_slice %arg3[%arg0, %add3A, %dma_start3A_78] : memref<2x1250x128xi32, #tpu.memory_space<hbm>> -> memref<1x78x128xi32, #tpu.memory_space<hbm>>
        %dma_start3A_80 = tpu.memref_squeeze %dma_start3A_79 : memref<1x78x128xi32, #tpu.memory_space<hbm>> -> memref<78x128xi32, #tpu.memory_space<hbm>>
        tpu.enqueue_dma source(%dma_start3A_80 : memref<78x128xi32, #tpu.memory_space<hbm>>) target(%dma_start3A_77 : memref<78x128xi32, #tpu.memory_space<vmem>>) target_semaphore(%run_scoped3A : memref<!tpu.dma_semaphore, #tpu.memory_space<semaphore_mem>>)
        %dma_wait3A = arith.constant 0 : i32
        %dma_wait3A_81 = arith.constant 0 : i32
        %dma_wait3A_82 = tpu.memref_slice %arg7[%dma_wait3A, %dma_wait3A_81] : memref<79x128xi32, #tpu.memory_space<vmem>> -> memref<78x128xi32, #tpu.memory_space<vmem>>
        %dma_wait3A_83 = arith.constant 0 : i32
        %dma_wait3A_84 = tpu.memref_slice %arg3[%arg0, %add3A, %dma_wait3A_83] : memref<2x1250x128xi32, #tpu.memory_space<hbm>> -> memref<1x78x128xi32, #tpu.memory_space<hbm>>
        %dma_wait3A_85 = tpu.memref_squeeze %dma_wait3A_84 : memref<1x78x128xi32, #tpu.memory_space<hbm>> -> memref<78x128xi32, #tpu.memory_space<hbm>>
        %dma_wait3A_86 = arith.constant 0 : i32
        %dma_wait3A_87 = arith.constant 0 : i32
        %dma_wait3A_88 = tpu.memref_slice %arg7[%dma_wait3A_86, %dma_wait3A_87] : memref<79x128xi32, #tpu.memory_space<vmem>> -> memref<78x128xi32, #tpu.memory_space<vmem>>
        %dma_wait3A_89 = arith.constant 0 : i32
        %dma_wait3A_90 = tpu.memref_slice %arg3[%arg0, %add3A, %dma_wait3A_89] : memref<2x1250x128xi32, #tpu.memory_space<hbm>> -> memref<1x78x128xi32, #tpu.memory_space<hbm>>
        %dma_wait3A_91 = tpu.memref_squeeze %dma_wait3A_90 : memref<1x78x128xi32, #tpu.memory_space<hbm>> -> memref<78x128xi32, #tpu.memory_space<hbm>>
        tpu.wait_dma2 semaphore(%run_scoped3A : memref<!tpu.dma_semaphore, #tpu.memory_space<semaphore_mem>>) src(%dma_wait3A_91 : memref<78x128xi32, #tpu.memory_space<hbm>>) dst(%dma_wait3A_88 : memref<78x128xi32, #tpu.memory_space<vmem>>)
        tpu.yield
      }) : () -> ()
    } else {
    }
    %mul3A_8 = arith.constant 78 : i32
    %mul3A_9 = arith.muli %arg1, %mul3A_8 : i32
    %min3A_10 = arith.constant 2 : i32
    %min3A_11 = arith.minsi %arg1, %min3A_10 : i32
    %add3A_12 = arith.addi %mul3A_9, %min3A_11 : i32
    %lt3A_13 = arith.constant 2 : i32
    %lt3A_14 = arith.cmpi slt, %arg1, %lt3A_13 : i32
    %convert_element_type3A_15 = arith.extui %lt3A_14 : i1 to i32
    %cond3A_16 = arith.constant 0 : i32
    %cond3A_17 = arith.cmpi ne, %convert_element_type3A_15, %cond3A_16 : i32
    scf.if %cond3A_17 {
      "tpu.region"() ({
        %run_scoped3A = tpu.sem_alloc : memref<!tpu.dma_semaphore, #tpu.memory_space<semaphore_mem>>
        %dma_start3A_69 = arith.constant 0 : i32
        %dma_start3A_70 = tpu.memref_slice %arg4[%arg0, %add3A_12, %dma_start3A_69] : memref<2x1250x128xi32, #tpu.memory_space<hbm>> -> memref<1x79x128xi32, #tpu.memory_space<hbm>>
        %dma_start3A_71 = tpu.memref_squeeze %dma_start3A_70 : memref<1x79x128xi32, #tpu.memory_space<hbm>> -> memref<79x128xi32, #tpu.memory_space<hbm>>
        %dma_start3A_72 = arith.constant 0 : i32
        %dma_start3A_73 = tpu.memref_slice %arg4[%arg0, %add3A_12, %dma_start3A_72] : memref<2x1250x128xi32, #tpu.memory_space<hbm>> -> memref<1x79x128xi32, #tpu.memory_space<hbm>>
        %dma_start3A_74 = tpu.memref_squeeze %dma_start3A_73 : memref<1x79x128xi32, #tpu.memory_space<hbm>> -> memref<79x128xi32, #tpu.memory_space<hbm>>
        tpu.enqueue_dma source(%dma_start3A_74 : memref<79x128xi32, #tpu.memory_space<hbm>>) target(%arg8 : memref<79x128xi32, #tpu.memory_space<vmem>>) target_semaphore(%run_scoped3A : memref<!tpu.dma_semaphore, #tpu.memory_space<semaphore_mem>>)
        %dma_wait3A = arith.constant 0 : i32
        %dma_wait3A_75 = tpu.memref_slice %arg4[%arg0, %add3A_12, %dma_wait3A] : memref<2x1250x128xi32, #tpu.memory_space<hbm>> -> memref<1x79x128xi32, #tpu.memory_space<hbm>>
        %dma_wait3A_76 = tpu.memref_squeeze %dma_wait3A_75 : memref<1x79x128xi32, #tpu.memory_space<hbm>> -> memref<79x128xi32, #tpu.memory_space<hbm>>
        %dma_wait3A_77 = arith.constant 0 : i32
        %dma_wait3A_78 = tpu.memref_slice %arg4[%arg0, %add3A_12, %dma_wait3A_77] : memref<2x1250x128xi32, #tpu.memory_space<hbm>> -> memref<1x79x128xi32, #tpu.memory_space<hbm>>
        %dma_wait3A_79 = tpu.memref_squeeze %dma_wait3A_78 : memref<1x79x128xi32, #tpu.memory_space<hbm>> -> memref<79x128xi32, #tpu.memory_space<hbm>>
        tpu.wait_dma2 semaphore(%run_scoped3A : memref<!tpu.dma_semaphore, #tpu.memory_space<semaphore_mem>>) src(%dma_wait3A_79 : memref<79x128xi32, #tpu.memory_space<hbm>>) dst(%arg8 : memref<79x128xi32, #tpu.memory_space<vmem>>)
        tpu.yield
      }) : () -> ()
    } else {
    }
    %ge3A_18 = arith.constant 2 : i32
    %ge3A_19 = arith.cmpi sge, %arg1, %ge3A_18 : i32
    %convert_element_type3A_20 = arith.extui %ge3A_19 : i1 to i32
    %cond3A_21 = arith.constant 0 : i32
    %cond3A_22 = arith.cmpi ne, %convert_element_type3A_20, %cond3A_21 : i32
    scf.if %cond3A_22 {
      "tpu.region"() ({
        %run_scoped3A = tpu.sem_alloc : memref<!tpu.dma_semaphore, #tpu.memory_space<semaphore_mem>>
        %dma_start3A_69 = arith.constant 0 : i32
        %dma_start3A_70 = arith.constant 0 : i32
        %dma_start3A_71 = tpu.memref_slice %arg8[%dma_start3A_69, %dma_start3A_70] : memref<79x128xi32, #tpu.memory_space<vmem>> -> memref<78x128xi32, #tpu.memory_space<vmem>>
        %dma_start3A_72 = arith.constant 0 : i32
        %dma_start3A_73 = tpu.memref_slice %arg4[%arg0, %add3A_12, %dma_start3A_72] : memref<2x1250x128xi32, #tpu.memory_space<hbm>> -> memref<1x78x128xi32, #tpu.memory_space<hbm>>
        %dma_start3A_74 = tpu.memref_squeeze %dma_start3A_73 : memref<1x78x128xi32, #tpu.memory_space<hbm>> -> memref<78x128xi32, #tpu.memory_space<hbm>>
        %dma_start3A_75 = arith.constant 0 : i32
        %dma_start3A_76 = arith.constant 0 : i32
        %dma_start3A_77 = tpu.memref_slice %arg8[%dma_start3A_75, %dma_start3A_76] : memref<79x128xi32, #tpu.memory_space<vmem>> -> memref<78x128xi32, #tpu.memory_space<vmem>>
        %dma_start3A_78 = arith.constant 0 : i32
        %dma_start3A_79 = tpu.memref_slice %arg4[%arg0, %add3A_12, %dma_start3A_78] : memref<2x1250x128xi32, #tpu.memory_space<hbm>> -> memref<1x78x128xi32, #tpu.memory_space<hbm>>
        %dma_start3A_80 = tpu.memref_squeeze %dma_start3A_79 : memref<1x78x128xi32, #tpu.memory_space<hbm>> -> memref<78x128xi32, #tpu.memory_space<hbm>>
        tpu.enqueue_dma source(%dma_start3A_80 : memref<78x128xi32, #tpu.memory_space<hbm>>) target(%dma_start3A_77 : memref<78x128xi32, #tpu.memory_space<vmem>>) target_semaphore(%run_scoped3A : memref<!tpu.dma_semaphore, #tpu.memory_space<semaphore_mem>>)
        %dma_wait3A = arith.constant 0 : i32
        %dma_wait3A_81 = arith.constant 0 : i32
        %dma_wait3A_82 = tpu.memref_slice %arg8[%dma_wait3A, %dma_wait3A_81] : memref<79x128xi32, #tpu.memory_space<vmem>> -> memref<78x128xi32, #tpu.memory_space<vmem>>
        %dma_wait3A_83 = arith.constant 0 : i32
        %dma_wait3A_84 = tpu.memref_slice %arg4[%arg0, %add3A_12, %dma_wait3A_83] : memref<2x1250x128xi32, #tpu.memory_space<hbm>> -> memref<1x78x128xi32, #tpu.memory_space<hbm>>
        %dma_wait3A_85 = tpu.memref_squeeze %dma_wait3A_84 : memref<1x78x128xi32, #tpu.memory_space<hbm>> -> memref<78x128xi32, #tpu.memory_space<hbm>>
        %dma_wait3A_86 = arith.constant 0 : i32
        %dma_wait3A_87 = arith.constant 0 : i32
        %dma_wait3A_88 = tpu.memref_slice %arg8[%dma_wait3A_86, %dma_wait3A_87] : memref<79x128xi32, #tpu.memory_space<vmem>> -> memref<78x128xi32, #tpu.memory_space<vmem>>
        %dma_wait3A_89 = arith.constant 0 : i32
        %dma_wait3A_90 = tpu.memref_slice %arg4[%arg0, %add3A_12, %dma_wait3A_89] : memref<2x1250x128xi32, #tpu.memory_space<hbm>> -> memref<1x78x128xi32, #tpu.memory_space<hbm>>
        %dma_wait3A_91 = tpu.memref_squeeze %dma_wait3A_90 : memref<1x78x128xi32, #tpu.memory_space<hbm>> -> memref<78x128xi32, #tpu.memory_space<hbm>>
        tpu.wait_dma2 semaphore(%run_scoped3A : memref<!tpu.dma_semaphore, #tpu.memory_space<semaphore_mem>>) src(%dma_wait3A_91 : memref<78x128xi32, #tpu.memory_space<hbm>>) dst(%dma_wait3A_88 : memref<78x128xi32, #tpu.memory_space<vmem>>)
        tpu.yield
      }) : () -> ()
    } else {
    }
    %eq3A = arith.constant 0 : i32
    %eq3A_23 = arith.cmpi eq, %arg0, %eq3A : i32
    %convert_element_type3A_24 = arith.extui %eq3A_23 : i1 to i32
    %cond3A_25 = arith.constant 0 : i32
    %cond3A_26 = arith.cmpi ne, %convert_element_type3A_24, %cond3A_25 : i32
    scf.if %cond3A_26 {
      %lt3A_69 = arith.constant 15 : i32
      %lt3A_70 = arith.cmpi slt, %arg1, %lt3A_69 : i32
      %convert_element_type3A_71 = arith.extui %lt3A_70 : i1 to i32
      %cond3A_72 = arith.constant 0 : i32
      %cond3A_73 = arith.cmpi ne, %convert_element_type3A_71, %cond3A_72 : i32
      scf.if %cond3A_73 {
        %mul3A_79 = arith.constant 640 : i32
        %mul3A_80 = arith.muli %arg1, %mul3A_79 : i32
        "tpu.region"() ({
          %run_scoped3A = tpu.sem_alloc : memref<!tpu.dma_semaphore, #tpu.memory_space<semaphore_mem>>
          %dma_start3A_81 = arith.constant 0 : i32
          %dma_start3A_82 = tpu.memref_slice %arg11[%mul3A_80, %dma_start3A_81] : memref<10240x16xf32, #tpu.memory_space<vmem_shared>> -> memref<640x16xf32, #tpu.memory_space<vmem_shared>>
          %dma_start3A_83 = arith.constant 0 : i32
          %dma_start3A_84 = tpu.memref_slice %arg2[%mul3A_80, %dma_start3A_83] : memref<10000x16xf32, #tpu.memory_space<hbm>> -> memref<640x16xf32, #tpu.memory_space<hbm>>
          tpu.enqueue_dma source(%dma_start3A_84 : memref<640x16xf32, #tpu.memory_space<hbm>>) target(%dma_start3A_82 : memref<640x16xf32, #tpu.memory_space<vmem_shared>>) target_semaphore(%run_scoped3A : memref<!tpu.dma_semaphore, #tpu.memory_space<semaphore_mem>>)
          %dma_wait3A = arith.constant 0 : i32
          %dma_wait3A_85 = tpu.memref_slice %arg11[%mul3A_80, %dma_wait3A] : memref<10240x16xf32, #tpu.memory_space<vmem_shared>> -> memref<640x16xf32, #tpu.memory_space<vmem_shared>>
          %dma_wait3A_86 = arith.constant 0 : i32
          %dma_wait3A_87 = tpu.memref_slice %arg2[%mul3A_80, %dma_wait3A_86] : memref<10000x16xf32, #tpu.memory_space<hbm>> -> memref<640x16xf32, #tpu.memory_space<hbm>>
          tpu.wait_dma2 semaphore(%run_scoped3A : memref<!tpu.dma_semaphore, #tpu.memory_space<semaphore_mem>>) src(%dma_wait3A_87 : memref<640x16xf32, #tpu.memory_space<hbm>>) dst(%dma_wait3A_85 : memref<640x16xf32, #tpu.memory_space<vmem_shared>>)
          tpu.yield
        }) : () -> ()
      } else {
      }
      %eq3A_74 = arith.constant 15 : i32
      %eq3A_75 = arith.cmpi eq, %arg1, %eq3A_74 : i32
      %convert_element_type3A_76 = arith.extui %eq3A_75 : i1 to i32
      %cond3A_77 = arith.constant 0 : i32
      %cond3A_78 = arith.cmpi ne, %convert_element_type3A_76, %cond3A_77 : i32
      scf.if %cond3A_78 {
        "tpu.region"() ({
          %run_scoped3A = tpu.sem_alloc : memref<!tpu.dma_semaphore, #tpu.memory_space<semaphore_mem>>
          %dma_start3A_79 = arith.constant 9600 : i32
          %dma_start3A_80 = arith.constant 0 : i32
          %dma_start3A_81 = tpu.memref_slice %arg11[%dma_start3A_79, %dma_start3A_80] : memref<10240x16xf32, #tpu.memory_space<vmem_shared>> -> memref<400x16xf32, #tpu.memory_space<vmem_shared>>
          %dma_start3A_82 = arith.constant 9600 : i32
          %dma_start3A_83 = arith.constant 0 : i32
          %dma_start3A_84 = tpu.memref_slice %arg2[%dma_start3A_82, %dma_start3A_83] : memref<10000x16xf32, #tpu.memory_space<hbm>> -> memref<400x16xf32, #tpu.memory_space<hbm>>
          tpu.enqueue_dma source(%dma_start3A_84 : memref<400x16xf32, #tpu.memory_space<hbm>>) target(%dma_start3A_81 : memref<400x16xf32, #tpu.memory_space<vmem_shared>>) target_semaphore(%run_scoped3A : memref<!tpu.dma_semaphore, #tpu.memory_space<semaphore_mem>>)
          %dma_wait3A = arith.constant 9600 : i32
          %dma_wait3A_85 = arith.constant 0 : i32
          %dma_wait3A_86 = tpu.memref_slice %arg11[%dma_wait3A, %dma_wait3A_85] : memref<10240x16xf32, #tpu.memory_space<vmem_shared>> -> memref<400x16xf32, #tpu.memory_space<vmem_shared>>
          %dma_wait3A_87 = arith.constant 9600 : i32
          %dma_wait3A_88 = arith.constant 0 : i32
          %dma_wait3A_89 = tpu.memref_slice %arg2[%dma_wait3A_87, %dma_wait3A_88] : memref<10000x16xf32, #tpu.memory_space<hbm>> -> memref<400x16xf32, #tpu.memory_space<hbm>>
          tpu.wait_dma2 semaphore(%run_scoped3A : memref<!tpu.dma_semaphore, #tpu.memory_space<semaphore_mem>>) src(%dma_wait3A_89 : memref<400x16xf32, #tpu.memory_space<hbm>>) dst(%dma_wait3A_86 : memref<400x16xf32, #tpu.memory_space<vmem_shared>>)
          tpu.yield
        }) : () -> ()
      } else {
      }
    } else {
    }
    %eq3A_27 = arith.constant 1 : i32
    %eq3A_28 = arith.cmpi eq, %arg0, %eq3A_27 : i32
    %convert_element_type3A_29 = arith.extui %eq3A_28 : i1 to i32
    %cond3A_30 = arith.constant 0 : i32
    %cond3A_31 = arith.cmpi ne, %convert_element_type3A_29, %cond3A_30 : i32
    scf.if %cond3A_31 {
      %lt3A_69 = arith.constant 15 : i32
      %lt3A_70 = arith.cmpi slt, %arg1, %lt3A_69 : i32
      %convert_element_type3A_71 = arith.extui %lt3A_70 : i1 to i32
      %cond3A_72 = arith.constant 0 : i32
      %cond3A_73 = arith.cmpi ne, %convert_element_type3A_71, %cond3A_72 : i32
      scf.if %cond3A_73 {
        %mul3A_79 = arith.constant 640 : i32
        %mul3A_80 = arith.muli %arg1, %mul3A_79 : i32
        "tpu.region"() ({
          %run_scoped3A = tpu.sem_alloc : memref<!tpu.dma_semaphore, #tpu.memory_space<semaphore_mem>>
          %dma_start3A_81 = arith.constant 0 : i32
          %dma_start3A_82 = tpu.memref_slice %arg11[%mul3A_80, %dma_start3A_81] : memref<10240x16xf32, #tpu.memory_space<vmem_shared>> -> memref<640x16xf32, #tpu.memory_space<vmem_shared>>
          %dma_start3A_83 = arith.constant 0 : i32
          %dma_start3A_84 = tpu.memref_slice %arg5[%mul3A_80, %dma_start3A_83] : memref<10000x16xf32, #tpu.memory_space<hbm>> -> memref<640x16xf32, #tpu.memory_space<hbm>>
          tpu.enqueue_dma source(%dma_start3A_84 : memref<640x16xf32, #tpu.memory_space<hbm>>) target(%dma_start3A_82 : memref<640x16xf32, #tpu.memory_space<vmem_shared>>) target_semaphore(%run_scoped3A : memref<!tpu.dma_semaphore, #tpu.memory_space<semaphore_mem>>)
          %dma_wait3A = arith.constant 0 : i32
          %dma_wait3A_85 = tpu.memref_slice %arg11[%mul3A_80, %dma_wait3A] : memref<10240x16xf32, #tpu.memory_space<vmem_shared>> -> memref<640x16xf32, #tpu.memory_space<vmem_shared>>
          %dma_wait3A_86 = arith.constant 0 : i32
          %dma_wait3A_87 = tpu.memref_slice %arg5[%mul3A_80, %dma_wait3A_86] : memref<10000x16xf32, #tpu.memory_space<hbm>> -> memref<640x16xf32, #tpu.memory_space<hbm>>
          tpu.wait_dma2 semaphore(%run_scoped3A : memref<!tpu.dma_semaphore, #tpu.memory_space<semaphore_mem>>) src(%dma_wait3A_87 : memref<640x16xf32, #tpu.memory_space<hbm>>) dst(%dma_wait3A_85 : memref<640x16xf32, #tpu.memory_space<vmem_shared>>)
          tpu.yield
        }) : () -> ()
      } else {
      }
      %eq3A_74 = arith.constant 15 : i32
      %eq3A_75 = arith.cmpi eq, %arg1, %eq3A_74 : i32
      %convert_element_type3A_76 = arith.extui %eq3A_75 : i1 to i32
      %cond3A_77 = arith.constant 0 : i32
      %cond3A_78 = arith.cmpi ne, %convert_element_type3A_76, %cond3A_77 : i32
      scf.if %cond3A_78 {
        "tpu.region"() ({
          %run_scoped3A = tpu.sem_alloc : memref<!tpu.dma_semaphore, #tpu.memory_space<semaphore_mem>>
          %dma_start3A_79 = arith.constant 9600 : i32
          %dma_start3A_80 = arith.constant 0 : i32
          %dma_start3A_81 = tpu.memref_slice %arg11[%dma_start3A_79, %dma_start3A_80] : memref<10240x16xf32, #tpu.memory_space<vmem_shared>> -> memref<400x16xf32, #tpu.memory_space<vmem_shared>>
          %dma_start3A_82 = arith.constant 9600 : i32
          %dma_start3A_83 = arith.constant 0 : i32
          %dma_start3A_84 = tpu.memref_slice %arg5[%dma_start3A_82, %dma_start3A_83] : memref<10000x16xf32, #tpu.memory_space<hbm>> -> memref<400x16xf32, #tpu.memory_space<hbm>>
          tpu.enqueue_dma source(%dma_start3A_84 : memref<400x16xf32, #tpu.memory_space<hbm>>) target(%dma_start3A_81 : memref<400x16xf32, #tpu.memory_space<vmem_shared>>) target_semaphore(%run_scoped3A : memref<!tpu.dma_semaphore, #tpu.memory_space<semaphore_mem>>)
          %dma_wait3A = arith.constant 9600 : i32
          %dma_wait3A_85 = arith.constant 0 : i32
          %dma_wait3A_86 = tpu.memref_slice %arg11[%dma_wait3A, %dma_wait3A_85] : memref<10240x16xf32, #tpu.memory_space<vmem_shared>> -> memref<400x16xf32, #tpu.memory_space<vmem_shared>>
          %dma_wait3A_87 = arith.constant 9600 : i32
          %dma_wait3A_88 = arith.constant 0 : i32
          %dma_wait3A_89 = tpu.memref_slice %arg5[%dma_wait3A_87, %dma_wait3A_88] : memref<10000x16xf32, #tpu.memory_space<hbm>> -> memref<400x16xf32, #tpu.memory_space<hbm>>
          tpu.wait_dma2 semaphore(%run_scoped3A : memref<!tpu.dma_semaphore, #tpu.memory_space<semaphore_mem>>) src(%dma_wait3A_89 : memref<400x16xf32, #tpu.memory_space<hbm>>) dst(%dma_wait3A_86 : memref<400x16xf32, #tpu.memory_space<vmem_shared>>)
          tpu.yield
        }) : () -> ()
      } else {
      }
    } else {
    }
    %barrier3A = arith.constant 0 : index
    tpu.barrier barrier_id(%barrier3A)
    %lt3A_32 = arith.constant 2 : i32
    %lt3A_33 = arith.cmpi slt, %arg1, %lt3A_32 : i32
    %jit3A = arith.constant 79 : i32
    %jit3A_34 = arith.constant 78 : i32
    %select_n3A = arith.select %lt3A_33, %jit3A, %jit3A_34 : i32
    %dma_start3A = arith.constant 0 : i32
    %dma_start3A_35 = arith.constant 0 : i32
    %dma_start3A_36 = tpu.memref_slice %arg7[%dma_start3A, %dma_start3A_35] : memref<79x128xi32, #tpu.memory_space<vmem>> -> memref<1x128xi32, #tpu.memory_space<vmem>>
    %dma_start3A_37 = tpu.memref_squeeze %dma_start3A_36 : memref<1x128xi32, #tpu.memory_space<vmem>> -> memref<128xi32, #tpu.memory_space<vmem>>
    %dma_start3A_38 = arith.constant 0 : i32
    %dma_start3A_39 = arith.constant 0 : i32
    %dma_start3A_40 = tpu.memref_slice %arg2[%dma_start3A_38, %dma_start3A_39] : memref<10000x16xf32, #tpu.memory_space<hbm>> -> memref<10000x16xf32, #tpu.memory_space<hbm>>
    tpu.enqueue_indirect_dma source(%dma_start3A_40 : memref<10000x16xf32, #tpu.memory_space<hbm>>) target(%arg9 : memref<128x16xf32, #tpu.memory_space<vmem>>) offsets(%dma_start3A_37 : memref<128xi32, #tpu.memory_space<vmem>>) semaphore(%arg12 : memref<!tpu.dma_semaphore, #tpu.memory_space<semaphore_mem>>)
    %dma_start3A_41 = arith.constant 1 : i32
    %dma_start3A_42 = arith.constant 0 : i32
    %dma_start3A_43 = tpu.memref_slice %arg7[%dma_start3A_41, %dma_start3A_42] : memref<79x128xi32, #tpu.memory_space<vmem>> -> memref<1x128xi32, #tpu.memory_space<vmem>>
    %dma_start3A_44 = tpu.memref_squeeze %dma_start3A_43 : memref<1x128xi32, #tpu.memory_space<vmem>> -> memref<128xi32, #tpu.memory_space<vmem>>
    %dma_start3A_45 = arith.constant 0 : i32
    %dma_start3A_46 = arith.constant 0 : i32
    %dma_start3A_47 = tpu.memref_slice %arg2[%dma_start3A_45, %dma_start3A_46] : memref<10000x16xf32, #tpu.memory_space<hbm>> -> memref<10000x16xf32, #tpu.memory_space<hbm>>
    tpu.enqueue_indirect_dma source(%dma_start3A_47 : memref<10000x16xf32, #tpu.memory_space<hbm>>) target(%arg10 : memref<128x16xf32, #tpu.memory_space<vmem>>) offsets(%dma_start3A_44 : memref<128xi32, #tpu.memory_space<vmem>>) semaphore(%arg13 : memref<!tpu.dma_semaphore, #tpu.memory_space<semaphore_mem>>)
    %scan3A = arith.constant 0 : i32
    %scan3A_48 = arith.constant 0 : i32
    %scan3A_49 = arith.constant 39 : i32
    %scan3A_50 = arith.addi %scan3A_48, %scan3A_49 : i32
    %scan3A_51 = arith.constant 1 : i32
    scf.for %scan3A_69 = %scan3A_48 to %scan3A_50 step %scan3A_51  : i32 {
      %mul3A_70 = arith.constant 2 : i32
      %mul3A_71 = arith.muli %scan3A_69, %mul3A_70 : i32
      %add3A_72 = arith.constant 0 : i32
      %add3A_73 = arith.addi %mul3A_71, %add3A_72 : i32
      %dma_wait3A = arith.constant 0 : i32
      %dma_wait3A_74 = tpu.memref_slice %arg7[%add3A_73, %dma_wait3A] : memref<79x128xi32, #tpu.memory_space<vmem>> -> memref<1x128xi32, #tpu.memory_space<vmem>>
      %dma_wait3A_75 = tpu.memref_squeeze %dma_wait3A_74 : memref<1x128xi32, #tpu.memory_space<vmem>> -> memref<128xi32, #tpu.memory_space<vmem>>
      %dma_wait3A_76 = arith.constant 0 : i32
      %dma_wait3A_77 = arith.constant 0 : i32
      %dma_wait3A_78 = tpu.memref_slice %arg2[%dma_wait3A_76, %dma_wait3A_77] : memref<10000x16xf32, #tpu.memory_space<hbm>> -> memref<10000x16xf32, #tpu.memory_space<hbm>>
      tpu.wait_indirect_dma semaphore(%arg12 : memref<!tpu.dma_semaphore, #tpu.memory_space<semaphore_mem>>) src(%dma_wait3A_78 : memref<10000x16xf32, #tpu.memory_space<hbm>>) dst(%arg9 : memref<128x16xf32, #tpu.memory_space<vmem>>)
      "tpu.region"() ({
        %run_scoped3A = tpu.sem_alloc : memref<!tpu.dma_semaphore, #tpu.memory_space<semaphore_mem>>
        %dma_start3A_101 = arith.constant 0 : i32
        %dma_start3A_102 = tpu.memref_slice %arg8[%add3A_73, %dma_start3A_101] : memref<79x128xi32, #tpu.memory_space<vmem>> -> memref<1x128xi32, #tpu.memory_space<vmem>>
        %dma_start3A_103 = tpu.memref_squeeze %dma_start3A_102 : memref<1x128xi32, #tpu.memory_space<vmem>> -> memref<128xi32, #tpu.memory_space<vmem>>
        %dma_start3A_104 = arith.constant 0 : i32
        %dma_start3A_105 = arith.constant 0 : i32
        %dma_start3A_106 = tpu.memref_slice %arg11[%dma_start3A_104, %dma_start3A_105] : memref<10240x16xf32, #tpu.memory_space<vmem_shared>> -> memref<10240x16xf32, #tpu.memory_space<vmem_shared>>
        tpu.enqueue_indirect_dma source(%arg9 : memref<128x16xf32, #tpu.memory_space<vmem>>) target(%dma_start3A_106 : memref<10240x16xf32, #tpu.memory_space<vmem_shared>>) offsets(%dma_start3A_103 : memref<128xi32, #tpu.memory_space<vmem>>) semaphore(%run_scoped3A : memref<!tpu.dma_semaphore, #tpu.memory_space<semaphore_mem>>) {add = true}
        %dma_wait3A_107 = arith.constant 0 : i32
        %dma_wait3A_108 = tpu.memref_slice %arg8[%add3A_73, %dma_wait3A_107] : memref<79x128xi32, #tpu.memory_space<vmem>> -> memref<1x128xi32, #tpu.memory_space<vmem>>
        %dma_wait3A_109 = tpu.memref_squeeze %dma_wait3A_108 : memref<1x128xi32, #tpu.memory_space<vmem>> -> memref<128xi32, #tpu.memory_space<vmem>>
        %dma_wait3A_110 = arith.constant 0 : i32
        %dma_wait3A_111 = arith.constant 0 : i32
        %dma_wait3A_112 = tpu.memref_slice %arg11[%dma_wait3A_110, %dma_wait3A_111] : memref<10240x16xf32, #tpu.memory_space<vmem_shared>> -> memref<10240x16xf32, #tpu.memory_space<vmem_shared>>
        tpu.wait_indirect_dma semaphore(%run_scoped3A : memref<!tpu.dma_semaphore, #tpu.memory_space<semaphore_mem>>) src(%arg9 : memref<128x16xf32, #tpu.memory_space<vmem>>) dst(%dma_wait3A_112 : memref<10240x16xf32, #tpu.memory_space<vmem_shared>>)
        tpu.yield
      }) : () -> ()
      %add3A_79 = arith.constant 2 : i32
      %add3A_80 = arith.addi %add3A_73, %add3A_79 : i32
      %lt3A_81 = arith.cmpi slt, %add3A_80, %select_n3A : i32
      %convert_element_type3A_82 = arith.extui %lt3A_81 : i1 to i32
      %cond3A_83 = arith.constant 0 : i32
      %cond3A_84 = arith.cmpi ne, %convert_element_type3A_82, %cond3A_83 : i32
      scf.if %cond3A_84 {
        %add3A_101 = arith.constant 2 : i32
        %add3A_102 = arith.addi %add3A_73, %add3A_101 : i32
        %dma_start3A_103 = arith.constant 0 : i32
        %dma_start3A_104 = tpu.memref_slice %arg7[%add3A_102, %dma_start3A_103] : memref<79x128xi32, #tpu.memory_space<vmem>> -> memref<1x128xi32, #tpu.memory_space<vmem>>
        %dma_start3A_105 = tpu.memref_squeeze %dma_start3A_104 : memref<1x128xi32, #tpu.memory_space<vmem>> -> memref<128xi32, #tpu.memory_space<vmem>>
        %dma_start3A_106 = arith.constant 0 : i32
        %dma_start3A_107 = arith.constant 0 : i32
        %dma_start3A_108 = tpu.memref_slice %arg2[%dma_start3A_106, %dma_start3A_107] : memref<10000x16xf32, #tpu.memory_space<hbm>> -> memref<10000x16xf32, #tpu.memory_space<hbm>>
        tpu.enqueue_indirect_dma source(%dma_start3A_108 : memref<10000x16xf32, #tpu.memory_space<hbm>>) target(%arg9 : memref<128x16xf32, #tpu.memory_space<vmem>>) offsets(%dma_start3A_105 : memref<128xi32, #tpu.memory_space<vmem>>) semaphore(%arg12 : memref<!tpu.dma_semaphore, #tpu.memory_space<semaphore_mem>>)
      } else {
      }
      %mul3A_85 = arith.constant 2 : i32
      %mul3A_86 = arith.muli %scan3A_69, %mul3A_85 : i32
      %add3A_87 = arith.constant 1 : i32
      %add3A_88 = arith.addi %mul3A_86, %add3A_87 : i32
      %dma_wait3A_89 = arith.constant 0 : i32
      %dma_wait3A_90 = tpu.memref_slice %arg7[%add3A_88, %dma_wait3A_89] : memref<79x128xi32, #tpu.memory_space<vmem>> -> memref<1x128xi32, #tpu.memory_space<vmem>>
      %dma_wait3A_91 = tpu.memref_squeeze %dma_wait3A_90 : memref<1x128xi32, #tpu.memory_space<vmem>> -> memref<128xi32, #tpu.memory_space<vmem>>
      %dma_wait3A_92 = arith.constant 0 : i32
      %dma_wait3A_93 = arith.constant 0 : i32
      %dma_wait3A_94 = tpu.memref_slice %arg2[%dma_wait3A_92, %dma_wait3A_93] : memref<10000x16xf32, #tpu.memory_space<hbm>> -> memref<10000x16xf32, #tpu.memory_space<hbm>>
      tpu.wait_indirect_dma semaphore(%arg13 : memref<!tpu.dma_semaphore, #tpu.memory_space<semaphore_mem>>) src(%dma_wait3A_94 : memref<10000x16xf32, #tpu.memory_space<hbm>>) dst(%arg10 : memref<128x16xf32, #tpu.memory_space<vmem>>)
      "tpu.region"() ({
        %run_scoped3A = tpu.sem_alloc : memref<!tpu.dma_semaphore, #tpu.memory_space<semaphore_mem>>
        %dma_start3A_101 = arith.constant 0 : i32
        %dma_start3A_102 = tpu.memref_slice %arg8[%add3A_88, %dma_start3A_101] : memref<79x128xi32, #tpu.memory_space<vmem>> -> memref<1x128xi32, #tpu.memory_space<vmem>>
        %dma_start3A_103 = tpu.memref_squeeze %dma_start3A_102 : memref<1x128xi32, #tpu.memory_space<vmem>> -> memref<128xi32, #tpu.memory_space<vmem>>
        %dma_start3A_104 = arith.constant 0 : i32
        %dma_start3A_105 = arith.constant 0 : i32
        %dma_start3A_106 = tpu.memref_slice %arg11[%dma_start3A_104, %dma_start3A_105] : memref<10240x16xf32, #tpu.memory_space<vmem_shared>> -> memref<10240x16xf32, #tpu.memory_space<vmem_shared>>
        tpu.enqueue_indirect_dma source(%arg10 : memref<128x16xf32, #tpu.memory_space<vmem>>) target(%dma_start3A_106 : memref<10240x16xf32, #tpu.memory_space<vmem_shared>>) offsets(%dma_start3A_103 : memref<128xi32, #tpu.memory_space<vmem>>) semaphore(%run_scoped3A : memref<!tpu.dma_semaphore, #tpu.memory_space<semaphore_mem>>) {add = true}
        %dma_wait3A_107 = arith.constant 0 : i32
        %dma_wait3A_108 = tpu.memref_slice %arg8[%add3A_88, %dma_wait3A_107] : memref<79x128xi32, #tpu.memory_space<vmem>> -> memref<1x128xi32, #tpu.memory_space<vmem>>
        %dma_wait3A_109 = tpu.memref_squeeze %dma_wait3A_108 : memref<1x128xi32, #tpu.memory_space<vmem>> -> memref<128xi32, #tpu.memory_space<vmem>>
        %dma_wait3A_110 = arith.constant 0 : i32
        %dma_wait3A_111 = arith.constant 0 : i32
        %dma_wait3A_112 = tpu.memref_slice %arg11[%dma_wait3A_110, %dma_wait3A_111] : memref<10240x16xf32, #tpu.memory_space<vmem_shared>> -> memref<10240x16xf32, #tpu.memory_space<vmem_shared>>
        tpu.wait_indirect_dma semaphore(%run_scoped3A : memref<!tpu.dma_semaphore, #tpu.memory_space<semaphore_mem>>) src(%arg10 : memref<128x16xf32, #tpu.memory_space<vmem>>) dst(%dma_wait3A_112 : memref<10240x16xf32, #tpu.memory_space<vmem_shared>>)
        tpu.yield
      }) : () -> ()
      %add3A_95 = arith.constant 2 : i32
      %add3A_96 = arith.addi %add3A_88, %add3A_95 : i32
      %lt3A_97 = arith.cmpi slt, %add3A_96, %select_n3A : i32
      %convert_element_type3A_98 = arith.extui %lt3A_97 : i1 to i32
      %cond3A_99 = arith.constant 0 : i32
      %cond3A_100 = arith.cmpi ne, %convert_element_type3A_98, %cond3A_99 : i32
      scf.if %cond3A_100 {
        %add3A_101 = arith.constant 2 : i32
        %add3A_102 = arith.addi %add3A_88, %add3A_101 : i32
        %dma_start3A_103 = arith.constant 0 : i32
        %dma_start3A_104 = tpu.memref_slice %arg7[%add3A_102, %dma_start3A_103] : memref<79x128xi32, #tpu.memory_space<vmem>> -> memref<1x128xi32, #tpu.memory_space<vmem>>
        %dma_start3A_105 = tpu.memref_squeeze %dma_start3A_104 : memref<1x128xi32, #tpu.memory_space<vmem>> -> memref<128xi32, #tpu.memory_space<vmem>>
        %dma_start3A_106 = arith.constant 0 : i32
        %dma_start3A_107 = arith.constant 0 : i32
        %dma_start3A_108 = tpu.memref_slice %arg2[%dma_start3A_106, %dma_start3A_107] : memref<10000x16xf32, #tpu.memory_space<hbm>> -> memref<10000x16xf32, #tpu.memory_space<hbm>>
        tpu.enqueue_indirect_dma source(%dma_start3A_108 : memref<10000x16xf32, #tpu.memory_space<hbm>>) target(%arg10 : memref<128x16xf32, #tpu.memory_space<vmem>>) offsets(%dma_start3A_105 : memref<128xi32, #tpu.memory_space<vmem>>) semaphore(%arg13 : memref<!tpu.dma_semaphore, #tpu.memory_space<semaphore_mem>>)
      } else {
      }
    }
    %scan3A_52 = arith.constant 39 : i32
    %lt3A_53 = arith.constant 2 : i32
    %lt3A_54 = arith.cmpi slt, %arg1, %lt3A_53 : i32
    %convert_element_type3A_55 = arith.extui %lt3A_54 : i1 to i32
    %cond3A_56 = arith.constant 0 : i32
    %cond3A_57 = arith.cmpi ne, %convert_element_type3A_55, %cond3A_56 : i32
    scf.if %cond3A_57 {
      %dma_wait3A = arith.constant 78 : i32
      %dma_wait3A_69 = arith.constant 0 : i32
      %dma_wait3A_70 = tpu.memref_slice %arg7[%dma_wait3A, %dma_wait3A_69] : memref<79x128xi32, #tpu.memory_space<vmem>> -> memref<1x128xi32, #tpu.memory_space<vmem>>
      %dma_wait3A_71 = tpu.memref_squeeze %dma_wait3A_70 : memref<1x128xi32, #tpu.memory_space<vmem>> -> memref<128xi32, #tpu.memory_space<vmem>>
      %dma_wait3A_72 = arith.constant 0 : i32
      %dma_wait3A_73 = arith.constant 0 : i32
      %dma_wait3A_74 = tpu.memref_slice %arg2[%dma_wait3A_72, %dma_wait3A_73] : memref<10000x16xf32, #tpu.memory_space<hbm>> -> memref<10000x16xf32, #tpu.memory_space<hbm>>
      tpu.wait_indirect_dma semaphore(%arg12 : memref<!tpu.dma_semaphore, #tpu.memory_space<semaphore_mem>>) src(%dma_wait3A_74 : memref<10000x16xf32, #tpu.memory_space<hbm>>) dst(%arg9 : memref<128x16xf32, #tpu.memory_space<vmem>>)
      %run_scoped3A = arith.constant 78 : i32
      "tpu.region"() ({
        %run_scoped3A_75 = tpu.sem_alloc : memref<!tpu.dma_semaphore, #tpu.memory_space<semaphore_mem>>
        %dma_start3A_76 = arith.constant 0 : i32
        %dma_start3A_77 = tpu.memref_slice %arg8[%run_scoped3A, %dma_start3A_76] : memref<79x128xi32, #tpu.memory_space<vmem>> -> memref<1x128xi32, #tpu.memory_space<vmem>>
        %dma_start3A_78 = tpu.memref_squeeze %dma_start3A_77 : memref<1x128xi32, #tpu.memory_space<vmem>> -> memref<128xi32, #tpu.memory_space<vmem>>
        %dma_start3A_79 = arith.constant 0 : i32
        %dma_start3A_80 = arith.constant 0 : i32
        %dma_start3A_81 = tpu.memref_slice %arg11[%dma_start3A_79, %dma_start3A_80] : memref<10240x16xf32, #tpu.memory_space<vmem_shared>> -> memref<10240x16xf32, #tpu.memory_space<vmem_shared>>
        tpu.enqueue_indirect_dma source(%arg9 : memref<128x16xf32, #tpu.memory_space<vmem>>) target(%dma_start3A_81 : memref<10240x16xf32, #tpu.memory_space<vmem_shared>>) offsets(%dma_start3A_78 : memref<128xi32, #tpu.memory_space<vmem>>) semaphore(%run_scoped3A_75 : memref<!tpu.dma_semaphore, #tpu.memory_space<semaphore_mem>>) {add = true}
        %dma_wait3A_82 = arith.constant 0 : i32
        %dma_wait3A_83 = tpu.memref_slice %arg8[%run_scoped3A, %dma_wait3A_82] : memref<79x128xi32, #tpu.memory_space<vmem>> -> memref<1x128xi32, #tpu.memory_space<vmem>>
        %dma_wait3A_84 = tpu.memref_squeeze %dma_wait3A_83 : memref<1x128xi32, #tpu.memory_space<vmem>> -> memref<128xi32, #tpu.memory_space<vmem>>
        %dma_wait3A_85 = arith.constant 0 : i32
        %dma_wait3A_86 = arith.constant 0 : i32
        %dma_wait3A_87 = tpu.memref_slice %arg11[%dma_wait3A_85, %dma_wait3A_86] : memref<10240x16xf32, #tpu.memory_space<vmem_shared>> -> memref<10240x16xf32, #tpu.memory_space<vmem_shared>>
        tpu.wait_indirect_dma semaphore(%run_scoped3A_75 : memref<!tpu.dma_semaphore, #tpu.memory_space<semaphore_mem>>) src(%arg9 : memref<128x16xf32, #tpu.memory_space<vmem>>) dst(%dma_wait3A_87 : memref<10240x16xf32, #tpu.memory_space<vmem_shared>>)
        tpu.yield
      }) : () -> ()
    } else {
    }
    %barrier3A_58 = arith.constant 0 : index
    tpu.barrier barrier_id(%barrier3A_58)
    %lt3A_59 = arith.constant 15 : i32
    %lt3A_60 = arith.cmpi slt, %arg1, %lt3A_59 : i32
    %convert_element_type3A_61 = arith.extui %lt3A_60 : i1 to i32
    %cond3A_62 = arith.constant 0 : i32
    %cond3A_63 = arith.cmpi ne, %convert_element_type3A_61, %cond3A_62 : i32
    scf.if %cond3A_63 {
      %mul3A_69 = arith.constant 640 : i32
      %mul3A_70 = arith.muli %arg1, %mul3A_69 : i32
      "tpu.region"() ({
        %run_scoped3A = tpu.sem_alloc : memref<!tpu.dma_semaphore, #tpu.memory_space<semaphore_mem>>
        %dma_start3A_71 = arith.constant 0 : i32
        %dma_start3A_72 = tpu.memref_slice %arg6[%arg0, %mul3A_70, %dma_start3A_71] : memref<2x10000x16xf32, #tpu.memory_space<hbm>> -> memref<1x640x16xf32, #tpu.memory_space<hbm>>
        %dma_start3A_73 = tpu.memref_squeeze %dma_start3A_72 : memref<1x640x16xf32, #tpu.memory_space<hbm>> -> memref<640x16xf32, #tpu.memory_space<hbm>>
        %dma_start3A_74 = arith.constant 0 : i32
        %dma_start3A_75 = tpu.memref_slice %arg11[%mul3A_70, %dma_start3A_74] : memref<10240x16xf32, #tpu.memory_space<vmem_shared>> -> memref<640x16xf32, #tpu.memory_space<vmem_shared>>
        tpu.enqueue_dma source(%dma_start3A_75 : memref<640x16xf32, #tpu.memory_space<vmem_shared>>) target(%dma_start3A_73 : memref<640x16xf32, #tpu.memory_space<hbm>>) target_semaphore(%run_scoped3A : memref<!tpu.dma_semaphore, #tpu.memory_space<semaphore_mem>>)
        %dma_wait3A = arith.constant 0 : i32
        %dma_wait3A_76 = tpu.memref_slice %arg6[%arg0, %mul3A_70, %dma_wait3A] : memref<2x10000x16xf32, #tpu.memory_space<hbm>> -> memref<1x640x16xf32, #tpu.memory_space<hbm>>
        %dma_wait3A_77 = tpu.memref_squeeze %dma_wait3A_76 : memref<1x640x16xf32, #tpu.memory_space<hbm>> -> memref<640x16xf32, #tpu.memory_space<hbm>>
        %dma_wait3A_78 = arith.constant 0 : i32
        %dma_wait3A_79 = tpu.memref_slice %arg11[%mul3A_70, %dma_wait3A_78] : memref<10240x16xf32, #tpu.memory_space<vmem_shared>> -> memref<640x16xf32, #tpu.memory_space<vmem_shared>>
        tpu.wait_dma2 semaphore(%run_scoped3A : memref<!tpu.dma_semaphore, #tpu.memory_space<semaphore_mem>>) src(%dma_wait3A_79 : memref<640x16xf32, #tpu.memory_space<vmem_shared>>) dst(%dma_wait3A_77 : memref<640x16xf32, #tpu.memory_space<hbm>>)
        tpu.yield
      }) : () -> ()
    } else {
    }
    %eq3A_64 = arith.constant 15 : i32
    %eq3A_65 = arith.cmpi eq, %arg1, %eq3A_64 : i32
    %convert_element_type3A_66 = arith.extui %eq3A_65 : i1 to i32
    %cond3A_67 = arith.constant 0 : i32
    %cond3A_68 = arith.cmpi ne, %convert_element_type3A_66, %cond3A_67 : i32
    scf.if %cond3A_68 {
      "tpu.region"() ({
        %run_scoped3A = tpu.sem_alloc : memref<!tpu.dma_semaphore, #tpu.memory_space<semaphore_mem>>
        %dma_start3A_69 = arith.constant 9600 : i32
        %dma_start3A_70 = arith.constant 0 : i32
        %dma_start3A_71 = tpu.memref_slice %arg6[%arg0, %dma_start3A_69, %dma_start3A_70] : memref<2x10000x16xf32, #tpu.memory_space<hbm>> -> memref<1x400x16xf32, #tpu.memory_space<hbm>>
        %dma_start3A_72 = tpu.memref_squeeze %dma_start3A_71 : memref<1x400x16xf32, #tpu.memory_space<hbm>> -> memref<400x16xf32, #tpu.memory_space<hbm>>
        %dma_start3A_73 = arith.constant 9600 : i32
        %dma_start3A_74 = arith.constant 0 : i32
        %dma_start3A_75 = tpu.memref_slice %arg11[%dma_start3A_73, %dma_start3A_74] : memref<10240x16xf32, #tpu.memory_space<vmem_shared>> -> memref<400x16xf32, #tpu.memory_space<vmem_shared>>
        tpu.enqueue_dma source(%dma_start3A_75 : memref<400x16xf32, #tpu.memory_space<vmem_shared>>) target(%dma_start3A_72 : memref<400x16xf32, #tpu.memory_space<hbm>>) target_semaphore(%run_scoped3A : memref<!tpu.dma_semaphore, #tpu.memory_space<semaphore_mem>>)
        %dma_wait3A = arith.constant 9600 : i32
        %dma_wait3A_76 = arith.constant 0 : i32
        %dma_wait3A_77 = tpu.memref_slice %arg6[%arg0, %dma_wait3A, %dma_wait3A_76] : memref<2x10000x16xf32, #tpu.memory_space<hbm>> -> memref<1x400x16xf32, #tpu.memory_space<hbm>>
        %dma_wait3A_78 = tpu.memref_squeeze %dma_wait3A_77 : memref<1x400x16xf32, #tpu.memory_space<hbm>> -> memref<400x16xf32, #tpu.memory_space<hbm>>
        %dma_wait3A_79 = arith.constant 9600 : i32
        %dma_wait3A_80 = arith.constant 0 : i32
        %dma_wait3A_81 = tpu.memref_slice %arg11[%dma_wait3A_79, %dma_wait3A_80] : memref<10240x16xf32, #tpu.memory_space<vmem_shared>> -> memref<400x16xf32, #tpu.memory_space<vmem_shared>>
        tpu.wait_dma2 semaphore(%run_scoped3A : memref<!tpu.dma_semaphore, #tpu.memory_space<semaphore_mem>>) src(%dma_wait3A_81 : memref<400x16xf32, #tpu.memory_space<vmem_shared>>) dst(%dma_wait3A_78 : memref<400x16xf32, #tpu.memory_space<hbm>>)
        tpu.yield
      }) : () -> ()
    } else {
    }
    return
  }
}

#map = affine_map<(d0, d1) -> (0, 0, 0)>
#map1 = affine_map<(d0, d1) -> (0, 0)>
module attributes {stable_mosaic.version = 14 : i64} {
  func.func @_deg_body(%arg0: i32, %arg1: i32, %arg2: memref<2x1250x128xi32, #tpu.memory_space<hbm>>, %arg3: memref<640x16xf32, #tpu.memory_space<hbm>>, %arg4: memref<128x16xf32, #tpu.memory_space<hbm>>, %arg5: memref<2x10240x16xf32, #tpu.memory_space<hbm>>, %arg6: memref<79x128xi32, #tpu.memory_space<vmem>>, %arg7: memref<128x16xf32, #tpu.memory_space<vmem>>, %arg8: memref<10240x16xf32, #tpu.memory_space<vmem_shared>>, %arg9: memref<!tpu.dma_semaphore, #tpu.memory_space<semaphore_mem>>) attributes {dimension_semantics = [#tpu.dimension_semantics<core_parallel>, #tpu.dimension_semantics<subcore_parallel>], iteration_bounds = array<i64: 2, 16>, scalar_prefetch = 0 : i64, scratch_operands = 4 : i64, tpu.core_type = #tpu.core_type<sc_vector_subcore>, window_params = [{transform_indices = #map}, {transform_indices = #map1}, {transform_indices = #map1}, {transform_indices = #map}]} {
    %mul3A = arith.constant 78 : i32
    %mul3A_0 = arith.muli %arg1, %mul3A : i32
    %min3A = arith.constant 2 : i32
    %min3A_1 = arith.minsi %arg1, %min3A : i32
    %add3A = arith.addi %mul3A_0, %min3A_1 : i32
    %lt3A = arith.constant 2 : i32
    %lt3A_2 = arith.cmpi slt, %arg1, %lt3A : i32
    %convert_element_type3A = arith.extui %lt3A_2 : i1 to i32
    %cond3A = arith.constant 0 : i32
    %cond3A_3 = arith.cmpi ne, %convert_element_type3A, %cond3A : i32
    scf.if %cond3A_3 {
      "tpu.region"() ({
        %run_scoped3A = tpu.sem_alloc : memref<!tpu.dma_semaphore, #tpu.memory_space<semaphore_mem>>
        %dma_start3A = arith.constant 0 : i32
        %dma_start3A_29 = tpu.memref_slice %arg2[%arg0, %add3A, %dma_start3A] : memref<2x1250x128xi32, #tpu.memory_space<hbm>> -> memref<1x79x128xi32, #tpu.memory_space<hbm>>
        %dma_start3A_30 = tpu.memref_squeeze %dma_start3A_29 : memref<1x79x128xi32, #tpu.memory_space<hbm>> -> memref<79x128xi32, #tpu.memory_space<hbm>>
        %dma_start3A_31 = arith.constant 0 : i32
        %dma_start3A_32 = tpu.memref_slice %arg2[%arg0, %add3A, %dma_start3A_31] : memref<2x1250x128xi32, #tpu.memory_space<hbm>> -> memref<1x79x128xi32, #tpu.memory_space<hbm>>
        %dma_start3A_33 = tpu.memref_squeeze %dma_start3A_32 : memref<1x79x128xi32, #tpu.memory_space<hbm>> -> memref<79x128xi32, #tpu.memory_space<hbm>>
        tpu.enqueue_dma source(%dma_start3A_33 : memref<79x128xi32, #tpu.memory_space<hbm>>) target(%arg6 : memref<79x128xi32, #tpu.memory_space<vmem>>) target_semaphore(%run_scoped3A : memref<!tpu.dma_semaphore, #tpu.memory_space<semaphore_mem>>)
        %dma_wait3A = arith.constant 0 : i32
        %dma_wait3A_34 = tpu.memref_slice %arg2[%arg0, %add3A, %dma_wait3A] : memref<2x1250x128xi32, #tpu.memory_space<hbm>> -> memref<1x79x128xi32, #tpu.memory_space<hbm>>
        %dma_wait3A_35 = tpu.memref_squeeze %dma_wait3A_34 : memref<1x79x128xi32, #tpu.memory_space<hbm>> -> memref<79x128xi32, #tpu.memory_space<hbm>>
        %dma_wait3A_36 = arith.constant 0 : i32
        %dma_wait3A_37 = tpu.memref_slice %arg2[%arg0, %add3A, %dma_wait3A_36] : memref<2x1250x128xi32, #tpu.memory_space<hbm>> -> memref<1x79x128xi32, #tpu.memory_space<hbm>>
        %dma_wait3A_38 = tpu.memref_squeeze %dma_wait3A_37 : memref<1x79x128xi32, #tpu.memory_space<hbm>> -> memref<79x128xi32, #tpu.memory_space<hbm>>
        tpu.wait_dma2 semaphore(%run_scoped3A : memref<!tpu.dma_semaphore, #tpu.memory_space<semaphore_mem>>) src(%dma_wait3A_38 : memref<79x128xi32, #tpu.memory_space<hbm>>) dst(%arg6 : memref<79x128xi32, #tpu.memory_space<vmem>>)
        tpu.yield
      }) : () -> ()
    } else {
    }
    %ge3A = arith.constant 2 : i32
    %ge3A_4 = arith.cmpi sge, %arg1, %ge3A : i32
    %convert_element_type3A_5 = arith.extui %ge3A_4 : i1 to i32
    %cond3A_6 = arith.constant 0 : i32
    %cond3A_7 = arith.cmpi ne, %convert_element_type3A_5, %cond3A_6 : i32
    scf.if %cond3A_7 {
      "tpu.region"() ({
        %run_scoped3A = tpu.sem_alloc : memref<!tpu.dma_semaphore, #tpu.memory_space<semaphore_mem>>
        %dma_start3A = arith.constant 0 : i32
        %dma_start3A_29 = arith.constant 0 : i32
        %dma_start3A_30 = tpu.memref_slice %arg6[%dma_start3A, %dma_start3A_29] : memref<79x128xi32, #tpu.memory_space<vmem>> -> memref<78x128xi32, #tpu.memory_space<vmem>>
        %dma_start3A_31 = arith.constant 0 : i32
        %dma_start3A_32 = tpu.memref_slice %arg2[%arg0, %add3A, %dma_start3A_31] : memref<2x1250x128xi32, #tpu.memory_space<hbm>> -> memref<1x78x128xi32, #tpu.memory_space<hbm>>
        %dma_start3A_33 = tpu.memref_squeeze %dma_start3A_32 : memref<1x78x128xi32, #tpu.memory_space<hbm>> -> memref<78x128xi32, #tpu.memory_space<hbm>>
        %dma_start3A_34 = arith.constant 0 : i32
        %dma_start3A_35 = arith.constant 0 : i32
        %dma_start3A_36 = tpu.memref_slice %arg6[%dma_start3A_34, %dma_start3A_35] : memref<79x128xi32, #tpu.memory_space<vmem>> -> memref<78x128xi32, #tpu.memory_space<vmem>>
        %dma_start3A_37 = arith.constant 0 : i32
        %dma_start3A_38 = tpu.memref_slice %arg2[%arg0, %add3A, %dma_start3A_37] : memref<2x1250x128xi32, #tpu.memory_space<hbm>> -> memref<1x78x128xi32, #tpu.memory_space<hbm>>
        %dma_start3A_39 = tpu.memref_squeeze %dma_start3A_38 : memref<1x78x128xi32, #tpu.memory_space<hbm>> -> memref<78x128xi32, #tpu.memory_space<hbm>>
        tpu.enqueue_dma source(%dma_start3A_39 : memref<78x128xi32, #tpu.memory_space<hbm>>) target(%dma_start3A_36 : memref<78x128xi32, #tpu.memory_space<vmem>>) target_semaphore(%run_scoped3A : memref<!tpu.dma_semaphore, #tpu.memory_space<semaphore_mem>>)
        %dma_wait3A = arith.constant 0 : i32
        %dma_wait3A_40 = arith.constant 0 : i32
        %dma_wait3A_41 = tpu.memref_slice %arg6[%dma_wait3A, %dma_wait3A_40] : memref<79x128xi32, #tpu.memory_space<vmem>> -> memref<78x128xi32, #tpu.memory_space<vmem>>
        %dma_wait3A_42 = arith.constant 0 : i32
        %dma_wait3A_43 = tpu.memref_slice %arg2[%arg0, %add3A, %dma_wait3A_42] : memref<2x1250x128xi32, #tpu.memory_space<hbm>> -> memref<1x78x128xi32, #tpu.memory_space<hbm>>
        %dma_wait3A_44 = tpu.memref_squeeze %dma_wait3A_43 : memref<1x78x128xi32, #tpu.memory_space<hbm>> -> memref<78x128xi32, #tpu.memory_space<hbm>>
        %dma_wait3A_45 = arith.constant 0 : i32
        %dma_wait3A_46 = arith.constant 0 : i32
        %dma_wait3A_47 = tpu.memref_slice %arg6[%dma_wait3A_45, %dma_wait3A_46] : memref<79x128xi32, #tpu.memory_space<vmem>> -> memref<78x128xi32, #tpu.memory_space<vmem>>
        %dma_wait3A_48 = arith.constant 0 : i32
        %dma_wait3A_49 = tpu.memref_slice %arg2[%arg0, %add3A, %dma_wait3A_48] : memref<2x1250x128xi32, #tpu.memory_space<hbm>> -> memref<1x78x128xi32, #tpu.memory_space<hbm>>
        %dma_wait3A_50 = tpu.memref_squeeze %dma_wait3A_49 : memref<1x78x128xi32, #tpu.memory_space<hbm>> -> memref<78x128xi32, #tpu.memory_space<hbm>>
        tpu.wait_dma2 semaphore(%run_scoped3A : memref<!tpu.dma_semaphore, #tpu.memory_space<semaphore_mem>>) src(%dma_wait3A_50 : memref<78x128xi32, #tpu.memory_space<hbm>>) dst(%dma_wait3A_47 : memref<78x128xi32, #tpu.memory_space<vmem>>)
        tpu.yield
      }) : () -> ()
    } else {
    }
    "tpu.region"() ({
      %run_scoped3A = tpu.sem_alloc : memref<!tpu.dma_semaphore, #tpu.memory_space<semaphore_mem>>
      tpu.enqueue_dma source(%arg4 : memref<128x16xf32, #tpu.memory_space<hbm>>) target(%arg7 : memref<128x16xf32, #tpu.memory_space<vmem>>) target_semaphore(%run_scoped3A : memref<!tpu.dma_semaphore, #tpu.memory_space<semaphore_mem>>)
      tpu.wait_dma2 semaphore(%run_scoped3A : memref<!tpu.dma_semaphore, #tpu.memory_space<semaphore_mem>>) src(%arg4 : memref<128x16xf32, #tpu.memory_space<hbm>>) dst(%arg7 : memref<128x16xf32, #tpu.memory_space<vmem>>)
      tpu.yield
    }) : () -> ()
    %mul3A_8 = arith.constant 640 : i32
    %mul3A_9 = arith.muli %arg1, %mul3A_8 : i32
    "tpu.region"() ({
      %run_scoped3A = tpu.sem_alloc : memref<!tpu.dma_semaphore, #tpu.memory_space<semaphore_mem>>
      %dma_start3A = arith.constant 0 : i32
      %dma_start3A_29 = tpu.memref_slice %arg8[%mul3A_9, %dma_start3A] : memref<10240x16xf32, #tpu.memory_space<vmem_shared>> -> memref<640x16xf32, #tpu.memory_space<vmem_shared>>
      tpu.enqueue_dma source(%arg3 : memref<640x16xf32, #tpu.memory_space<hbm>>) target(%dma_start3A_29 : memref<640x16xf32, #tpu.memory_space<vmem_shared>>) target_semaphore(%run_scoped3A : memref<!tpu.dma_semaphore, #tpu.memory_space<semaphore_mem>>)
      %dma_wait3A = arith.constant 0 : i32
      %dma_wait3A_30 = tpu.memref_slice %arg8[%mul3A_9, %dma_wait3A] : memref<10240x16xf32, #tpu.memory_space<vmem_shared>> -> memref<640x16xf32, #tpu.memory_space<vmem_shared>>
      tpu.wait_dma2 semaphore(%run_scoped3A : memref<!tpu.dma_semaphore, #tpu.memory_space<semaphore_mem>>) src(%arg3 : memref<640x16xf32, #tpu.memory_space<hbm>>) dst(%dma_wait3A_30 : memref<640x16xf32, #tpu.memory_space<vmem_shared>>)
      tpu.yield
    }) : () -> ()
    %barrier3A = arith.constant 0 : index
    tpu.barrier barrier_id(%barrier3A)
    %scan3A = arith.constant 0 : i32
    %scan3A_10 = arith.constant 0 : i32
    %scan3A_11 = arith.constant 76 : i32
    %scan3A_12 = arith.addi %scan3A_10, %scan3A_11 : i32
    %scan3A_13 = arith.constant 4 : i32
    scf.for %scan3A_29 = %scan3A_10 to %scan3A_12 step %scan3A_13  : i32 {
      "tpu.region"() ({
        %run_scoped3A = tpu.sem_alloc : memref<!tpu.dma_semaphore, #tpu.memory_space<semaphore_mem>>
        %dma_start3A = arith.constant 0 : i32
        %dma_start3A_36 = tpu.memref_slice %arg6[%scan3A_29, %dma_start3A] : memref<79x128xi32, #tpu.memory_space<vmem>> -> memref<1x128xi32, #tpu.memory_space<vmem>>
        %dma_start3A_37 = tpu.memref_squeeze %dma_start3A_36 : memref<1x128xi32, #tpu.memory_space<vmem>> -> memref<128xi32, #tpu.memory_space<vmem>>
        %dma_start3A_38 = arith.constant 0 : i32
        %dma_start3A_39 = arith.constant 0 : i32
        %dma_start3A_40 = tpu.memref_slice %arg8[%dma_start3A_38, %dma_start3A_39] : memref<10240x16xf32, #tpu.memory_space<vmem_shared>> -> memref<10240x16xf32, #tpu.memory_space<vmem_shared>>
        tpu.enqueue_indirect_dma source(%arg7 : memref<128x16xf32, #tpu.memory_space<vmem>>) target(%dma_start3A_40 : memref<10240x16xf32, #tpu.memory_space<vmem_shared>>) offsets(%dma_start3A_37 : memref<128xi32, #tpu.memory_space<vmem>>) semaphore(%run_scoped3A : memref<!tpu.dma_semaphore, #tpu.memory_space<semaphore_mem>>) {add = true}
        %dma_wait3A = arith.constant 0 : i32
        %dma_wait3A_41 = tpu.memref_slice %arg6[%scan3A_29, %dma_wait3A] : memref<79x128xi32, #tpu.memory_space<vmem>> -> memref<1x128xi32, #tpu.memory_space<vmem>>
        %dma_wait3A_42 = tpu.memref_squeeze %dma_wait3A_41 : memref<1x128xi32, #tpu.memory_space<vmem>> -> memref<128xi32, #tpu.memory_space<vmem>>
        %dma_wait3A_43 = arith.constant 0 : i32
        %dma_wait3A_44 = arith.constant 0 : i32
        %dma_wait3A_45 = tpu.memref_slice %arg8[%dma_wait3A_43, %dma_wait3A_44] : memref<10240x16xf32, #tpu.memory_space<vmem_shared>> -> memref<10240x16xf32, #tpu.memory_space<vmem_shared>>
        tpu.wait_indirect_dma semaphore(%run_scoped3A : memref<!tpu.dma_semaphore, #tpu.memory_space<semaphore_mem>>) src(%arg7 : memref<128x16xf32, #tpu.memory_space<vmem>>) dst(%dma_wait3A_45 : memref<10240x16xf32, #tpu.memory_space<vmem_shared>>)
        tpu.yield
      }) : () -> ()
      %scan3A_30 = arith.constant 1 : i32
      %scan3A_31 = arith.addi %scan3A_29, %scan3A_30 : i32
      "tpu.region"() ({
        %run_scoped3A = tpu.sem_alloc : memref<!tpu.dma_semaphore, #tpu.memory_space<semaphore_mem>>
        %dma_start3A = arith.constant 0 : i32
        %dma_start3A_36 = tpu.memref_slice %arg6[%scan3A_31, %dma_start3A] : memref<79x128xi32, #tpu.memory_space<vmem>> -> memref<1x128xi32, #tpu.memory_space<vmem>>
        %dma_start3A_37 = tpu.memref_squeeze %dma_start3A_36 : memref<1x128xi32, #tpu.memory_space<vmem>> -> memref<128xi32, #tpu.memory_space<vmem>>
        %dma_start3A_38 = arith.constant 0 : i32
        %dma_start3A_39 = arith.constant 0 : i32
        %dma_start3A_40 = tpu.memref_slice %arg8[%dma_start3A_38, %dma_start3A_39] : memref<10240x16xf32, #tpu.memory_space<vmem_shared>> -> memref<10240x16xf32, #tpu.memory_space<vmem_shared>>
        tpu.enqueue_indirect_dma source(%arg7 : memref<128x16xf32, #tpu.memory_space<vmem>>) target(%dma_start3A_40 : memref<10240x16xf32, #tpu.memory_space<vmem_shared>>) offsets(%dma_start3A_37 : memref<128xi32, #tpu.memory_space<vmem>>) semaphore(%run_scoped3A : memref<!tpu.dma_semaphore, #tpu.memory_space<semaphore_mem>>) {add = true}
        %dma_wait3A = arith.constant 0 : i32
        %dma_wait3A_41 = tpu.memref_slice %arg6[%scan3A_31, %dma_wait3A] : memref<79x128xi32, #tpu.memory_space<vmem>> -> memref<1x128xi32, #tpu.memory_space<vmem>>
        %dma_wait3A_42 = tpu.memref_squeeze %dma_wait3A_41 : memref<1x128xi32, #tpu.memory_space<vmem>> -> memref<128xi32, #tpu.memory_space<vmem>>
        %dma_wait3A_43 = arith.constant 0 : i32
        %dma_wait3A_44 = arith.constant 0 : i32
        %dma_wait3A_45 = tpu.memref_slice %arg8[%dma_wait3A_43, %dma_wait3A_44] : memref<10240x16xf32, #tpu.memory_space<vmem_shared>> -> memref<10240x16xf32, #tpu.memory_space<vmem_shared>>
        tpu.wait_indirect_dma semaphore(%run_scoped3A : memref<!tpu.dma_semaphore, #tpu.memory_space<semaphore_mem>>) src(%arg7 : memref<128x16xf32, #tpu.memory_space<vmem>>) dst(%dma_wait3A_45 : memref<10240x16xf32, #tpu.memory_space<vmem_shared>>)
        tpu.yield
      }) : () -> ()
      %scan3A_32 = arith.constant 2 : i32
      %scan3A_33 = arith.addi %scan3A_29, %scan3A_32 : i32
      "tpu.region"() ({
        %run_scoped3A = tpu.sem_alloc : memref<!tpu.dma_semaphore, #tpu.memory_space<semaphore_mem>>
        %dma_start3A = arith.constant 0 : i32
        %dma_start3A_36 = tpu.memref_slice %arg6[%scan3A_33, %dma_start3A] : memref<79x128xi32, #tpu.memory_space<vmem>> -> memref<1x128xi32, #tpu.memory_space<vmem>>
        %dma_start3A_37 = tpu.memref_squeeze %dma_start3A_36 : memref<1x128xi32, #tpu.memory_space<vmem>> -> memref<128xi32, #tpu.memory_space<vmem>>
        %dma_start3A_38 = arith.constant 0 : i32
        %dma_start3A_39 = arith.constant 0 : i32
        %dma_start3A_40 = tpu.memref_slice %arg8[%dma_start3A_38, %dma_start3A_39] : memref<10240x16xf32, #tpu.memory_space<vmem_shared>> -> memref<10240x16xf32, #tpu.memory_space<vmem_shared>>
        tpu.enqueue_indirect_dma source(%arg7 : memref<128x16xf32, #tpu.memory_space<vmem>>) target(%dma_start3A_40 : memref<10240x16xf32, #tpu.memory_space<vmem_shared>>) offsets(%dma_start3A_37 : memref<128xi32, #tpu.memory_space<vmem>>) semaphore(%run_scoped3A : memref<!tpu.dma_semaphore, #tpu.memory_space<semaphore_mem>>) {add = true}
        %dma_wait3A = arith.constant 0 : i32
        %dma_wait3A_41 = tpu.memref_slice %arg6[%scan3A_33, %dma_wait3A] : memref<79x128xi32, #tpu.memory_space<vmem>> -> memref<1x128xi32, #tpu.memory_space<vmem>>
        %dma_wait3A_42 = tpu.memref_squeeze %dma_wait3A_41 : memref<1x128xi32, #tpu.memory_space<vmem>> -> memref<128xi32, #tpu.memory_space<vmem>>
        %dma_wait3A_43 = arith.constant 0 : i32
        %dma_wait3A_44 = arith.constant 0 : i32
        %dma_wait3A_45 = tpu.memref_slice %arg8[%dma_wait3A_43, %dma_wait3A_44] : memref<10240x16xf32, #tpu.memory_space<vmem_shared>> -> memref<10240x16xf32, #tpu.memory_space<vmem_shared>>
        tpu.wait_indirect_dma semaphore(%run_scoped3A : memref<!tpu.dma_semaphore, #tpu.memory_space<semaphore_mem>>) src(%arg7 : memref<128x16xf32, #tpu.memory_space<vmem>>) dst(%dma_wait3A_45 : memref<10240x16xf32, #tpu.memory_space<vmem_shared>>)
        tpu.yield
      }) : () -> ()
      %scan3A_34 = arith.constant 3 : i32
      %scan3A_35 = arith.addi %scan3A_29, %scan3A_34 : i32
      "tpu.region"() ({
        %run_scoped3A = tpu.sem_alloc : memref<!tpu.dma_semaphore, #tpu.memory_space<semaphore_mem>>
        %dma_start3A = arith.constant 0 : i32
        %dma_start3A_36 = tpu.memref_slice %arg6[%scan3A_35, %dma_start3A] : memref<79x128xi32, #tpu.memory_space<vmem>> -> memref<1x128xi32, #tpu.memory_space<vmem>>
        %dma_start3A_37 = tpu.memref_squeeze %dma_start3A_36 : memref<1x128xi32, #tpu.memory_space<vmem>> -> memref<128xi32, #tpu.memory_space<vmem>>
        %dma_start3A_38 = arith.constant 0 : i32
        %dma_start3A_39 = arith.constant 0 : i32
        %dma_start3A_40 = tpu.memref_slice %arg8[%dma_start3A_38, %dma_start3A_39] : memref<10240x16xf32, #tpu.memory_space<vmem_shared>> -> memref<10240x16xf32, #tpu.memory_space<vmem_shared>>
        tpu.enqueue_indirect_dma source(%arg7 : memref<128x16xf32, #tpu.memory_space<vmem>>) target(%dma_start3A_40 : memref<10240x16xf32, #tpu.memory_space<vmem_shared>>) offsets(%dma_start3A_37 : memref<128xi32, #tpu.memory_space<vmem>>) semaphore(%run_scoped3A : memref<!tpu.dma_semaphore, #tpu.memory_space<semaphore_mem>>) {add = true}
        %dma_wait3A = arith.constant 0 : i32
        %dma_wait3A_41 = tpu.memref_slice %arg6[%scan3A_35, %dma_wait3A] : memref<79x128xi32, #tpu.memory_space<vmem>> -> memref<1x128xi32, #tpu.memory_space<vmem>>
        %dma_wait3A_42 = tpu.memref_squeeze %dma_wait3A_41 : memref<1x128xi32, #tpu.memory_space<vmem>> -> memref<128xi32, #tpu.memory_space<vmem>>
        %dma_wait3A_43 = arith.constant 0 : i32
        %dma_wait3A_44 = arith.constant 0 : i32
        %dma_wait3A_45 = tpu.memref_slice %arg8[%dma_wait3A_43, %dma_wait3A_44] : memref<10240x16xf32, #tpu.memory_space<vmem_shared>> -> memref<10240x16xf32, #tpu.memory_space<vmem_shared>>
        tpu.wait_indirect_dma semaphore(%run_scoped3A : memref<!tpu.dma_semaphore, #tpu.memory_space<semaphore_mem>>) src(%arg7 : memref<128x16xf32, #tpu.memory_space<vmem>>) dst(%dma_wait3A_45 : memref<10240x16xf32, #tpu.memory_space<vmem_shared>>)
        tpu.yield
      }) : () -> ()
    }
    %scan3A_14 = arith.constant 76 : i32
    %scan3A_15 = arith.addi %scan3A_10, %scan3A_14 : i32
    "tpu.region"() ({
      %run_scoped3A = tpu.sem_alloc : memref<!tpu.dma_semaphore, #tpu.memory_space<semaphore_mem>>
      %dma_start3A = arith.constant 0 : i32
      %dma_start3A_29 = tpu.memref_slice %arg6[%scan3A_15, %dma_start3A] : memref<79x128xi32, #tpu.memory_space<vmem>> -> memref<1x128xi32, #tpu.memory_space<vmem>>
      %dma_start3A_30 = tpu.memref_squeeze %dma_start3A_29 : memref<1x128xi32, #tpu.memory_space<vmem>> -> memref<128xi32, #tpu.memory_space<vmem>>
      %dma_start3A_31 = arith.constant 0 : i32
      %dma_start3A_32 = arith.constant 0 : i32
      %dma_start3A_33 = tpu.memref_slice %arg8[%dma_start3A_31, %dma_start3A_32] : memref<10240x16xf32, #tpu.memory_space<vmem_shared>> -> memref<10240x16xf32, #tpu.memory_space<vmem_shared>>
      tpu.enqueue_indirect_dma source(%arg7 : memref<128x16xf32, #tpu.memory_space<vmem>>) target(%dma_start3A_33 : memref<10240x16xf32, #tpu.memory_space<vmem_shared>>) offsets(%dma_start3A_30 : memref<128xi32, #tpu.memory_space<vmem>>) semaphore(%run_scoped3A : memref<!tpu.dma_semaphore, #tpu.memory_space<semaphore_mem>>) {add = true}
      %dma_wait3A = arith.constant 0 : i32
      %dma_wait3A_34 = tpu.memref_slice %arg6[%scan3A_15, %dma_wait3A] : memref<79x128xi32, #tpu.memory_space<vmem>> -> memref<1x128xi32, #tpu.memory_space<vmem>>
      %dma_wait3A_35 = tpu.memref_squeeze %dma_wait3A_34 : memref<1x128xi32, #tpu.memory_space<vmem>> -> memref<128xi32, #tpu.memory_space<vmem>>
      %dma_wait3A_36 = arith.constant 0 : i32
      %dma_wait3A_37 = arith.constant 0 : i32
      %dma_wait3A_38 = tpu.memref_slice %arg8[%dma_wait3A_36, %dma_wait3A_37] : memref<10240x16xf32, #tpu.memory_space<vmem_shared>> -> memref<10240x16xf32, #tpu.memory_space<vmem_shared>>
      tpu.wait_indirect_dma semaphore(%run_scoped3A : memref<!tpu.dma_semaphore, #tpu.memory_space<semaphore_mem>>) src(%arg7 : memref<128x16xf32, #tpu.memory_space<vmem>>) dst(%dma_wait3A_38 : memref<10240x16xf32, #tpu.memory_space<vmem_shared>>)
      tpu.yield
    }) : () -> ()
    %scan3A_16 = arith.constant 77 : i32
    %scan3A_17 = arith.addi %scan3A_10, %scan3A_16 : i32
    "tpu.region"() ({
      %run_scoped3A = tpu.sem_alloc : memref<!tpu.dma_semaphore, #tpu.memory_space<semaphore_mem>>
      %dma_start3A = arith.constant 0 : i32
      %dma_start3A_29 = tpu.memref_slice %arg6[%scan3A_17, %dma_start3A] : memref<79x128xi32, #tpu.memory_space<vmem>> -> memref<1x128xi32, #tpu.memory_space<vmem>>
      %dma_start3A_30 = tpu.memref_squeeze %dma_start3A_29 : memref<1x128xi32, #tpu.memory_space<vmem>> -> memref<128xi32, #tpu.memory_space<vmem>>
      %dma_start3A_31 = arith.constant 0 : i32
      %dma_start3A_32 = arith.constant 0 : i32
      %dma_start3A_33 = tpu.memref_slice %arg8[%dma_start3A_31, %dma_start3A_32] : memref<10240x16xf32, #tpu.memory_space<vmem_shared>> -> memref<10240x16xf32, #tpu.memory_space<vmem_shared>>
      tpu.enqueue_indirect_dma source(%arg7 : memref<128x16xf32, #tpu.memory_space<vmem>>) target(%dma_start3A_33 : memref<10240x16xf32, #tpu.memory_space<vmem_shared>>) offsets(%dma_start3A_30 : memref<128xi32, #tpu.memory_space<vmem>>) semaphore(%run_scoped3A : memref<!tpu.dma_semaphore, #tpu.memory_space<semaphore_mem>>) {add = true}
      %dma_wait3A = arith.constant 0 : i32
      %dma_wait3A_34 = tpu.memref_slice %arg6[%scan3A_17, %dma_wait3A] : memref<79x128xi32, #tpu.memory_space<vmem>> -> memref<1x128xi32, #tpu.memory_space<vmem>>
      %dma_wait3A_35 = tpu.memref_squeeze %dma_wait3A_34 : memref<1x128xi32, #tpu.memory_space<vmem>> -> memref<128xi32, #tpu.memory_space<vmem>>
      %dma_wait3A_36 = arith.constant 0 : i32
      %dma_wait3A_37 = arith.constant 0 : i32
      %dma_wait3A_38 = tpu.memref_slice %arg8[%dma_wait3A_36, %dma_wait3A_37] : memref<10240x16xf32, #tpu.memory_space<vmem_shared>> -> memref<10240x16xf32, #tpu.memory_space<vmem_shared>>
      tpu.wait_indirect_dma semaphore(%run_scoped3A : memref<!tpu.dma_semaphore, #tpu.memory_space<semaphore_mem>>) src(%arg7 : memref<128x16xf32, #tpu.memory_space<vmem>>) dst(%dma_wait3A_38 : memref<10240x16xf32, #tpu.memory_space<vmem_shared>>)
      tpu.yield
    }) : () -> ()
    %scan3A_18 = arith.constant 78 : i32
    %lt3A_19 = arith.constant 2 : i32
    %lt3A_20 = arith.cmpi slt, %arg1, %lt3A_19 : i32
    %convert_element_type3A_21 = arith.extui %lt3A_20 : i1 to i32
    %cond3A_22 = arith.constant 0 : i32
    %cond3A_23 = arith.cmpi ne, %convert_element_type3A_21, %cond3A_22 : i32
    scf.if %cond3A_23 {
      %run_scoped3A = arith.constant 78 : i32
      "tpu.region"() ({
        %run_scoped3A_29 = tpu.sem_alloc : memref<!tpu.dma_semaphore, #tpu.memory_space<semaphore_mem>>
        %dma_start3A = arith.constant 0 : i32
        %dma_start3A_30 = tpu.memref_slice %arg6[%run_scoped3A, %dma_start3A] : memref<79x128xi32, #tpu.memory_space<vmem>> -> memref<1x128xi32, #tpu.memory_space<vmem>>
        %dma_start3A_31 = tpu.memref_squeeze %dma_start3A_30 : memref<1x128xi32, #tpu.memory_space<vmem>> -> memref<128xi32, #tpu.memory_space<vmem>>
        %dma_start3A_32 = arith.constant 0 : i32
        %dma_start3A_33 = arith.constant 0 : i32
        %dma_start3A_34 = tpu.memref_slice %arg8[%dma_start3A_32, %dma_start3A_33] : memref<10240x16xf32, #tpu.memory_space<vmem_shared>> -> memref<10240x16xf32, #tpu.memory_space<vmem_shared>>
        tpu.enqueue_indirect_dma source(%arg7 : memref<128x16xf32, #tpu.memory_space<vmem>>) target(%dma_start3A_34 : memref<10240x16xf32, #tpu.memory_space<vmem_shared>>) offsets(%dma_start3A_31 : memref<128xi32, #tpu.memory_space<vmem>>) semaphore(%run_scoped3A_29 : memref<!tpu.dma_semaphore, #tpu.memory_space<semaphore_mem>>) {add = true}
        %dma_wait3A = arith.constant 0 : i32
        %dma_wait3A_35 = tpu.memref_slice %arg6[%run_scoped3A, %dma_wait3A] : memref<79x128xi32, #tpu.memory_space<vmem>> -> memref<1x128xi32, #tpu.memory_space<vmem>>
        %dma_wait3A_36 = tpu.memref_squeeze %dma_wait3A_35 : memref<1x128xi32, #tpu.memory_space<vmem>> -> memref<128xi32, #tpu.memory_space<vmem>>
        %dma_wait3A_37 = arith.constant 0 : i32
        %dma_wait3A_38 = arith.constant 0 : i32
        %dma_wait3A_39 = tpu.memref_slice %arg8[%dma_wait3A_37, %dma_wait3A_38] : memref<10240x16xf32, #tpu.memory_space<vmem_shared>> -> memref<10240x16xf32, #tpu.memory_space<vmem_shared>>
        tpu.wait_indirect_dma semaphore(%run_scoped3A_29 : memref<!tpu.dma_semaphore, #tpu.memory_space<semaphore_mem>>) src(%arg7 : memref<128x16xf32, #tpu.memory_space<vmem>>) dst(%dma_wait3A_39 : memref<10240x16xf32, #tpu.memory_space<vmem_shared>>)
        tpu.yield
      }) : () -> ()
    } else {
    }
    %barrier3A_24 = arith.constant 0 : index
    tpu.barrier barrier_id(%barrier3A_24)
    %mul3A_25 = arith.constant 640 : i32
    %mul3A_26 = arith.muli %arg1, %mul3A_25 : i32
    %mul3A_27 = arith.constant 640 : i32
    %mul3A_28 = arith.muli %arg1, %mul3A_27 : i32
    "tpu.region"() ({
      %run_scoped3A = tpu.sem_alloc : memref<!tpu.dma_semaphore, #tpu.memory_space<semaphore_mem>>
      %dma_start3A = arith.constant 0 : i32
      %dma_start3A_29 = tpu.memref_slice %arg5[%arg0, %mul3A_28, %dma_start3A] : memref<2x10240x16xf32, #tpu.memory_space<hbm>> -> memref<1x640x16xf32, #tpu.memory_space<hbm>>
      %dma_start3A_30 = tpu.memref_squeeze %dma_start3A_29 : memref<1x640x16xf32, #tpu.memory_space<hbm>> -> memref<640x16xf32, #tpu.memory_space<hbm>>
      %dma_start3A_31 = arith.constant 0 : i32
      %dma_start3A_32 = tpu.memref_slice %arg8[%mul3A_26, %dma_start3A_31] : memref<10240x16xf32, #tpu.memory_space<vmem_shared>> -> memref<640x16xf32, #tpu.memory_space<vmem_shared>>
      tpu.enqueue_dma source(%dma_start3A_32 : memref<640x16xf32, #tpu.memory_space<vmem_shared>>) target(%dma_start3A_30 : memref<640x16xf32, #tpu.memory_space<hbm>>) target_semaphore(%run_scoped3A : memref<!tpu.dma_semaphore, #tpu.memory_space<semaphore_mem>>)
      %dma_wait3A = arith.constant 0 : i32
      %dma_wait3A_33 = tpu.memref_slice %arg5[%arg0, %mul3A_28, %dma_wait3A] : memref<2x10240x16xf32, #tpu.memory_space<hbm>> -> memref<1x640x16xf32, #tpu.memory_space<hbm>>
      %dma_wait3A_34 = tpu.memref_squeeze %dma_wait3A_33 : memref<1x640x16xf32, #tpu.memory_space<hbm>> -> memref<640x16xf32, #tpu.memory_space<hbm>>
      %dma_wait3A_35 = arith.constant 0 : i32
      %dma_wait3A_36 = tpu.memref_slice %arg8[%mul3A_26, %dma_wait3A_35] : memref<10240x16xf32, #tpu.memory_space<vmem_shared>> -> memref<640x16xf32, #tpu.memory_space<vmem_shared>>
      tpu.wait_dma2 semaphore(%run_scoped3A : memref<!tpu.dma_semaphore, #tpu.memory_space<semaphore_mem>>) src(%dma_wait3A_36 : memref<640x16xf32, #tpu.memory_space<vmem_shared>>) dst(%dma_wait3A_34 : memref<640x16xf32, #tpu.memory_space<hbm>>)
      tpu.yield
    }) : () -> ()
    return
  }
}

#map = affine_map<(d0, d1) -> (0, 0)>
#map1 = affine_map<(d0, d1) -> (0, 0, 0)>
module attributes {stable_mosaic.version = 14 : i64} {
  func.func @_prop_body(%arg0: i32, %arg1: i32, %arg2: memref<10000x128xbf16, #tpu.memory_space<hbm>>, %arg3: memref<2x1250x128xi32, #tpu.memory_space<hbm>>, %arg4: memref<2x1250x128xi32, #tpu.memory_space<hbm>>, %arg5: memref<10000x128xbf16, #tpu.memory_space<hbm>>, %arg6: memref<2x10000x128xbf16, #tpu.memory_space<hbm>>, %arg7: memref<79x128xi32, #tpu.memory_space<vmem>>, %arg8: memref<79x128xi32, #tpu.memory_space<vmem>>, %arg9: memref<128x128xbf16, #tpu.memory_space<vmem>>, %arg10: memref<128x128xbf16, #tpu.memory_space<vmem>>, %arg11: memref<10240x128xbf16, #tpu.memory_space<vmem_shared>>, %arg12: memref<!tpu.dma_semaphore, #tpu.memory_space<semaphore_mem>>, %arg13: memref<!tpu.dma_semaphore, #tpu.memory_space<semaphore_mem>>) attributes {dimension_semantics = [#tpu.dimension_semantics<core_parallel>, #tpu.dimension_semantics<subcore_parallel>], iteration_bounds = array<i64: 2, 16>, scalar_prefetch = 0 : i64, scratch_operands = 7 : i64, tpu.core_type = #tpu.core_type<sc_vector_subcore>, window_params = [{transform_indices = #map}, {transform_indices = #map1}, {transform_indices = #map1}, {transform_indices = #map}, {transform_indices = #map1}]} {
    %mul3A = arith.constant 78 : i32
    %mul3A_0 = arith.muli %arg1, %mul3A : i32
    %min3A = arith.constant 2 : i32
    %min3A_1 = arith.minsi %arg1, %min3A : i32
    %add3A = arith.addi %mul3A_0, %min3A_1 : i32
    %lt3A = arith.constant 2 : i32
    %lt3A_2 = arith.cmpi slt, %arg1, %lt3A : i32
    %convert_element_type3A = arith.extui %lt3A_2 : i1 to i32
    %cond3A = arith.constant 0 : i32
    %cond3A_3 = arith.cmpi ne, %convert_element_type3A, %cond3A : i32
    scf.if %cond3A_3 {
      "tpu.region"() ({
        %run_scoped3A = tpu.sem_alloc : memref<!tpu.dma_semaphore, #tpu.memory_space<semaphore_mem>>
        %dma_start3A_69 = arith.constant 0 : i32
        %dma_start3A_70 = tpu.memref_slice %arg3[%arg0, %add3A, %dma_start3A_69] : memref<2x1250x128xi32, #tpu.memory_space<hbm>> -> memref<1x79x128xi32, #tpu.memory_space<hbm>>
        %dma_start3A_71 = tpu.memref_squeeze %dma_start3A_70 : memref<1x79x128xi32, #tpu.memory_space<hbm>> -> memref<79x128xi32, #tpu.memory_space<hbm>>
        %dma_start3A_72 = arith.constant 0 : i32
        %dma_start3A_73 = tpu.memref_slice %arg3[%arg0, %add3A, %dma_start3A_72] : memref<2x1250x128xi32, #tpu.memory_space<hbm>> -> memref<1x79x128xi32, #tpu.memory_space<hbm>>
        %dma_start3A_74 = tpu.memref_squeeze %dma_start3A_73 : memref<1x79x128xi32, #tpu.memory_space<hbm>> -> memref<79x128xi32, #tpu.memory_space<hbm>>
        tpu.enqueue_dma source(%dma_start3A_74 : memref<79x128xi32, #tpu.memory_space<hbm>>) target(%arg7 : memref<79x128xi32, #tpu.memory_space<vmem>>) target_semaphore(%run_scoped3A : memref<!tpu.dma_semaphore, #tpu.memory_space<semaphore_mem>>)
        %dma_wait3A = arith.constant 0 : i32
        %dma_wait3A_75 = tpu.memref_slice %arg3[%arg0, %add3A, %dma_wait3A] : memref<2x1250x128xi32, #tpu.memory_space<hbm>> -> memref<1x79x128xi32, #tpu.memory_space<hbm>>
        %dma_wait3A_76 = tpu.memref_squeeze %dma_wait3A_75 : memref<1x79x128xi32, #tpu.memory_space<hbm>> -> memref<79x128xi32, #tpu.memory_space<hbm>>
        %dma_wait3A_77 = arith.constant 0 : i32
        %dma_wait3A_78 = tpu.memref_slice %arg3[%arg0, %add3A, %dma_wait3A_77] : memref<2x1250x128xi32, #tpu.memory_space<hbm>> -> memref<1x79x128xi32, #tpu.memory_space<hbm>>
        %dma_wait3A_79 = tpu.memref_squeeze %dma_wait3A_78 : memref<1x79x128xi32, #tpu.memory_space<hbm>> -> memref<79x128xi32, #tpu.memory_space<hbm>>
        tpu.wait_dma2 semaphore(%run_scoped3A : memref<!tpu.dma_semaphore, #tpu.memory_space<semaphore_mem>>) src(%dma_wait3A_79 : memref<79x128xi32, #tpu.memory_space<hbm>>) dst(%arg7 : memref<79x128xi32, #tpu.memory_space<vmem>>)
        tpu.yield
      }) : () -> ()
    } else {
    }
    %ge3A = arith.constant 2 : i32
    %ge3A_4 = arith.cmpi sge, %arg1, %ge3A : i32
    %convert_element_type3A_5 = arith.extui %ge3A_4 : i1 to i32
    %cond3A_6 = arith.constant 0 : i32
    %cond3A_7 = arith.cmpi ne, %convert_element_type3A_5, %cond3A_6 : i32
    scf.if %cond3A_7 {
      "tpu.region"() ({
        %run_scoped3A = tpu.sem_alloc : memref<!tpu.dma_semaphore, #tpu.memory_space<semaphore_mem>>
        %dma_start3A_69 = arith.constant 0 : i32
        %dma_start3A_70 = arith.constant 0 : i32
        %dma_start3A_71 = tpu.memref_slice %arg7[%dma_start3A_69, %dma_start3A_70] : memref<79x128xi32, #tpu.memory_space<vmem>> -> memref<78x128xi32, #tpu.memory_space<vmem>>
        %dma_start3A_72 = arith.constant 0 : i32
        %dma_start3A_73 = tpu.memref_slice %arg3[%arg0, %add3A, %dma_start3A_72] : memref<2x1250x128xi32, #tpu.memory_space<hbm>> -> memref<1x78x128xi32, #tpu.memory_space<hbm>>
        %dma_start3A_74 = tpu.memref_squeeze %dma_start3A_73 : memref<1x78x128xi32, #tpu.memory_space<hbm>> -> memref<78x128xi32, #tpu.memory_space<hbm>>
        %dma_start3A_75 = arith.constant 0 : i32
        %dma_start3A_76 = arith.constant 0 : i32
        %dma_start3A_77 = tpu.memref_slice %arg7[%dma_start3A_75, %dma_start3A_76] : memref<79x128xi32, #tpu.memory_space<vmem>> -> memref<78x128xi32, #tpu.memory_space<vmem>>
        %dma_start3A_78 = arith.constant 0 : i32
        %dma_start3A_79 = tpu.memref_slice %arg3[%arg0, %add3A, %dma_start3A_78] : memref<2x1250x128xi32, #tpu.memory_space<hbm>> -> memref<1x78x128xi32, #tpu.memory_space<hbm>>
        %dma_start3A_80 = tpu.memref_squeeze %dma_start3A_79 : memref<1x78x128xi32, #tpu.memory_space<hbm>> -> memref<78x128xi32, #tpu.memory_space<hbm>>
        tpu.enqueue_dma source(%dma_start3A_80 : memref<78x128xi32, #tpu.memory_space<hbm>>) target(%dma_start3A_77 : memref<78x128xi32, #tpu.memory_space<vmem>>) target_semaphore(%run_scoped3A : memref<!tpu.dma_semaphore, #tpu.memory_space<semaphore_mem>>)
        %dma_wait3A = arith.constant 0 : i32
        %dma_wait3A_81 = arith.constant 0 : i32
        %dma_wait3A_82 = tpu.memref_slice %arg7[%dma_wait3A, %dma_wait3A_81] : memref<79x128xi32, #tpu.memory_space<vmem>> -> memref<78x128xi32, #tpu.memory_space<vmem>>
        %dma_wait3A_83 = arith.constant 0 : i32
        %dma_wait3A_84 = tpu.memref_slice %arg3[%arg0, %add3A, %dma_wait3A_83] : memref<2x1250x128xi32, #tpu.memory_space<hbm>> -> memref<1x78x128xi32, #tpu.memory_space<hbm>>
        %dma_wait3A_85 = tpu.memref_squeeze %dma_wait3A_84 : memref<1x78x128xi32, #tpu.memory_space<hbm>> -> memref<78x128xi32, #tpu.memory_space<hbm>>
        %dma_wait3A_86 = arith.constant 0 : i32
        %dma_wait3A_87 = arith.constant 0 : i32
        %dma_wait3A_88 = tpu.memref_slice %arg7[%dma_wait3A_86, %dma_wait3A_87] : memref<79x128xi32, #tpu.memory_space<vmem>> -> memref<78x128xi32, #tpu.memory_space<vmem>>
        %dma_wait3A_89 = arith.constant 0 : i32
        %dma_wait3A_90 = tpu.memref_slice %arg3[%arg0, %add3A, %dma_wait3A_89] : memref<2x1250x128xi32, #tpu.memory_space<hbm>> -> memref<1x78x128xi32, #tpu.memory_space<hbm>>
        %dma_wait3A_91 = tpu.memref_squeeze %dma_wait3A_90 : memref<1x78x128xi32, #tpu.memory_space<hbm>> -> memref<78x128xi32, #tpu.memory_space<hbm>>
        tpu.wait_dma2 semaphore(%run_scoped3A : memref<!tpu.dma_semaphore, #tpu.memory_space<semaphore_mem>>) src(%dma_wait3A_91 : memref<78x128xi32, #tpu.memory_space<hbm>>) dst(%dma_wait3A_88 : memref<78x128xi32, #tpu.memory_space<vmem>>)
        tpu.yield
      }) : () -> ()
    } else {
    }
    %mul3A_8 = arith.constant 78 : i32
    %mul3A_9 = arith.muli %arg1, %mul3A_8 : i32
    %min3A_10 = arith.constant 2 : i32
    %min3A_11 = arith.minsi %arg1, %min3A_10 : i32
    %add3A_12 = arith.addi %mul3A_9, %min3A_11 : i32
    %lt3A_13 = arith.constant 2 : i32
    %lt3A_14 = arith.cmpi slt, %arg1, %lt3A_13 : i32
    %convert_element_type3A_15 = arith.extui %lt3A_14 : i1 to i32
    %cond3A_16 = arith.constant 0 : i32
    %cond3A_17 = arith.cmpi ne, %convert_element_type3A_15, %cond3A_16 : i32
    scf.if %cond3A_17 {
      "tpu.region"() ({
        %run_scoped3A = tpu.sem_alloc : memref<!tpu.dma_semaphore, #tpu.memory_space<semaphore_mem>>
        %dma_start3A_69 = arith.constant 0 : i32
        %dma_start3A_70 = tpu.memref_slice %arg4[%arg0, %add3A_12, %dma_start3A_69] : memref<2x1250x128xi32, #tpu.memory_space<hbm>> -> memref<1x79x128xi32, #tpu.memory_space<hbm>>
        %dma_start3A_71 = tpu.memref_squeeze %dma_start3A_70 : memref<1x79x128xi32, #tpu.memory_space<hbm>> -> memref<79x128xi32, #tpu.memory_space<hbm>>
        %dma_start3A_72 = arith.constant 0 : i32
        %dma_start3A_73 = tpu.memref_slice %arg4[%arg0, %add3A_12, %dma_start3A_72] : memref<2x1250x128xi32, #tpu.memory_space<hbm>> -> memref<1x79x128xi32, #tpu.memory_space<hbm>>
        %dma_start3A_74 = tpu.memref_squeeze %dma_start3A_73 : memref<1x79x128xi32, #tpu.memory_space<hbm>> -> memref<79x128xi32, #tpu.memory_space<hbm>>
        tpu.enqueue_dma source(%dma_start3A_74 : memref<79x128xi32, #tpu.memory_space<hbm>>) target(%arg8 : memref<79x128xi32, #tpu.memory_space<vmem>>) target_semaphore(%run_scoped3A : memref<!tpu.dma_semaphore, #tpu.memory_space<semaphore_mem>>)
        %dma_wait3A = arith.constant 0 : i32
        %dma_wait3A_75 = tpu.memref_slice %arg4[%arg0, %add3A_12, %dma_wait3A] : memref<2x1250x128xi32, #tpu.memory_space<hbm>> -> memref<1x79x128xi32, #tpu.memory_space<hbm>>
        %dma_wait3A_76 = tpu.memref_squeeze %dma_wait3A_75 : memref<1x79x128xi32, #tpu.memory_space<hbm>> -> memref<79x128xi32, #tpu.memory_space<hbm>>
        %dma_wait3A_77 = arith.constant 0 : i32
        %dma_wait3A_78 = tpu.memref_slice %arg4[%arg0, %add3A_12, %dma_wait3A_77] : memref<2x1250x128xi32, #tpu.memory_space<hbm>> -> memref<1x79x128xi32, #tpu.memory_space<hbm>>
        %dma_wait3A_79 = tpu.memref_squeeze %dma_wait3A_78 : memref<1x79x128xi32, #tpu.memory_space<hbm>> -> memref<79x128xi32, #tpu.memory_space<hbm>>
        tpu.wait_dma2 semaphore(%run_scoped3A : memref<!tpu.dma_semaphore, #tpu.memory_space<semaphore_mem>>) src(%dma_wait3A_79 : memref<79x128xi32, #tpu.memory_space<hbm>>) dst(%arg8 : memref<79x128xi32, #tpu.memory_space<vmem>>)
        tpu.yield
      }) : () -> ()
    } else {
    }
    %ge3A_18 = arith.constant 2 : i32
    %ge3A_19 = arith.cmpi sge, %arg1, %ge3A_18 : i32
    %convert_element_type3A_20 = arith.extui %ge3A_19 : i1 to i32
    %cond3A_21 = arith.constant 0 : i32
    %cond3A_22 = arith.cmpi ne, %convert_element_type3A_20, %cond3A_21 : i32
    scf.if %cond3A_22 {
      "tpu.region"() ({
        %run_scoped3A = tpu.sem_alloc : memref<!tpu.dma_semaphore, #tpu.memory_space<semaphore_mem>>
        %dma_start3A_69 = arith.constant 0 : i32
        %dma_start3A_70 = arith.constant 0 : i32
        %dma_start3A_71 = tpu.memref_slice %arg8[%dma_start3A_69, %dma_start3A_70] : memref<79x128xi32, #tpu.memory_space<vmem>> -> memref<78x128xi32, #tpu.memory_space<vmem>>
        %dma_start3A_72 = arith.constant 0 : i32
        %dma_start3A_73 = tpu.memref_slice %arg4[%arg0, %add3A_12, %dma_start3A_72] : memref<2x1250x128xi32, #tpu.memory_space<hbm>> -> memref<1x78x128xi32, #tpu.memory_space<hbm>>
        %dma_start3A_74 = tpu.memref_squeeze %dma_start3A_73 : memref<1x78x128xi32, #tpu.memory_space<hbm>> -> memref<78x128xi32, #tpu.memory_space<hbm>>
        %dma_start3A_75 = arith.constant 0 : i32
        %dma_start3A_76 = arith.constant 0 : i32
        %dma_start3A_77 = tpu.memref_slice %arg8[%dma_start3A_75, %dma_start3A_76] : memref<79x128xi32, #tpu.memory_space<vmem>> -> memref<78x128xi32, #tpu.memory_space<vmem>>
        %dma_start3A_78 = arith.constant 0 : i32
        %dma_start3A_79 = tpu.memref_slice %arg4[%arg0, %add3A_12, %dma_start3A_78] : memref<2x1250x128xi32, #tpu.memory_space<hbm>> -> memref<1x78x128xi32, #tpu.memory_space<hbm>>
        %dma_start3A_80 = tpu.memref_squeeze %dma_start3A_79 : memref<1x78x128xi32, #tpu.memory_space<hbm>> -> memref<78x128xi32, #tpu.memory_space<hbm>>
        tpu.enqueue_dma source(%dma_start3A_80 : memref<78x128xi32, #tpu.memory_space<hbm>>) target(%dma_start3A_77 : memref<78x128xi32, #tpu.memory_space<vmem>>) target_semaphore(%run_scoped3A : memref<!tpu.dma_semaphore, #tpu.memory_space<semaphore_mem>>)
        %dma_wait3A = arith.constant 0 : i32
        %dma_wait3A_81 = arith.constant 0 : i32
        %dma_wait3A_82 = tpu.memref_slice %arg8[%dma_wait3A, %dma_wait3A_81] : memref<79x128xi32, #tpu.memory_space<vmem>> -> memref<78x128xi32, #tpu.memory_space<vmem>>
        %dma_wait3A_83 = arith.constant 0 : i32
        %dma_wait3A_84 = tpu.memref_slice %arg4[%arg0, %add3A_12, %dma_wait3A_83] : memref<2x1250x128xi32, #tpu.memory_space<hbm>> -> memref<1x78x128xi32, #tpu.memory_space<hbm>>
        %dma_wait3A_85 = tpu.memref_squeeze %dma_wait3A_84 : memref<1x78x128xi32, #tpu.memory_space<hbm>> -> memref<78x128xi32, #tpu.memory_space<hbm>>
        %dma_wait3A_86 = arith.constant 0 : i32
        %dma_wait3A_87 = arith.constant 0 : i32
        %dma_wait3A_88 = tpu.memref_slice %arg8[%dma_wait3A_86, %dma_wait3A_87] : memref<79x128xi32, #tpu.memory_space<vmem>> -> memref<78x128xi32, #tpu.memory_space<vmem>>
        %dma_wait3A_89 = arith.constant 0 : i32
        %dma_wait3A_90 = tpu.memref_slice %arg4[%arg0, %add3A_12, %dma_wait3A_89] : memref<2x1250x128xi32, #tpu.memory_space<hbm>> -> memref<1x78x128xi32, #tpu.memory_space<hbm>>
        %dma_wait3A_91 = tpu.memref_squeeze %dma_wait3A_90 : memref<1x78x128xi32, #tpu.memory_space<hbm>> -> memref<78x128xi32, #tpu.memory_space<hbm>>
        tpu.wait_dma2 semaphore(%run_scoped3A : memref<!tpu.dma_semaphore, #tpu.memory_space<semaphore_mem>>) src(%dma_wait3A_91 : memref<78x128xi32, #tpu.memory_space<hbm>>) dst(%dma_wait3A_88 : memref<78x128xi32, #tpu.memory_space<vmem>>)
        tpu.yield
      }) : () -> ()
    } else {
    }
    %eq3A = arith.constant 0 : i32
    %eq3A_23 = arith.cmpi eq, %arg0, %eq3A : i32
    %convert_element_type3A_24 = arith.extui %eq3A_23 : i1 to i32
    %cond3A_25 = arith.constant 0 : i32
    %cond3A_26 = arith.cmpi ne, %convert_element_type3A_24, %cond3A_25 : i32
    scf.if %cond3A_26 {
      %lt3A_69 = arith.constant 15 : i32
      %lt3A_70 = arith.cmpi slt, %arg1, %lt3A_69 : i32
      %convert_element_type3A_71 = arith.extui %lt3A_70 : i1 to i32
      %cond3A_72 = arith.constant 0 : i32
      %cond3A_73 = arith.cmpi ne, %convert_element_type3A_71, %cond3A_72 : i32
      scf.if %cond3A_73 {
        %mul3A_79 = arith.constant 640 : i32
        %mul3A_80 = arith.muli %arg1, %mul3A_79 : i32
        "tpu.region"() ({
          %run_scoped3A = tpu.sem_alloc : memref<!tpu.dma_semaphore, #tpu.memory_space<semaphore_mem>>
          %dma_start3A_81 = arith.constant 0 : i32
          %dma_start3A_82 = tpu.memref_slice %arg11[%mul3A_80, %dma_start3A_81] : memref<10240x128xbf16, #tpu.memory_space<vmem_shared>> -> memref<640x128xbf16, #tpu.memory_space<vmem_shared>>
          %dma_start3A_83 = arith.constant 0 : i32
          %dma_start3A_84 = tpu.memref_slice %arg2[%mul3A_80, %dma_start3A_83] : memref<10000x128xbf16, #tpu.memory_space<hbm>> -> memref<640x128xbf16, #tpu.memory_space<hbm>>
          tpu.enqueue_dma source(%dma_start3A_84 : memref<640x128xbf16, #tpu.memory_space<hbm>>) target(%dma_start3A_82 : memref<640x128xbf16, #tpu.memory_space<vmem_shared>>) target_semaphore(%run_scoped3A : memref<!tpu.dma_semaphore, #tpu.memory_space<semaphore_mem>>)
          %dma_wait3A = arith.constant 0 : i32
          %dma_wait3A_85 = tpu.memref_slice %arg11[%mul3A_80, %dma_wait3A] : memref<10240x128xbf16, #tpu.memory_space<vmem_shared>> -> memref<640x128xbf16, #tpu.memory_space<vmem_shared>>
          %dma_wait3A_86 = arith.constant 0 : i32
          %dma_wait3A_87 = tpu.memref_slice %arg2[%mul3A_80, %dma_wait3A_86] : memref<10000x128xbf16, #tpu.memory_space<hbm>> -> memref<640x128xbf16, #tpu.memory_space<hbm>>
          tpu.wait_dma2 semaphore(%run_scoped3A : memref<!tpu.dma_semaphore, #tpu.memory_space<semaphore_mem>>) src(%dma_wait3A_87 : memref<640x128xbf16, #tpu.memory_space<hbm>>) dst(%dma_wait3A_85 : memref<640x128xbf16, #tpu.memory_space<vmem_shared>>)
          tpu.yield
        }) : () -> ()
      } else {
      }
      %eq3A_74 = arith.constant 15 : i32
      %eq3A_75 = arith.cmpi eq, %arg1, %eq3A_74 : i32
      %convert_element_type3A_76 = arith.extui %eq3A_75 : i1 to i32
      %cond3A_77 = arith.constant 0 : i32
      %cond3A_78 = arith.cmpi ne, %convert_element_type3A_76, %cond3A_77 : i32
      scf.if %cond3A_78 {
        "tpu.region"() ({
          %run_scoped3A = tpu.sem_alloc : memref<!tpu.dma_semaphore, #tpu.memory_space<semaphore_mem>>
          %dma_start3A_79 = arith.constant 9600 : i32
          %dma_start3A_80 = arith.constant 0 : i32
          %dma_start3A_81 = tpu.memref_slice %arg11[%dma_start3A_79, %dma_start3A_80] : memref<10240x128xbf16, #tpu.memory_space<vmem_shared>> -> memref<400x128xbf16, #tpu.memory_space<vmem_shared>>
          %dma_start3A_82 = arith.constant 9600 : i32
          %dma_start3A_83 = arith.constant 0 : i32
          %dma_start3A_84 = tpu.memref_slice %arg2[%dma_start3A_82, %dma_start3A_83] : memref<10000x128xbf16, #tpu.memory_space<hbm>> -> memref<400x128xbf16, #tpu.memory_space<hbm>>
          tpu.enqueue_dma source(%dma_start3A_84 : memref<400x128xbf16, #tpu.memory_space<hbm>>) target(%dma_start3A_81 : memref<400x128xbf16, #tpu.memory_space<vmem_shared>>) target_semaphore(%run_scoped3A : memref<!tpu.dma_semaphore, #tpu.memory_space<semaphore_mem>>)
          %dma_wait3A = arith.constant 9600 : i32
          %dma_wait3A_85 = arith.constant 0 : i32
          %dma_wait3A_86 = tpu.memref_slice %arg11[%dma_wait3A, %dma_wait3A_85] : memref<10240x128xbf16, #tpu.memory_space<vmem_shared>> -> memref<400x128xbf16, #tpu.memory_space<vmem_shared>>
          %dma_wait3A_87 = arith.constant 9600 : i32
          %dma_wait3A_88 = arith.constant 0 : i32
          %dma_wait3A_89 = tpu.memref_slice %arg2[%dma_wait3A_87, %dma_wait3A_88] : memref<10000x128xbf16, #tpu.memory_space<hbm>> -> memref<400x128xbf16, #tpu.memory_space<hbm>>
          tpu.wait_dma2 semaphore(%run_scoped3A : memref<!tpu.dma_semaphore, #tpu.memory_space<semaphore_mem>>) src(%dma_wait3A_89 : memref<400x128xbf16, #tpu.memory_space<hbm>>) dst(%dma_wait3A_86 : memref<400x128xbf16, #tpu.memory_space<vmem_shared>>)
          tpu.yield
        }) : () -> ()
      } else {
      }
    } else {
    }
    %eq3A_27 = arith.constant 1 : i32
    %eq3A_28 = arith.cmpi eq, %arg0, %eq3A_27 : i32
    %convert_element_type3A_29 = arith.extui %eq3A_28 : i1 to i32
    %cond3A_30 = arith.constant 0 : i32
    %cond3A_31 = arith.cmpi ne, %convert_element_type3A_29, %cond3A_30 : i32
    scf.if %cond3A_31 {
      %lt3A_69 = arith.constant 15 : i32
      %lt3A_70 = arith.cmpi slt, %arg1, %lt3A_69 : i32
      %convert_element_type3A_71 = arith.extui %lt3A_70 : i1 to i32
      %cond3A_72 = arith.constant 0 : i32
      %cond3A_73 = arith.cmpi ne, %convert_element_type3A_71, %cond3A_72 : i32
      scf.if %cond3A_73 {
        %mul3A_79 = arith.constant 640 : i32
        %mul3A_80 = arith.muli %arg1, %mul3A_79 : i32
        "tpu.region"() ({
          %run_scoped3A = tpu.sem_alloc : memref<!tpu.dma_semaphore, #tpu.memory_space<semaphore_mem>>
          %dma_start3A_81 = arith.constant 0 : i32
          %dma_start3A_82 = tpu.memref_slice %arg11[%mul3A_80, %dma_start3A_81] : memref<10240x128xbf16, #tpu.memory_space<vmem_shared>> -> memref<640x128xbf16, #tpu.memory_space<vmem_shared>>
          %dma_start3A_83 = arith.constant 0 : i32
          %dma_start3A_84 = tpu.memref_slice %arg5[%mul3A_80, %dma_start3A_83] : memref<10000x128xbf16, #tpu.memory_space<hbm>> -> memref<640x128xbf16, #tpu.memory_space<hbm>>
          tpu.enqueue_dma source(%dma_start3A_84 : memref<640x128xbf16, #tpu.memory_space<hbm>>) target(%dma_start3A_82 : memref<640x128xbf16, #tpu.memory_space<vmem_shared>>) target_semaphore(%run_scoped3A : memref<!tpu.dma_semaphore, #tpu.memory_space<semaphore_mem>>)
          %dma_wait3A = arith.constant 0 : i32
          %dma_wait3A_85 = tpu.memref_slice %arg11[%mul3A_80, %dma_wait3A] : memref<10240x128xbf16, #tpu.memory_space<vmem_shared>> -> memref<640x128xbf16, #tpu.memory_space<vmem_shared>>
          %dma_wait3A_86 = arith.constant 0 : i32
          %dma_wait3A_87 = tpu.memref_slice %arg5[%mul3A_80, %dma_wait3A_86] : memref<10000x128xbf16, #tpu.memory_space<hbm>> -> memref<640x128xbf16, #tpu.memory_space<hbm>>
          tpu.wait_dma2 semaphore(%run_scoped3A : memref<!tpu.dma_semaphore, #tpu.memory_space<semaphore_mem>>) src(%dma_wait3A_87 : memref<640x128xbf16, #tpu.memory_space<hbm>>) dst(%dma_wait3A_85 : memref<640x128xbf16, #tpu.memory_space<vmem_shared>>)
          tpu.yield
        }) : () -> ()
      } else {
      }
      %eq3A_74 = arith.constant 15 : i32
      %eq3A_75 = arith.cmpi eq, %arg1, %eq3A_74 : i32
      %convert_element_type3A_76 = arith.extui %eq3A_75 : i1 to i32
      %cond3A_77 = arith.constant 0 : i32
      %cond3A_78 = arith.cmpi ne, %convert_element_type3A_76, %cond3A_77 : i32
      scf.if %cond3A_78 {
        "tpu.region"() ({
          %run_scoped3A = tpu.sem_alloc : memref<!tpu.dma_semaphore, #tpu.memory_space<semaphore_mem>>
          %dma_start3A_79 = arith.constant 9600 : i32
          %dma_start3A_80 = arith.constant 0 : i32
          %dma_start3A_81 = tpu.memref_slice %arg11[%dma_start3A_79, %dma_start3A_80] : memref<10240x128xbf16, #tpu.memory_space<vmem_shared>> -> memref<400x128xbf16, #tpu.memory_space<vmem_shared>>
          %dma_start3A_82 = arith.constant 9600 : i32
          %dma_start3A_83 = arith.constant 0 : i32
          %dma_start3A_84 = tpu.memref_slice %arg5[%dma_start3A_82, %dma_start3A_83] : memref<10000x128xbf16, #tpu.memory_space<hbm>> -> memref<400x128xbf16, #tpu.memory_space<hbm>>
          tpu.enqueue_dma source(%dma_start3A_84 : memref<400x128xbf16, #tpu.memory_space<hbm>>) target(%dma_start3A_81 : memref<400x128xbf16, #tpu.memory_space<vmem_shared>>) target_semaphore(%run_scoped3A : memref<!tpu.dma_semaphore, #tpu.memory_space<semaphore_mem>>)
          %dma_wait3A = arith.constant 9600 : i32
          %dma_wait3A_85 = arith.constant 0 : i32
          %dma_wait3A_86 = tpu.memref_slice %arg11[%dma_wait3A, %dma_wait3A_85] : memref<10240x128xbf16, #tpu.memory_space<vmem_shared>> -> memref<400x128xbf16, #tpu.memory_space<vmem_shared>>
          %dma_wait3A_87 = arith.constant 9600 : i32
          %dma_wait3A_88 = arith.constant 0 : i32
          %dma_wait3A_89 = tpu.memref_slice %arg5[%dma_wait3A_87, %dma_wait3A_88] : memref<10000x128xbf16, #tpu.memory_space<hbm>> -> memref<400x128xbf16, #tpu.memory_space<hbm>>
          tpu.wait_dma2 semaphore(%run_scoped3A : memref<!tpu.dma_semaphore, #tpu.memory_space<semaphore_mem>>) src(%dma_wait3A_89 : memref<400x128xbf16, #tpu.memory_space<hbm>>) dst(%dma_wait3A_86 : memref<400x128xbf16, #tpu.memory_space<vmem_shared>>)
          tpu.yield
        }) : () -> ()
      } else {
      }
    } else {
    }
    %barrier3A = arith.constant 0 : index
    tpu.barrier barrier_id(%barrier3A)
    %lt3A_32 = arith.constant 2 : i32
    %lt3A_33 = arith.cmpi slt, %arg1, %lt3A_32 : i32
    %jit3A = arith.constant 79 : i32
    %jit3A_34 = arith.constant 78 : i32
    %select_n3A = arith.select %lt3A_33, %jit3A, %jit3A_34 : i32
    %dma_start3A = arith.constant 0 : i32
    %dma_start3A_35 = arith.constant 0 : i32
    %dma_start3A_36 = tpu.memref_slice %arg7[%dma_start3A, %dma_start3A_35] : memref<79x128xi32, #tpu.memory_space<vmem>> -> memref<1x128xi32, #tpu.memory_space<vmem>>
    %dma_start3A_37 = tpu.memref_squeeze %dma_start3A_36 : memref<1x128xi32, #tpu.memory_space<vmem>> -> memref<128xi32, #tpu.memory_space<vmem>>
    %dma_start3A_38 = arith.constant 0 : i32
    %dma_start3A_39 = arith.constant 0 : i32
    %dma_start3A_40 = tpu.memref_slice %arg2[%dma_start3A_38, %dma_start3A_39] : memref<10000x128xbf16, #tpu.memory_space<hbm>> -> memref<10000x128xbf16, #tpu.memory_space<hbm>>
    tpu.enqueue_indirect_dma source(%dma_start3A_40 : memref<10000x128xbf16, #tpu.memory_space<hbm>>) target(%arg9 : memref<128x128xbf16, #tpu.memory_space<vmem>>) offsets(%dma_start3A_37 : memref<128xi32, #tpu.memory_space<vmem>>) semaphore(%arg12 : memref<!tpu.dma_semaphore, #tpu.memory_space<semaphore_mem>>)
    %dma_start3A_41 = arith.constant 1 : i32
    %dma_start3A_42 = arith.constant 0 : i32
    %dma_start3A_43 = tpu.memref_slice %arg7[%dma_start3A_41, %dma_start3A_42] : memref<79x128xi32, #tpu.memory_space<vmem>> -> memref<1x128xi32, #tpu.memory_space<vmem>>
    %dma_start3A_44 = tpu.memref_squeeze %dma_start3A_43 : memref<1x128xi32, #tpu.memory_space<vmem>> -> memref<128xi32, #tpu.memory_space<vmem>>
    %dma_start3A_45 = arith.constant 0 : i32
    %dma_start3A_46 = arith.constant 0 : i32
    %dma_start3A_47 = tpu.memref_slice %arg2[%dma_start3A_45, %dma_start3A_46] : memref<10000x128xbf16, #tpu.memory_space<hbm>> -> memref<10000x128xbf16, #tpu.memory_space<hbm>>
    tpu.enqueue_indirect_dma source(%dma_start3A_47 : memref<10000x128xbf16, #tpu.memory_space<hbm>>) target(%arg10 : memref<128x128xbf16, #tpu.memory_space<vmem>>) offsets(%dma_start3A_44 : memref<128xi32, #tpu.memory_space<vmem>>) semaphore(%arg13 : memref<!tpu.dma_semaphore, #tpu.memory_space<semaphore_mem>>)
    %scan3A = arith.constant 0 : i32
    %scan3A_48 = arith.constant 0 : i32
    %scan3A_49 = arith.constant 39 : i32
    %scan3A_50 = arith.addi %scan3A_48, %scan3A_49 : i32
    %scan3A_51 = arith.constant 1 : i32
    scf.for %scan3A_69 = %scan3A_48 to %scan3A_50 step %scan3A_51  : i32 {
      %mul3A_70 = arith.constant 2 : i32
      %mul3A_71 = arith.muli %scan3A_69, %mul3A_70 : i32
      %add3A_72 = arith.constant 0 : i32
      %add3A_73 = arith.addi %mul3A_71, %add3A_72 : i32
      %dma_wait3A = arith.constant 0 : i32
      %dma_wait3A_74 = tpu.memref_slice %arg7[%add3A_73, %dma_wait3A] : memref<79x128xi32, #tpu.memory_space<vmem>> -> memref<1x128xi32, #tpu.memory_space<vmem>>
      %dma_wait3A_75 = tpu.memref_squeeze %dma_wait3A_74 : memref<1x128xi32, #tpu.memory_space<vmem>> -> memref<128xi32, #tpu.memory_space<vmem>>
      %dma_wait3A_76 = arith.constant 0 : i32
      %dma_wait3A_77 = arith.constant 0 : i32
      %dma_wait3A_78 = tpu.memref_slice %arg2[%dma_wait3A_76, %dma_wait3A_77] : memref<10000x128xbf16, #tpu.memory_space<hbm>> -> memref<10000x128xbf16, #tpu.memory_space<hbm>>
      tpu.wait_indirect_dma semaphore(%arg12 : memref<!tpu.dma_semaphore, #tpu.memory_space<semaphore_mem>>) src(%dma_wait3A_78 : memref<10000x128xbf16, #tpu.memory_space<hbm>>) dst(%arg9 : memref<128x128xbf16, #tpu.memory_space<vmem>>)
      "tpu.region"() ({
        %run_scoped3A = tpu.sem_alloc : memref<!tpu.dma_semaphore, #tpu.memory_space<semaphore_mem>>
        %dma_start3A_101 = arith.constant 0 : i32
        %dma_start3A_102 = tpu.memref_slice %arg8[%add3A_73, %dma_start3A_101] : memref<79x128xi32, #tpu.memory_space<vmem>> -> memref<1x128xi32, #tpu.memory_space<vmem>>
        %dma_start3A_103 = tpu.memref_squeeze %dma_start3A_102 : memref<1x128xi32, #tpu.memory_space<vmem>> -> memref<128xi32, #tpu.memory_space<vmem>>
        %dma_start3A_104 = arith.constant 0 : i32
        %dma_start3A_105 = arith.constant 0 : i32
        %dma_start3A_106 = tpu.memref_slice %arg11[%dma_start3A_104, %dma_start3A_105] : memref<10240x128xbf16, #tpu.memory_space<vmem_shared>> -> memref<10240x128xbf16, #tpu.memory_space<vmem_shared>>
        tpu.enqueue_indirect_dma source(%arg9 : memref<128x128xbf16, #tpu.memory_space<vmem>>) target(%dma_start3A_106 : memref<10240x128xbf16, #tpu.memory_space<vmem_shared>>) offsets(%dma_start3A_103 : memref<128xi32, #tpu.memory_space<vmem>>) semaphore(%run_scoped3A : memref<!tpu.dma_semaphore, #tpu.memory_space<semaphore_mem>>) {add = true}
        %dma_wait3A_107 = arith.constant 0 : i32
        %dma_wait3A_108 = tpu.memref_slice %arg8[%add3A_73, %dma_wait3A_107] : memref<79x128xi32, #tpu.memory_space<vmem>> -> memref<1x128xi32, #tpu.memory_space<vmem>>
        %dma_wait3A_109 = tpu.memref_squeeze %dma_wait3A_108 : memref<1x128xi32, #tpu.memory_space<vmem>> -> memref<128xi32, #tpu.memory_space<vmem>>
        %dma_wait3A_110 = arith.constant 0 : i32
        %dma_wait3A_111 = arith.constant 0 : i32
        %dma_wait3A_112 = tpu.memref_slice %arg11[%dma_wait3A_110, %dma_wait3A_111] : memref<10240x128xbf16, #tpu.memory_space<vmem_shared>> -> memref<10240x128xbf16, #tpu.memory_space<vmem_shared>>
        tpu.wait_indirect_dma semaphore(%run_scoped3A : memref<!tpu.dma_semaphore, #tpu.memory_space<semaphore_mem>>) src(%arg9 : memref<128x128xbf16, #tpu.memory_space<vmem>>) dst(%dma_wait3A_112 : memref<10240x128xbf16, #tpu.memory_space<vmem_shared>>)
        tpu.yield
      }) : () -> ()
      %add3A_79 = arith.constant 2 : i32
      %add3A_80 = arith.addi %add3A_73, %add3A_79 : i32
      %lt3A_81 = arith.cmpi slt, %add3A_80, %select_n3A : i32
      %convert_element_type3A_82 = arith.extui %lt3A_81 : i1 to i32
      %cond3A_83 = arith.constant 0 : i32
      %cond3A_84 = arith.cmpi ne, %convert_element_type3A_82, %cond3A_83 : i32
      scf.if %cond3A_84 {
        %add3A_101 = arith.constant 2 : i32
        %add3A_102 = arith.addi %add3A_73, %add3A_101 : i32
        %dma_start3A_103 = arith.constant 0 : i32
        %dma_start3A_104 = tpu.memref_slice %arg7[%add3A_102, %dma_start3A_103] : memref<79x128xi32, #tpu.memory_space<vmem>> -> memref<1x128xi32, #tpu.memory_space<vmem>>
        %dma_start3A_105 = tpu.memref_squeeze %dma_start3A_104 : memref<1x128xi32, #tpu.memory_space<vmem>> -> memref<128xi32, #tpu.memory_space<vmem>>
        %dma_start3A_106 = arith.constant 0 : i32
        %dma_start3A_107 = arith.constant 0 : i32
        %dma_start3A_108 = tpu.memref_slice %arg2[%dma_start3A_106, %dma_start3A_107] : memref<10000x128xbf16, #tpu.memory_space<hbm>> -> memref<10000x128xbf16, #tpu.memory_space<hbm>>
        tpu.enqueue_indirect_dma source(%dma_start3A_108 : memref<10000x128xbf16, #tpu.memory_space<hbm>>) target(%arg9 : memref<128x128xbf16, #tpu.memory_space<vmem>>) offsets(%dma_start3A_105 : memref<128xi32, #tpu.memory_space<vmem>>) semaphore(%arg12 : memref<!tpu.dma_semaphore, #tpu.memory_space<semaphore_mem>>)
      } else {
      }
      %mul3A_85 = arith.constant 2 : i32
      %mul3A_86 = arith.muli %scan3A_69, %mul3A_85 : i32
      %add3A_87 = arith.constant 1 : i32
      %add3A_88 = arith.addi %mul3A_86, %add3A_87 : i32
      %dma_wait3A_89 = arith.constant 0 : i32
      %dma_wait3A_90 = tpu.memref_slice %arg7[%add3A_88, %dma_wait3A_89] : memref<79x128xi32, #tpu.memory_space<vmem>> -> memref<1x128xi32, #tpu.memory_space<vmem>>
      %dma_wait3A_91 = tpu.memref_squeeze %dma_wait3A_90 : memref<1x128xi32, #tpu.memory_space<vmem>> -> memref<128xi32, #tpu.memory_space<vmem>>
      %dma_wait3A_92 = arith.constant 0 : i32
      %dma_wait3A_93 = arith.constant 0 : i32
      %dma_wait3A_94 = tpu.memref_slice %arg2[%dma_wait3A_92, %dma_wait3A_93] : memref<10000x128xbf16, #tpu.memory_space<hbm>> -> memref<10000x128xbf16, #tpu.memory_space<hbm>>
      tpu.wait_indirect_dma semaphore(%arg13 : memref<!tpu.dma_semaphore, #tpu.memory_space<semaphore_mem>>) src(%dma_wait3A_94 : memref<10000x128xbf16, #tpu.memory_space<hbm>>) dst(%arg10 : memref<128x128xbf16, #tpu.memory_space<vmem>>)
      "tpu.region"() ({
        %run_scoped3A = tpu.sem_alloc : memref<!tpu.dma_semaphore, #tpu.memory_space<semaphore_mem>>
        %dma_start3A_101 = arith.constant 0 : i32
        %dma_start3A_102 = tpu.memref_slice %arg8[%add3A_88, %dma_start3A_101] : memref<79x128xi32, #tpu.memory_space<vmem>> -> memref<1x128xi32, #tpu.memory_space<vmem>>
        %dma_start3A_103 = tpu.memref_squeeze %dma_start3A_102 : memref<1x128xi32, #tpu.memory_space<vmem>> -> memref<128xi32, #tpu.memory_space<vmem>>
        %dma_start3A_104 = arith.constant 0 : i32
        %dma_start3A_105 = arith.constant 0 : i32
        %dma_start3A_106 = tpu.memref_slice %arg11[%dma_start3A_104, %dma_start3A_105] : memref<10240x128xbf16, #tpu.memory_space<vmem_shared>> -> memref<10240x128xbf16, #tpu.memory_space<vmem_shared>>
        tpu.enqueue_indirect_dma source(%arg10 : memref<128x128xbf16, #tpu.memory_space<vmem>>) target(%dma_start3A_106 : memref<10240x128xbf16, #tpu.memory_space<vmem_shared>>) offsets(%dma_start3A_103 : memref<128xi32, #tpu.memory_space<vmem>>) semaphore(%run_scoped3A : memref<!tpu.dma_semaphore, #tpu.memory_space<semaphore_mem>>) {add = true}
        %dma_wait3A_107 = arith.constant 0 : i32
        %dma_wait3A_108 = tpu.memref_slice %arg8[%add3A_88, %dma_wait3A_107] : memref<79x128xi32, #tpu.memory_space<vmem>> -> memref<1x128xi32, #tpu.memory_space<vmem>>
        %dma_wait3A_109 = tpu.memref_squeeze %dma_wait3A_108 : memref<1x128xi32, #tpu.memory_space<vmem>> -> memref<128xi32, #tpu.memory_space<vmem>>
        %dma_wait3A_110 = arith.constant 0 : i32
        %dma_wait3A_111 = arith.constant 0 : i32
        %dma_wait3A_112 = tpu.memref_slice %arg11[%dma_wait3A_110, %dma_wait3A_111] : memref<10240x128xbf16, #tpu.memory_space<vmem_shared>> -> memref<10240x128xbf16, #tpu.memory_space<vmem_shared>>
        tpu.wait_indirect_dma semaphore(%run_scoped3A : memref<!tpu.dma_semaphore, #tpu.memory_space<semaphore_mem>>) src(%arg10 : memref<128x128xbf16, #tpu.memory_space<vmem>>) dst(%dma_wait3A_112 : memref<10240x128xbf16, #tpu.memory_space<vmem_shared>>)
        tpu.yield
      }) : () -> ()
      %add3A_95 = arith.constant 2 : i32
      %add3A_96 = arith.addi %add3A_88, %add3A_95 : i32
      %lt3A_97 = arith.cmpi slt, %add3A_96, %select_n3A : i32
      %convert_element_type3A_98 = arith.extui %lt3A_97 : i1 to i32
      %cond3A_99 = arith.constant 0 : i32
      %cond3A_100 = arith.cmpi ne, %convert_element_type3A_98, %cond3A_99 : i32
      scf.if %cond3A_100 {
        %add3A_101 = arith.constant 2 : i32
        %add3A_102 = arith.addi %add3A_88, %add3A_101 : i32
        %dma_start3A_103 = arith.constant 0 : i32
        %dma_start3A_104 = tpu.memref_slice %arg7[%add3A_102, %dma_start3A_103] : memref<79x128xi32, #tpu.memory_space<vmem>> -> memref<1x128xi32, #tpu.memory_space<vmem>>
        %dma_start3A_105 = tpu.memref_squeeze %dma_start3A_104 : memref<1x128xi32, #tpu.memory_space<vmem>> -> memref<128xi32, #tpu.memory_space<vmem>>
        %dma_start3A_106 = arith.constant 0 : i32
        %dma_start3A_107 = arith.constant 0 : i32
        %dma_start3A_108 = tpu.memref_slice %arg2[%dma_start3A_106, %dma_start3A_107] : memref<10000x128xbf16, #tpu.memory_space<hbm>> -> memref<10000x128xbf16, #tpu.memory_space<hbm>>
        tpu.enqueue_indirect_dma source(%dma_start3A_108 : memref<10000x128xbf16, #tpu.memory_space<hbm>>) target(%arg10 : memref<128x128xbf16, #tpu.memory_space<vmem>>) offsets(%dma_start3A_105 : memref<128xi32, #tpu.memory_space<vmem>>) semaphore(%arg13 : memref<!tpu.dma_semaphore, #tpu.memory_space<semaphore_mem>>)
      } else {
      }
    }
    %scan3A_52 = arith.constant 39 : i32
    %lt3A_53 = arith.constant 2 : i32
    %lt3A_54 = arith.cmpi slt, %arg1, %lt3A_53 : i32
    %convert_element_type3A_55 = arith.extui %lt3A_54 : i1 to i32
    %cond3A_56 = arith.constant 0 : i32
    %cond3A_57 = arith.cmpi ne, %convert_element_type3A_55, %cond3A_56 : i32
    scf.if %cond3A_57 {
      %dma_wait3A = arith.constant 78 : i32
      %dma_wait3A_69 = arith.constant 0 : i32
      %dma_wait3A_70 = tpu.memref_slice %arg7[%dma_wait3A, %dma_wait3A_69] : memref<79x128xi32, #tpu.memory_space<vmem>> -> memref<1x128xi32, #tpu.memory_space<vmem>>
      %dma_wait3A_71 = tpu.memref_squeeze %dma_wait3A_70 : memref<1x128xi32, #tpu.memory_space<vmem>> -> memref<128xi32, #tpu.memory_space<vmem>>
      %dma_wait3A_72 = arith.constant 0 : i32
      %dma_wait3A_73 = arith.constant 0 : i32
      %dma_wait3A_74 = tpu.memref_slice %arg2[%dma_wait3A_72, %dma_wait3A_73] : memref<10000x128xbf16, #tpu.memory_space<hbm>> -> memref<10000x128xbf16, #tpu.memory_space<hbm>>
      tpu.wait_indirect_dma semaphore(%arg12 : memref<!tpu.dma_semaphore, #tpu.memory_space<semaphore_mem>>) src(%dma_wait3A_74 : memref<10000x128xbf16, #tpu.memory_space<hbm>>) dst(%arg9 : memref<128x128xbf16, #tpu.memory_space<vmem>>)
      %run_scoped3A = arith.constant 78 : i32
      "tpu.region"() ({
        %run_scoped3A_75 = tpu.sem_alloc : memref<!tpu.dma_semaphore, #tpu.memory_space<semaphore_mem>>
        %dma_start3A_76 = arith.constant 0 : i32
        %dma_start3A_77 = tpu.memref_slice %arg8[%run_scoped3A, %dma_start3A_76] : memref<79x128xi32, #tpu.memory_space<vmem>> -> memref<1x128xi32, #tpu.memory_space<vmem>>
        %dma_start3A_78 = tpu.memref_squeeze %dma_start3A_77 : memref<1x128xi32, #tpu.memory_space<vmem>> -> memref<128xi32, #tpu.memory_space<vmem>>
        %dma_start3A_79 = arith.constant 0 : i32
        %dma_start3A_80 = arith.constant 0 : i32
        %dma_start3A_81 = tpu.memref_slice %arg11[%dma_start3A_79, %dma_start3A_80] : memref<10240x128xbf16, #tpu.memory_space<vmem_shared>> -> memref<10240x128xbf16, #tpu.memory_space<vmem_shared>>
        tpu.enqueue_indirect_dma source(%arg9 : memref<128x128xbf16, #tpu.memory_space<vmem>>) target(%dma_start3A_81 : memref<10240x128xbf16, #tpu.memory_space<vmem_shared>>) offsets(%dma_start3A_78 : memref<128xi32, #tpu.memory_space<vmem>>) semaphore(%run_scoped3A_75 : memref<!tpu.dma_semaphore, #tpu.memory_space<semaphore_mem>>) {add = true}
        %dma_wait3A_82 = arith.constant 0 : i32
        %dma_wait3A_83 = tpu.memref_slice %arg8[%run_scoped3A, %dma_wait3A_82] : memref<79x128xi32, #tpu.memory_space<vmem>> -> memref<1x128xi32, #tpu.memory_space<vmem>>
        %dma_wait3A_84 = tpu.memref_squeeze %dma_wait3A_83 : memref<1x128xi32, #tpu.memory_space<vmem>> -> memref<128xi32, #tpu.memory_space<vmem>>
        %dma_wait3A_85 = arith.constant 0 : i32
        %dma_wait3A_86 = arith.constant 0 : i32
        %dma_wait3A_87 = tpu.memref_slice %arg11[%dma_wait3A_85, %dma_wait3A_86] : memref<10240x128xbf16, #tpu.memory_space<vmem_shared>> -> memref<10240x128xbf16, #tpu.memory_space<vmem_shared>>
        tpu.wait_indirect_dma semaphore(%run_scoped3A_75 : memref<!tpu.dma_semaphore, #tpu.memory_space<semaphore_mem>>) src(%arg9 : memref<128x128xbf16, #tpu.memory_space<vmem>>) dst(%dma_wait3A_87 : memref<10240x128xbf16, #tpu.memory_space<vmem_shared>>)
        tpu.yield
      }) : () -> ()
    } else {
    }
    %barrier3A_58 = arith.constant 0 : index
    tpu.barrier barrier_id(%barrier3A_58)
    %lt3A_59 = arith.constant 15 : i32
    %lt3A_60 = arith.cmpi slt, %arg1, %lt3A_59 : i32
    %convert_element_type3A_61 = arith.extui %lt3A_60 : i1 to i32
    %cond3A_62 = arith.constant 0 : i32
    %cond3A_63 = arith.cmpi ne, %convert_element_type3A_61, %cond3A_62 : i32
    scf.if %cond3A_63 {
      %mul3A_69 = arith.constant 640 : i32
      %mul3A_70 = arith.muli %arg1, %mul3A_69 : i32
      "tpu.region"() ({
        %run_scoped3A = tpu.sem_alloc : memref<!tpu.dma_semaphore, #tpu.memory_space<semaphore_mem>>
        %dma_start3A_71 = arith.constant 0 : i32
        %dma_start3A_72 = tpu.memref_slice %arg6[%arg0, %mul3A_70, %dma_start3A_71] : memref<2x10000x128xbf16, #tpu.memory_space<hbm>> -> memref<1x640x128xbf16, #tpu.memory_space<hbm>>
        %dma_start3A_73 = tpu.memref_squeeze %dma_start3A_72 : memref<1x640x128xbf16, #tpu.memory_space<hbm>> -> memref<640x128xbf16, #tpu.memory_space<hbm>>
        %dma_start3A_74 = arith.constant 0 : i32
        %dma_start3A_75 = tpu.memref_slice %arg11[%mul3A_70, %dma_start3A_74] : memref<10240x128xbf16, #tpu.memory_space<vmem_shared>> -> memref<640x128xbf16, #tpu.memory_space<vmem_shared>>
        tpu.enqueue_dma source(%dma_start3A_75 : memref<640x128xbf16, #tpu.memory_space<vmem_shared>>) target(%dma_start3A_73 : memref<640x128xbf16, #tpu.memory_space<hbm>>) target_semaphore(%run_scoped3A : memref<!tpu.dma_semaphore, #tpu.memory_space<semaphore_mem>>)
        %dma_wait3A = arith.constant 0 : i32
        %dma_wait3A_76 = tpu.memref_slice %arg6[%arg0, %mul3A_70, %dma_wait3A] : memref<2x10000x128xbf16, #tpu.memory_space<hbm>> -> memref<1x640x128xbf16, #tpu.memory_space<hbm>>
        %dma_wait3A_77 = tpu.memref_squeeze %dma_wait3A_76 : memref<1x640x128xbf16, #tpu.memory_space<hbm>> -> memref<640x128xbf16, #tpu.memory_space<hbm>>
        %dma_wait3A_78 = arith.constant 0 : i32
        %dma_wait3A_79 = tpu.memref_slice %arg11[%mul3A_70, %dma_wait3A_78] : memref<10240x128xbf16, #tpu.memory_space<vmem_shared>> -> memref<640x128xbf16, #tpu.memory_space<vmem_shared>>
        tpu.wait_dma2 semaphore(%run_scoped3A : memref<!tpu.dma_semaphore, #tpu.memory_space<semaphore_mem>>) src(%dma_wait3A_79 : memref<640x128xbf16, #tpu.memory_space<vmem_shared>>) dst(%dma_wait3A_77 : memref<640x128xbf16, #tpu.memory_space<hbm>>)
        tpu.yield
      }) : () -> ()
    } else {
    }
    %eq3A_64 = arith.constant 15 : i32
    %eq3A_65 = arith.cmpi eq, %arg1, %eq3A_64 : i32
    %convert_element_type3A_66 = arith.extui %eq3A_65 : i1 to i32
    %cond3A_67 = arith.constant 0 : i32
    %cond3A_68 = arith.cmpi ne, %convert_element_type3A_66, %cond3A_67 : i32
    scf.if %cond3A_68 {
      "tpu.region"() ({
        %run_scoped3A = tpu.sem_alloc : memref<!tpu.dma_semaphore, #tpu.memory_space<semaphore_mem>>
        %dma_start3A_69 = arith.constant 9600 : i32
        %dma_start3A_70 = arith.constant 0 : i32
        %dma_start3A_71 = tpu.memref_slice %arg6[%arg0, %dma_start3A_69, %dma_start3A_70] : memref<2x10000x128xbf16, #tpu.memory_space<hbm>> -> memref<1x400x128xbf16, #tpu.memory_space<hbm>>
        %dma_start3A_72 = tpu.memref_squeeze %dma_start3A_71 : memref<1x400x128xbf16, #tpu.memory_space<hbm>> -> memref<400x128xbf16, #tpu.memory_space<hbm>>
        %dma_start3A_73 = arith.constant 9600 : i32
        %dma_start3A_74 = arith.constant 0 : i32
        %dma_start3A_75 = tpu.memref_slice %arg11[%dma_start3A_73, %dma_start3A_74] : memref<10240x128xbf16, #tpu.memory_space<vmem_shared>> -> memref<400x128xbf16, #tpu.memory_space<vmem_shared>>
        tpu.enqueue_dma source(%dma_start3A_75 : memref<400x128xbf16, #tpu.memory_space<vmem_shared>>) target(%dma_start3A_72 : memref<400x128xbf16, #tpu.memory_space<hbm>>) target_semaphore(%run_scoped3A : memref<!tpu.dma_semaphore, #tpu.memory_space<semaphore_mem>>)
        %dma_wait3A = arith.constant 9600 : i32
        %dma_wait3A_76 = arith.constant 0 : i32
        %dma_wait3A_77 = tpu.memref_slice %arg6[%arg0, %dma_wait3A, %dma_wait3A_76] : memref<2x10000x128xbf16, #tpu.memory_space<hbm>> -> memref<1x400x128xbf16, #tpu.memory_space<hbm>>
        %dma_wait3A_78 = tpu.memref_squeeze %dma_wait3A_77 : memref<1x400x128xbf16, #tpu.memory_space<hbm>> -> memref<400x128xbf16, #tpu.memory_space<hbm>>
        %dma_wait3A_79 = arith.constant 9600 : i32
        %dma_wait3A_80 = arith.constant 0 : i32
        %dma_wait3A_81 = tpu.memref_slice %arg11[%dma_wait3A_79, %dma_wait3A_80] : memref<10240x128xbf16, #tpu.memory_space<vmem_shared>> -> memref<400x128xbf16, #tpu.memory_space<vmem_shared>>
        tpu.wait_dma2 semaphore(%run_scoped3A : memref<!tpu.dma_semaphore, #tpu.memory_space<semaphore_mem>>) src(%dma_wait3A_81 : memref<400x128xbf16, #tpu.memory_space<vmem_shared>>) dst(%dma_wait3A_78 : memref<400x128xbf16, #tpu.memory_space<hbm>>)
        tpu.yield
      }) : () -> ()
    } else {
    }
    return
  }
}

#map = affine_map<(d0, d1) -> (0, 0)>
#map1 = affine_map<(d0, d1) -> (0, 0, 0)>
module attributes {stable_mosaic.version = 14 : i64} {
  func.func @_prop_body(%arg0: i32, %arg1: i32, %arg2: memref<10000x128xbf16, #tpu.memory_space<hbm>>, %arg3: memref<2x1250x128xi32, #tpu.memory_space<hbm>>, %arg4: memref<2x1250x128xi32, #tpu.memory_space<hbm>>, %arg5: memref<10000x128xbf16, #tpu.memory_space<hbm>>, %arg6: memref<2x10000x128xbf16, #tpu.memory_space<hbm>>, %arg7: memref<79x128xi32, #tpu.memory_space<vmem>>, %arg8: memref<79x128xi32, #tpu.memory_space<vmem>>, %arg9: memref<128x128xbf16, #tpu.memory_space<vmem>>, %arg10: memref<128x128xbf16, #tpu.memory_space<vmem>>, %arg11: memref<10240x128xbf16, #tpu.memory_space<vmem_shared>>, %arg12: memref<!tpu.dma_semaphore, #tpu.memory_space<semaphore_mem>>, %arg13: memref<!tpu.dma_semaphore, #tpu.memory_space<semaphore_mem>>) attributes {dimension_semantics = [#tpu.dimension_semantics<core_parallel>, #tpu.dimension_semantics<subcore_parallel>], iteration_bounds = array<i64: 2, 16>, scalar_prefetch = 0 : i64, scratch_operands = 7 : i64, tpu.core_type = #tpu.core_type<sc_vector_subcore>, window_params = [{transform_indices = #map}, {transform_indices = #map1}, {transform_indices = #map1}, {transform_indices = #map}, {transform_indices = #map1}]} {
    %mul3A = arith.constant 78 : i32
    %mul3A_0 = arith.muli %arg1, %mul3A : i32
    %min3A = arith.constant 2 : i32
    %min3A_1 = arith.minsi %arg1, %min3A : i32
    %add3A = arith.addi %mul3A_0, %min3A_1 : i32
    %lt3A = arith.constant 2 : i32
    %lt3A_2 = arith.cmpi slt, %arg1, %lt3A : i32
    %convert_element_type3A = arith.extui %lt3A_2 : i1 to i32
    %cond3A = arith.constant 0 : i32
    %cond3A_3 = arith.cmpi ne, %convert_element_type3A, %cond3A : i32
    scf.if %cond3A_3 {
      "tpu.region"() ({
        %run_scoped3A = tpu.sem_alloc : memref<!tpu.dma_semaphore, #tpu.memory_space<semaphore_mem>>
        %dma_start3A_69 = arith.constant 0 : i32
        %dma_start3A_70 = tpu.memref_slice %arg3[%arg0, %add3A, %dma_start3A_69] : memref<2x1250x128xi32, #tpu.memory_space<hbm>> -> memref<1x79x128xi32, #tpu.memory_space<hbm>>
        %dma_start3A_71 = tpu.memref_squeeze %dma_start3A_70 : memref<1x79x128xi32, #tpu.memory_space<hbm>> -> memref<79x128xi32, #tpu.memory_space<hbm>>
        %dma_start3A_72 = arith.constant 0 : i32
        %dma_start3A_73 = tpu.memref_slice %arg3[%arg0, %add3A, %dma_start3A_72] : memref<2x1250x128xi32, #tpu.memory_space<hbm>> -> memref<1x79x128xi32, #tpu.memory_space<hbm>>
        %dma_start3A_74 = tpu.memref_squeeze %dma_start3A_73 : memref<1x79x128xi32, #tpu.memory_space<hbm>> -> memref<79x128xi32, #tpu.memory_space<hbm>>
        tpu.enqueue_dma source(%dma_start3A_74 : memref<79x128xi32, #tpu.memory_space<hbm>>) target(%arg7 : memref<79x128xi32, #tpu.memory_space<vmem>>) target_semaphore(%run_scoped3A : memref<!tpu.dma_semaphore, #tpu.memory_space<semaphore_mem>>)
        %dma_wait3A = arith.constant 0 : i32
        %dma_wait3A_75 = tpu.memref_slice %arg3[%arg0, %add3A, %dma_wait3A] : memref<2x1250x128xi32, #tpu.memory_space<hbm>> -> memref<1x79x128xi32, #tpu.memory_space<hbm>>
        %dma_wait3A_76 = tpu.memref_squeeze %dma_wait3A_75 : memref<1x79x128xi32, #tpu.memory_space<hbm>> -> memref<79x128xi32, #tpu.memory_space<hbm>>
        %dma_wait3A_77 = arith.constant 0 : i32
        %dma_wait3A_78 = tpu.memref_slice %arg3[%arg0, %add3A, %dma_wait3A_77] : memref<2x1250x128xi32, #tpu.memory_space<hbm>> -> memref<1x79x128xi32, #tpu.memory_space<hbm>>
        %dma_wait3A_79 = tpu.memref_squeeze %dma_wait3A_78 : memref<1x79x128xi32, #tpu.memory_space<hbm>> -> memref<79x128xi32, #tpu.memory_space<hbm>>
        tpu.wait_dma2 semaphore(%run_scoped3A : memref<!tpu.dma_semaphore, #tpu.memory_space<semaphore_mem>>) src(%dma_wait3A_79 : memref<79x128xi32, #tpu.memory_space<hbm>>) dst(%arg7 : memref<79x128xi32, #tpu.memory_space<vmem>>)
        tpu.yield
      }) : () -> ()
    } else {
    }
    %ge3A = arith.constant 2 : i32
    %ge3A_4 = arith.cmpi sge, %arg1, %ge3A : i32
    %convert_element_type3A_5 = arith.extui %ge3A_4 : i1 to i32
    %cond3A_6 = arith.constant 0 : i32
    %cond3A_7 = arith.cmpi ne, %convert_element_type3A_5, %cond3A_6 : i32
    scf.if %cond3A_7 {
      "tpu.region"() ({
        %run_scoped3A = tpu.sem_alloc : memref<!tpu.dma_semaphore, #tpu.memory_space<semaphore_mem>>
        %dma_start3A_69 = arith.constant 0 : i32
        %dma_start3A_70 = arith.constant 0 : i32
        %dma_start3A_71 = tpu.memref_slice %arg7[%dma_start3A_69, %dma_start3A_70] : memref<79x128xi32, #tpu.memory_space<vmem>> -> memref<78x128xi32, #tpu.memory_space<vmem>>
        %dma_start3A_72 = arith.constant 0 : i32
        %dma_start3A_73 = tpu.memref_slice %arg3[%arg0, %add3A, %dma_start3A_72] : memref<2x1250x128xi32, #tpu.memory_space<hbm>> -> memref<1x78x128xi32, #tpu.memory_space<hbm>>
        %dma_start3A_74 = tpu.memref_squeeze %dma_start3A_73 : memref<1x78x128xi32, #tpu.memory_space<hbm>> -> memref<78x128xi32, #tpu.memory_space<hbm>>
        %dma_start3A_75 = arith.constant 0 : i32
        %dma_start3A_76 = arith.constant 0 : i32
        %dma_start3A_77 = tpu.memref_slice %arg7[%dma_start3A_75, %dma_start3A_76] : memref<79x128xi32, #tpu.memory_space<vmem>> -> memref<78x128xi32, #tpu.memory_space<vmem>>
        %dma_start3A_78 = arith.constant 0 : i32
        %dma_start3A_79 = tpu.memref_slice %arg3[%arg0, %add3A, %dma_start3A_78] : memref<2x1250x128xi32, #tpu.memory_space<hbm>> -> memref<1x78x128xi32, #tpu.memory_space<hbm>>
        %dma_start3A_80 = tpu.memref_squeeze %dma_start3A_79 : memref<1x78x128xi32, #tpu.memory_space<hbm>> -> memref<78x128xi32, #tpu.memory_space<hbm>>
        tpu.enqueue_dma source(%dma_start3A_80 : memref<78x128xi32, #tpu.memory_space<hbm>>) target(%dma_start3A_77 : memref<78x128xi32, #tpu.memory_space<vmem>>) target_semaphore(%run_scoped3A : memref<!tpu.dma_semaphore, #tpu.memory_space<semaphore_mem>>)
        %dma_wait3A = arith.constant 0 : i32
        %dma_wait3A_81 = arith.constant 0 : i32
        %dma_wait3A_82 = tpu.memref_slice %arg7[%dma_wait3A, %dma_wait3A_81] : memref<79x128xi32, #tpu.memory_space<vmem>> -> memref<78x128xi32, #tpu.memory_space<vmem>>
        %dma_wait3A_83 = arith.constant 0 : i32
        %dma_wait3A_84 = tpu.memref_slice %arg3[%arg0, %add3A, %dma_wait3A_83] : memref<2x1250x128xi32, #tpu.memory_space<hbm>> -> memref<1x78x128xi32, #tpu.memory_space<hbm>>
        %dma_wait3A_85 = tpu.memref_squeeze %dma_wait3A_84 : memref<1x78x128xi32, #tpu.memory_space<hbm>> -> memref<78x128xi32, #tpu.memory_space<hbm>>
        %dma_wait3A_86 = arith.constant 0 : i32
        %dma_wait3A_87 = arith.constant 0 : i32
        %dma_wait3A_88 = tpu.memref_slice %arg7[%dma_wait3A_86, %dma_wait3A_87] : memref<79x128xi32, #tpu.memory_space<vmem>> -> memref<78x128xi32, #tpu.memory_space<vmem>>
        %dma_wait3A_89 = arith.constant 0 : i32
        %dma_wait3A_90 = tpu.memref_slice %arg3[%arg0, %add3A, %dma_wait3A_89] : memref<2x1250x128xi32, #tpu.memory_space<hbm>> -> memref<1x78x128xi32, #tpu.memory_space<hbm>>
        %dma_wait3A_91 = tpu.memref_squeeze %dma_wait3A_90 : memref<1x78x128xi32, #tpu.memory_space<hbm>> -> memref<78x128xi32, #tpu.memory_space<hbm>>
        tpu.wait_dma2 semaphore(%run_scoped3A : memref<!tpu.dma_semaphore, #tpu.memory_space<semaphore_mem>>) src(%dma_wait3A_91 : memref<78x128xi32, #tpu.memory_space<hbm>>) dst(%dma_wait3A_88 : memref<78x128xi32, #tpu.memory_space<vmem>>)
        tpu.yield
      }) : () -> ()
    } else {
    }
    %mul3A_8 = arith.constant 78 : i32
    %mul3A_9 = arith.muli %arg1, %mul3A_8 : i32
    %min3A_10 = arith.constant 2 : i32
    %min3A_11 = arith.minsi %arg1, %min3A_10 : i32
    %add3A_12 = arith.addi %mul3A_9, %min3A_11 : i32
    %lt3A_13 = arith.constant 2 : i32
    %lt3A_14 = arith.cmpi slt, %arg1, %lt3A_13 : i32
    %convert_element_type3A_15 = arith.extui %lt3A_14 : i1 to i32
    %cond3A_16 = arith.constant 0 : i32
    %cond3A_17 = arith.cmpi ne, %convert_element_type3A_15, %cond3A_16 : i32
    scf.if %cond3A_17 {
      "tpu.region"() ({
        %run_scoped3A = tpu.sem_alloc : memref<!tpu.dma_semaphore, #tpu.memory_space<semaphore_mem>>
        %dma_start3A_69 = arith.constant 0 : i32
        %dma_start3A_70 = tpu.memref_slice %arg4[%arg0, %add3A_12, %dma_start3A_69] : memref<2x1250x128xi32, #tpu.memory_space<hbm>> -> memref<1x79x128xi32, #tpu.memory_space<hbm>>
        %dma_start3A_71 = tpu.memref_squeeze %dma_start3A_70 : memref<1x79x128xi32, #tpu.memory_space<hbm>> -> memref<79x128xi32, #tpu.memory_space<hbm>>
        %dma_start3A_72 = arith.constant 0 : i32
        %dma_start3A_73 = tpu.memref_slice %arg4[%arg0, %add3A_12, %dma_start3A_72] : memref<2x1250x128xi32, #tpu.memory_space<hbm>> -> memref<1x79x128xi32, #tpu.memory_space<hbm>>
        %dma_start3A_74 = tpu.memref_squeeze %dma_start3A_73 : memref<1x79x128xi32, #tpu.memory_space<hbm>> -> memref<79x128xi32, #tpu.memory_space<hbm>>
        tpu.enqueue_dma source(%dma_start3A_74 : memref<79x128xi32, #tpu.memory_space<hbm>>) target(%arg8 : memref<79x128xi32, #tpu.memory_space<vmem>>) target_semaphore(%run_scoped3A : memref<!tpu.dma_semaphore, #tpu.memory_space<semaphore_mem>>)
        %dma_wait3A = arith.constant 0 : i32
        %dma_wait3A_75 = tpu.memref_slice %arg4[%arg0, %add3A_12, %dma_wait3A] : memref<2x1250x128xi32, #tpu.memory_space<hbm>> -> memref<1x79x128xi32, #tpu.memory_space<hbm>>
        %dma_wait3A_76 = tpu.memref_squeeze %dma_wait3A_75 : memref<1x79x128xi32, #tpu.memory_space<hbm>> -> memref<79x128xi32, #tpu.memory_space<hbm>>
        %dma_wait3A_77 = arith.constant 0 : i32
        %dma_wait3A_78 = tpu.memref_slice %arg4[%arg0, %add3A_12, %dma_wait3A_77] : memref<2x1250x128xi32, #tpu.memory_space<hbm>> -> memref<1x79x128xi32, #tpu.memory_space<hbm>>
        %dma_wait3A_79 = tpu.memref_squeeze %dma_wait3A_78 : memref<1x79x128xi32, #tpu.memory_space<hbm>> -> memref<79x128xi32, #tpu.memory_space<hbm>>
        tpu.wait_dma2 semaphore(%run_scoped3A : memref<!tpu.dma_semaphore, #tpu.memory_space<semaphore_mem>>) src(%dma_wait3A_79 : memref<79x128xi32, #tpu.memory_space<hbm>>) dst(%arg8 : memref<79x128xi32, #tpu.memory_space<vmem>>)
        tpu.yield
      }) : () -> ()
    } else {
    }
    %ge3A_18 = arith.constant 2 : i32
    %ge3A_19 = arith.cmpi sge, %arg1, %ge3A_18 : i32
    %convert_element_type3A_20 = arith.extui %ge3A_19 : i1 to i32
    %cond3A_21 = arith.constant 0 : i32
    %cond3A_22 = arith.cmpi ne, %convert_element_type3A_20, %cond3A_21 : i32
    scf.if %cond3A_22 {
      "tpu.region"() ({
        %run_scoped3A = tpu.sem_alloc : memref<!tpu.dma_semaphore, #tpu.memory_space<semaphore_mem>>
        %dma_start3A_69 = arith.constant 0 : i32
        %dma_start3A_70 = arith.constant 0 : i32
        %dma_start3A_71 = tpu.memref_slice %arg8[%dma_start3A_69, %dma_start3A_70] : memref<79x128xi32, #tpu.memory_space<vmem>> -> memref<78x128xi32, #tpu.memory_space<vmem>>
        %dma_start3A_72 = arith.constant 0 : i32
        %dma_start3A_73 = tpu.memref_slice %arg4[%arg0, %add3A_12, %dma_start3A_72] : memref<2x1250x128xi32, #tpu.memory_space<hbm>> -> memref<1x78x128xi32, #tpu.memory_space<hbm>>
        %dma_start3A_74 = tpu.memref_squeeze %dma_start3A_73 : memref<1x78x128xi32, #tpu.memory_space<hbm>> -> memref<78x128xi32, #tpu.memory_space<hbm>>
        %dma_start3A_75 = arith.constant 0 : i32
        %dma_start3A_76 = arith.constant 0 : i32
        %dma_start3A_77 = tpu.memref_slice %arg8[%dma_start3A_75, %dma_start3A_76] : memref<79x128xi32, #tpu.memory_space<vmem>> -> memref<78x128xi32, #tpu.memory_space<vmem>>
        %dma_start3A_78 = arith.constant 0 : i32
        %dma_start3A_79 = tpu.memref_slice %arg4[%arg0, %add3A_12, %dma_start3A_78] : memref<2x1250x128xi32, #tpu.memory_space<hbm>> -> memref<1x78x128xi32, #tpu.memory_space<hbm>>
        %dma_start3A_80 = tpu.memref_squeeze %dma_start3A_79 : memref<1x78x128xi32, #tpu.memory_space<hbm>> -> memref<78x128xi32, #tpu.memory_space<hbm>>
        tpu.enqueue_dma source(%dma_start3A_80 : memref<78x128xi32, #tpu.memory_space<hbm>>) target(%dma_start3A_77 : memref<78x128xi32, #tpu.memory_space<vmem>>) target_semaphore(%run_scoped3A : memref<!tpu.dma_semaphore, #tpu.memory_space<semaphore_mem>>)
        %dma_wait3A = arith.constant 0 : i32
        %dma_wait3A_81 = arith.constant 0 : i32
        %dma_wait3A_82 = tpu.memref_slice %arg8[%dma_wait3A, %dma_wait3A_81] : memref<79x128xi32, #tpu.memory_space<vmem>> -> memref<78x128xi32, #tpu.memory_space<vmem>>
        %dma_wait3A_83 = arith.constant 0 : i32
        %dma_wait3A_84 = tpu.memref_slice %arg4[%arg0, %add3A_12, %dma_wait3A_83] : memref<2x1250x128xi32, #tpu.memory_space<hbm>> -> memref<1x78x128xi32, #tpu.memory_space<hbm>>
        %dma_wait3A_85 = tpu.memref_squeeze %dma_wait3A_84 : memref<1x78x128xi32, #tpu.memory_space<hbm>> -> memref<78x128xi32, #tpu.memory_space<hbm>>
        %dma_wait3A_86 = arith.constant 0 : i32
        %dma_wait3A_87 = arith.constant 0 : i32
        %dma_wait3A_88 = tpu.memref_slice %arg8[%dma_wait3A_86, %dma_wait3A_87] : memref<79x128xi32, #tpu.memory_space<vmem>> -> memref<78x128xi32, #tpu.memory_space<vmem>>
        %dma_wait3A_89 = arith.constant 0 : i32
        %dma_wait3A_90 = tpu.memref_slice %arg4[%arg0, %add3A_12, %dma_wait3A_89] : memref<2x1250x128xi32, #tpu.memory_space<hbm>> -> memref<1x78x128xi32, #tpu.memory_space<hbm>>
        %dma_wait3A_91 = tpu.memref_squeeze %dma_wait3A_90 : memref<1x78x128xi32, #tpu.memory_space<hbm>> -> memref<78x128xi32, #tpu.memory_space<hbm>>
        tpu.wait_dma2 semaphore(%run_scoped3A : memref<!tpu.dma_semaphore, #tpu.memory_space<semaphore_mem>>) src(%dma_wait3A_91 : memref<78x128xi32, #tpu.memory_space<hbm>>) dst(%dma_wait3A_88 : memref<78x128xi32, #tpu.memory_space<vmem>>)
        tpu.yield
      }) : () -> ()
    } else {
    }
    %eq3A = arith.constant 0 : i32
    %eq3A_23 = arith.cmpi eq, %arg0, %eq3A : i32
    %convert_element_type3A_24 = arith.extui %eq3A_23 : i1 to i32
    %cond3A_25 = arith.constant 0 : i32
    %cond3A_26 = arith.cmpi ne, %convert_element_type3A_24, %cond3A_25 : i32
    scf.if %cond3A_26 {
      %lt3A_69 = arith.constant 15 : i32
      %lt3A_70 = arith.cmpi slt, %arg1, %lt3A_69 : i32
      %convert_element_type3A_71 = arith.extui %lt3A_70 : i1 to i32
      %cond3A_72 = arith.constant 0 : i32
      %cond3A_73 = arith.cmpi ne, %convert_element_type3A_71, %cond3A_72 : i32
      scf.if %cond3A_73 {
        %mul3A_79 = arith.constant 640 : i32
        %mul3A_80 = arith.muli %arg1, %mul3A_79 : i32
        "tpu.region"() ({
          %run_scoped3A = tpu.sem_alloc : memref<!tpu.dma_semaphore, #tpu.memory_space<semaphore_mem>>
          %dma_start3A_81 = arith.constant 0 : i32
          %dma_start3A_82 = tpu.memref_slice %arg11[%mul3A_80, %dma_start3A_81] : memref<10240x128xbf16, #tpu.memory_space<vmem_shared>> -> memref<640x128xbf16, #tpu.memory_space<vmem_shared>>
          %dma_start3A_83 = arith.constant 0 : i32
          %dma_start3A_84 = tpu.memref_slice %arg2[%mul3A_80, %dma_start3A_83] : memref<10000x128xbf16, #tpu.memory_space<hbm>> -> memref<640x128xbf16, #tpu.memory_space<hbm>>
          tpu.enqueue_dma source(%dma_start3A_84 : memref<640x128xbf16, #tpu.memory_space<hbm>>) target(%dma_start3A_82 : memref<640x128xbf16, #tpu.memory_space<vmem_shared>>) target_semaphore(%run_scoped3A : memref<!tpu.dma_semaphore, #tpu.memory_space<semaphore_mem>>)
          %dma_wait3A = arith.constant 0 : i32
          %dma_wait3A_85 = tpu.memref_slice %arg11[%mul3A_80, %dma_wait3A] : memref<10240x128xbf16, #tpu.memory_space<vmem_shared>> -> memref<640x128xbf16, #tpu.memory_space<vmem_shared>>
          %dma_wait3A_86 = arith.constant 0 : i32
          %dma_wait3A_87 = tpu.memref_slice %arg2[%mul3A_80, %dma_wait3A_86] : memref<10000x128xbf16, #tpu.memory_space<hbm>> -> memref<640x128xbf16, #tpu.memory_space<hbm>>
          tpu.wait_dma2 semaphore(%run_scoped3A : memref<!tpu.dma_semaphore, #tpu.memory_space<semaphore_mem>>) src(%dma_wait3A_87 : memref<640x128xbf16, #tpu.memory_space<hbm>>) dst(%dma_wait3A_85 : memref<640x128xbf16, #tpu.memory_space<vmem_shared>>)
          tpu.yield
        }) : () -> ()
      } else {
      }
      %eq3A_74 = arith.constant 15 : i32
      %eq3A_75 = arith.cmpi eq, %arg1, %eq3A_74 : i32
      %convert_element_type3A_76 = arith.extui %eq3A_75 : i1 to i32
      %cond3A_77 = arith.constant 0 : i32
      %cond3A_78 = arith.cmpi ne, %convert_element_type3A_76, %cond3A_77 : i32
      scf.if %cond3A_78 {
        "tpu.region"() ({
          %run_scoped3A = tpu.sem_alloc : memref<!tpu.dma_semaphore, #tpu.memory_space<semaphore_mem>>
          %dma_start3A_79 = arith.constant 9600 : i32
          %dma_start3A_80 = arith.constant 0 : i32
          %dma_start3A_81 = tpu.memref_slice %arg11[%dma_start3A_79, %dma_start3A_80] : memref<10240x128xbf16, #tpu.memory_space<vmem_shared>> -> memref<400x128xbf16, #tpu.memory_space<vmem_shared>>
          %dma_start3A_82 = arith.constant 9600 : i32
          %dma_start3A_83 = arith.constant 0 : i32
          %dma_start3A_84 = tpu.memref_slice %arg2[%dma_start3A_82, %dma_start3A_83] : memref<10000x128xbf16, #tpu.memory_space<hbm>> -> memref<400x128xbf16, #tpu.memory_space<hbm>>
          tpu.enqueue_dma source(%dma_start3A_84 : memref<400x128xbf16, #tpu.memory_space<hbm>>) target(%dma_start3A_81 : memref<400x128xbf16, #tpu.memory_space<vmem_shared>>) target_semaphore(%run_scoped3A : memref<!tpu.dma_semaphore, #tpu.memory_space<semaphore_mem>>)
          %dma_wait3A = arith.constant 9600 : i32
          %dma_wait3A_85 = arith.constant 0 : i32
          %dma_wait3A_86 = tpu.memref_slice %arg11[%dma_wait3A, %dma_wait3A_85] : memref<10240x128xbf16, #tpu.memory_space<vmem_shared>> -> memref<400x128xbf16, #tpu.memory_space<vmem_shared>>
          %dma_wait3A_87 = arith.constant 9600 : i32
          %dma_wait3A_88 = arith.constant 0 : i32
          %dma_wait3A_89 = tpu.memref_slice %arg2[%dma_wait3A_87, %dma_wait3A_88] : memref<10000x128xbf16, #tpu.memory_space<hbm>> -> memref<400x128xbf16, #tpu.memory_space<hbm>>
          tpu.wait_dma2 semaphore(%run_scoped3A : memref<!tpu.dma_semaphore, #tpu.memory_space<semaphore_mem>>) src(%dma_wait3A_89 : memref<400x128xbf16, #tpu.memory_space<hbm>>) dst(%dma_wait3A_86 : memref<400x128xbf16, #tpu.memory_space<vmem_shared>>)
          tpu.yield
        }) : () -> ()
      } else {
      }
    } else {
    }
    %eq3A_27 = arith.constant 1 : i32
    %eq3A_28 = arith.cmpi eq, %arg0, %eq3A_27 : i32
    %convert_element_type3A_29 = arith.extui %eq3A_28 : i1 to i32
    %cond3A_30 = arith.constant 0 : i32
    %cond3A_31 = arith.cmpi ne, %convert_element_type3A_29, %cond3A_30 : i32
    scf.if %cond3A_31 {
      %lt3A_69 = arith.constant 15 : i32
      %lt3A_70 = arith.cmpi slt, %arg1, %lt3A_69 : i32
      %convert_element_type3A_71 = arith.extui %lt3A_70 : i1 to i32
      %cond3A_72 = arith.constant 0 : i32
      %cond3A_73 = arith.cmpi ne, %convert_element_type3A_71, %cond3A_72 : i32
      scf.if %cond3A_73 {
        %mul3A_79 = arith.constant 640 : i32
        %mul3A_80 = arith.muli %arg1, %mul3A_79 : i32
        "tpu.region"() ({
          %run_scoped3A = tpu.sem_alloc : memref<!tpu.dma_semaphore, #tpu.memory_space<semaphore_mem>>
          %dma_start3A_81 = arith.constant 0 : i32
          %dma_start3A_82 = tpu.memref_slice %arg11[%mul3A_80, %dma_start3A_81] : memref<10240x128xbf16, #tpu.memory_space<vmem_shared>> -> memref<640x128xbf16, #tpu.memory_space<vmem_shared>>
          %dma_start3A_83 = arith.constant 0 : i32
          %dma_start3A_84 = tpu.memref_slice %arg5[%mul3A_80, %dma_start3A_83] : memref<10000x128xbf16, #tpu.memory_space<hbm>> -> memref<640x128xbf16, #tpu.memory_space<hbm>>
          tpu.enqueue_dma source(%dma_start3A_84 : memref<640x128xbf16, #tpu.memory_space<hbm>>) target(%dma_start3A_82 : memref<640x128xbf16, #tpu.memory_space<vmem_shared>>) target_semaphore(%run_scoped3A : memref<!tpu.dma_semaphore, #tpu.memory_space<semaphore_mem>>)
          %dma_wait3A = arith.constant 0 : i32
          %dma_wait3A_85 = tpu.memref_slice %arg11[%mul3A_80, %dma_wait3A] : memref<10240x128xbf16, #tpu.memory_space<vmem_shared>> -> memref<640x128xbf16, #tpu.memory_space<vmem_shared>>
          %dma_wait3A_86 = arith.constant 0 : i32
          %dma_wait3A_87 = tpu.memref_slice %arg5[%mul3A_80, %dma_wait3A_86] : memref<10000x128xbf16, #tpu.memory_space<hbm>> -> memref<640x128xbf16, #tpu.memory_space<hbm>>
          tpu.wait_dma2 semaphore(%run_scoped3A : memref<!tpu.dma_semaphore, #tpu.memory_space<semaphore_mem>>) src(%dma_wait3A_87 : memref<640x128xbf16, #tpu.memory_space<hbm>>) dst(%dma_wait3A_85 : memref<640x128xbf16, #tpu.memory_space<vmem_shared>>)
          tpu.yield
        }) : () -> ()
      } else {
      }
      %eq3A_74 = arith.constant 15 : i32
      %eq3A_75 = arith.cmpi eq, %arg1, %eq3A_74 : i32
      %convert_element_type3A_76 = arith.extui %eq3A_75 : i1 to i32
      %cond3A_77 = arith.constant 0 : i32
      %cond3A_78 = arith.cmpi ne, %convert_element_type3A_76, %cond3A_77 : i32
      scf.if %cond3A_78 {
        "tpu.region"() ({
          %run_scoped3A = tpu.sem_alloc : memref<!tpu.dma_semaphore, #tpu.memory_space<semaphore_mem>>
          %dma_start3A_79 = arith.constant 9600 : i32
          %dma_start3A_80 = arith.constant 0 : i32
          %dma_start3A_81 = tpu.memref_slice %arg11[%dma_start3A_79, %dma_start3A_80] : memref<10240x128xbf16, #tpu.memory_space<vmem_shared>> -> memref<400x128xbf16, #tpu.memory_space<vmem_shared>>
          %dma_start3A_82 = arith.constant 9600 : i32
          %dma_start3A_83 = arith.constant 0 : i32
          %dma_start3A_84 = tpu.memref_slice %arg5[%dma_start3A_82, %dma_start3A_83] : memref<10000x128xbf16, #tpu.memory_space<hbm>> -> memref<400x128xbf16, #tpu.memory_space<hbm>>
          tpu.enqueue_dma source(%dma_start3A_84 : memref<400x128xbf16, #tpu.memory_space<hbm>>) target(%dma_start3A_81 : memref<400x128xbf16, #tpu.memory_space<vmem_shared>>) target_semaphore(%run_scoped3A : memref<!tpu.dma_semaphore, #tpu.memory_space<semaphore_mem>>)
          %dma_wait3A = arith.constant 9600 : i32
          %dma_wait3A_85 = arith.constant 0 : i32
          %dma_wait3A_86 = tpu.memref_slice %arg11[%dma_wait3A, %dma_wait3A_85] : memref<10240x128xbf16, #tpu.memory_space<vmem_shared>> -> memref<400x128xbf16, #tpu.memory_space<vmem_shared>>
          %dma_wait3A_87 = arith.constant 9600 : i32
          %dma_wait3A_88 = arith.constant 0 : i32
          %dma_wait3A_89 = tpu.memref_slice %arg5[%dma_wait3A_87, %dma_wait3A_88] : memref<10000x128xbf16, #tpu.memory_space<hbm>> -> memref<400x128xbf16, #tpu.memory_space<hbm>>
          tpu.wait_dma2 semaphore(%run_scoped3A : memref<!tpu.dma_semaphore, #tpu.memory_space<semaphore_mem>>) src(%dma_wait3A_89 : memref<400x128xbf16, #tpu.memory_space<hbm>>) dst(%dma_wait3A_86 : memref<400x128xbf16, #tpu.memory_space<vmem_shared>>)
          tpu.yield
        }) : () -> ()
      } else {
      }
    } else {
    }
    %barrier3A = arith.constant 0 : index
    tpu.barrier barrier_id(%barrier3A)
    %lt3A_32 = arith.constant 2 : i32
    %lt3A_33 = arith.cmpi slt, %arg1, %lt3A_32 : i32
    %jit3A = arith.constant 79 : i32
    %jit3A_34 = arith.constant 78 : i32
    %select_n3A = arith.select %lt3A_33, %jit3A, %jit3A_34 : i32
    %dma_start3A = arith.constant 0 : i32
    %dma_start3A_35 = arith.constant 0 : i32
    %dma_start3A_36 = tpu.memref_slice %arg7[%dma_start3A, %dma_start3A_35] : memref<79x128xi32, #tpu.memory_space<vmem>> -> memref<1x128xi32, #tpu.memory_space<vmem>>
    %dma_start3A_37 = tpu.memref_squeeze %dma_start3A_36 : memref<1x128xi32, #tpu.memory_space<vmem>> -> memref<128xi32, #tpu.memory_space<vmem>>
    %dma_start3A_38 = arith.constant 0 : i32
    %dma_start3A_39 = arith.constant 0 : i32
    %dma_start3A_40 = tpu.memref_slice %arg2[%dma_start3A_38, %dma_start3A_39] : memref<10000x128xbf16, #tpu.memory_space<hbm>> -> memref<10000x128xbf16, #tpu.memory_space<hbm>>
    tpu.enqueue_indirect_dma source(%dma_start3A_40 : memref<10000x128xbf16, #tpu.memory_space<hbm>>) target(%arg9 : memref<128x128xbf16, #tpu.memory_space<vmem>>) offsets(%dma_start3A_37 : memref<128xi32, #tpu.memory_space<vmem>>) semaphore(%arg12 : memref<!tpu.dma_semaphore, #tpu.memory_space<semaphore_mem>>)
    %dma_start3A_41 = arith.constant 1 : i32
    %dma_start3A_42 = arith.constant 0 : i32
    %dma_start3A_43 = tpu.memref_slice %arg7[%dma_start3A_41, %dma_start3A_42] : memref<79x128xi32, #tpu.memory_space<vmem>> -> memref<1x128xi32, #tpu.memory_space<vmem>>
    %dma_start3A_44 = tpu.memref_squeeze %dma_start3A_43 : memref<1x128xi32, #tpu.memory_space<vmem>> -> memref<128xi32, #tpu.memory_space<vmem>>
    %dma_start3A_45 = arith.constant 0 : i32
    %dma_start3A_46 = arith.constant 0 : i32
    %dma_start3A_47 = tpu.memref_slice %arg2[%dma_start3A_45, %dma_start3A_46] : memref<10000x128xbf16, #tpu.memory_space<hbm>> -> memref<10000x128xbf16, #tpu.memory_space<hbm>>
    tpu.enqueue_indirect_dma source(%dma_start3A_47 : memref<10000x128xbf16, #tpu.memory_space<hbm>>) target(%arg10 : memref<128x128xbf16, #tpu.memory_space<vmem>>) offsets(%dma_start3A_44 : memref<128xi32, #tpu.memory_space<vmem>>) semaphore(%arg13 : memref<!tpu.dma_semaphore, #tpu.memory_space<semaphore_mem>>)
    %scan3A = arith.constant 0 : i32
    %scan3A_48 = arith.constant 0 : i32
    %scan3A_49 = arith.constant 39 : i32
    %scan3A_50 = arith.addi %scan3A_48, %scan3A_49 : i32
    %scan3A_51 = arith.constant 1 : i32
    scf.for %scan3A_69 = %scan3A_48 to %scan3A_50 step %scan3A_51  : i32 {
      %mul3A_70 = arith.constant 2 : i32
      %mul3A_71 = arith.muli %scan3A_69, %mul3A_70 : i32
      %add3A_72 = arith.constant 0 : i32
      %add3A_73 = arith.addi %mul3A_71, %add3A_72 : i32
      %dma_wait3A = arith.constant 0 : i32
      %dma_wait3A_74 = tpu.memref_slice %arg7[%add3A_73, %dma_wait3A] : memref<79x128xi32, #tpu.memory_space<vmem>> -> memref<1x128xi32, #tpu.memory_space<vmem>>
      %dma_wait3A_75 = tpu.memref_squeeze %dma_wait3A_74 : memref<1x128xi32, #tpu.memory_space<vmem>> -> memref<128xi32, #tpu.memory_space<vmem>>
      %dma_wait3A_76 = arith.constant 0 : i32
      %dma_wait3A_77 = arith.constant 0 : i32
      %dma_wait3A_78 = tpu.memref_slice %arg2[%dma_wait3A_76, %dma_wait3A_77] : memref<10000x128xbf16, #tpu.memory_space<hbm>> -> memref<10000x128xbf16, #tpu.memory_space<hbm>>
      tpu.wait_indirect_dma semaphore(%arg12 : memref<!tpu.dma_semaphore, #tpu.memory_space<semaphore_mem>>) src(%dma_wait3A_78 : memref<10000x128xbf16, #tpu.memory_space<hbm>>) dst(%arg9 : memref<128x128xbf16, #tpu.memory_space<vmem>>)
      "tpu.region"() ({
        %run_scoped3A = tpu.sem_alloc : memref<!tpu.dma_semaphore, #tpu.memory_space<semaphore_mem>>
        %dma_start3A_101 = arith.constant 0 : i32
        %dma_start3A_102 = tpu.memref_slice %arg8[%add3A_73, %dma_start3A_101] : memref<79x128xi32, #tpu.memory_space<vmem>> -> memref<1x128xi32, #tpu.memory_space<vmem>>
        %dma_start3A_103 = tpu.memref_squeeze %dma_start3A_102 : memref<1x128xi32, #tpu.memory_space<vmem>> -> memref<128xi32, #tpu.memory_space<vmem>>
        %dma_start3A_104 = arith.constant 0 : i32
        %dma_start3A_105 = arith.constant 0 : i32
        %dma_start3A_106 = tpu.memref_slice %arg11[%dma_start3A_104, %dma_start3A_105] : memref<10240x128xbf16, #tpu.memory_space<vmem_shared>> -> memref<10240x128xbf16, #tpu.memory_space<vmem_shared>>
        tpu.enqueue_indirect_dma source(%arg9 : memref<128x128xbf16, #tpu.memory_space<vmem>>) target(%dma_start3A_106 : memref<10240x128xbf16, #tpu.memory_space<vmem_shared>>) offsets(%dma_start3A_103 : memref<128xi32, #tpu.memory_space<vmem>>) semaphore(%run_scoped3A : memref<!tpu.dma_semaphore, #tpu.memory_space<semaphore_mem>>) {add = true}
        %dma_wait3A_107 = arith.constant 0 : i32
        %dma_wait3A_108 = tpu.memref_slice %arg8[%add3A_73, %dma_wait3A_107] : memref<79x128xi32, #tpu.memory_space<vmem>> -> memref<1x128xi32, #tpu.memory_space<vmem>>
        %dma_wait3A_109 = tpu.memref_squeeze %dma_wait3A_108 : memref<1x128xi32, #tpu.memory_space<vmem>> -> memref<128xi32, #tpu.memory_space<vmem>>
        %dma_wait3A_110 = arith.constant 0 : i32
        %dma_wait3A_111 = arith.constant 0 : i32
        %dma_wait3A_112 = tpu.memref_slice %arg11[%dma_wait3A_110, %dma_wait3A_111] : memref<10240x128xbf16, #tpu.memory_space<vmem_shared>> -> memref<10240x128xbf16, #tpu.memory_space<vmem_shared>>
        tpu.wait_indirect_dma semaphore(%run_scoped3A : memref<!tpu.dma_semaphore, #tpu.memory_space<semaphore_mem>>) src(%arg9 : memref<128x128xbf16, #tpu.memory_space<vmem>>) dst(%dma_wait3A_112 : memref<10240x128xbf16, #tpu.memory_space<vmem_shared>>)
        tpu.yield
      }) : () -> ()
      %add3A_79 = arith.constant 2 : i32
      %add3A_80 = arith.addi %add3A_73, %add3A_79 : i32
      %lt3A_81 = arith.cmpi slt, %add3A_80, %select_n3A : i32
      %convert_element_type3A_82 = arith.extui %lt3A_81 : i1 to i32
      %cond3A_83 = arith.constant 0 : i32
      %cond3A_84 = arith.cmpi ne, %convert_element_type3A_82, %cond3A_83 : i32
      scf.if %cond3A_84 {
        %add3A_101 = arith.constant 2 : i32
        %add3A_102 = arith.addi %add3A_73, %add3A_101 : i32
        %dma_start3A_103 = arith.constant 0 : i32
        %dma_start3A_104 = tpu.memref_slice %arg7[%add3A_102, %dma_start3A_103] : memref<79x128xi32, #tpu.memory_space<vmem>> -> memref<1x128xi32, #tpu.memory_space<vmem>>
        %dma_start3A_105 = tpu.memref_squeeze %dma_start3A_104 : memref<1x128xi32, #tpu.memory_space<vmem>> -> memref<128xi32, #tpu.memory_space<vmem>>
        %dma_start3A_106 = arith.constant 0 : i32
        %dma_start3A_107 = arith.constant 0 : i32
        %dma_start3A_108 = tpu.memref_slice %arg2[%dma_start3A_106, %dma_start3A_107] : memref<10000x128xbf16, #tpu.memory_space<hbm>> -> memref<10000x128xbf16, #tpu.memory_space<hbm>>
        tpu.enqueue_indirect_dma source(%dma_start3A_108 : memref<10000x128xbf16, #tpu.memory_space<hbm>>) target(%arg9 : memref<128x128xbf16, #tpu.memory_space<vmem>>) offsets(%dma_start3A_105 : memref<128xi32, #tpu.memory_space<vmem>>) semaphore(%arg12 : memref<!tpu.dma_semaphore, #tpu.memory_space<semaphore_mem>>)
      } else {
      }
      %mul3A_85 = arith.constant 2 : i32
      %mul3A_86 = arith.muli %scan3A_69, %mul3A_85 : i32
      %add3A_87 = arith.constant 1 : i32
      %add3A_88 = arith.addi %mul3A_86, %add3A_87 : i32
      %dma_wait3A_89 = arith.constant 0 : i32
      %dma_wait3A_90 = tpu.memref_slice %arg7[%add3A_88, %dma_wait3A_89] : memref<79x128xi32, #tpu.memory_space<vmem>> -> memref<1x128xi32, #tpu.memory_space<vmem>>
      %dma_wait3A_91 = tpu.memref_squeeze %dma_wait3A_90 : memref<1x128xi32, #tpu.memory_space<vmem>> -> memref<128xi32, #tpu.memory_space<vmem>>
      %dma_wait3A_92 = arith.constant 0 : i32
      %dma_wait3A_93 = arith.constant 0 : i32
      %dma_wait3A_94 = tpu.memref_slice %arg2[%dma_wait3A_92, %dma_wait3A_93] : memref<10000x128xbf16, #tpu.memory_space<hbm>> -> memref<10000x128xbf16, #tpu.memory_space<hbm>>
      tpu.wait_indirect_dma semaphore(%arg13 : memref<!tpu.dma_semaphore, #tpu.memory_space<semaphore_mem>>) src(%dma_wait3A_94 : memref<10000x128xbf16, #tpu.memory_space<hbm>>) dst(%arg10 : memref<128x128xbf16, #tpu.memory_space<vmem>>)
      "tpu.region"() ({
        %run_scoped3A = tpu.sem_alloc : memref<!tpu.dma_semaphore, #tpu.memory_space<semaphore_mem>>
        %dma_start3A_101 = arith.constant 0 : i32
        %dma_start3A_102 = tpu.memref_slice %arg8[%add3A_88, %dma_start3A_101] : memref<79x128xi32, #tpu.memory_space<vmem>> -> memref<1x128xi32, #tpu.memory_space<vmem>>
        %dma_start3A_103 = tpu.memref_squeeze %dma_start3A_102 : memref<1x128xi32, #tpu.memory_space<vmem>> -> memref<128xi32, #tpu.memory_space<vmem>>
        %dma_start3A_104 = arith.constant 0 : i32
        %dma_start3A_105 = arith.constant 0 : i32
        %dma_start3A_106 = tpu.memref_slice %arg11[%dma_start3A_104, %dma_start3A_105] : memref<10240x128xbf16, #tpu.memory_space<vmem_shared>> -> memref<10240x128xbf16, #tpu.memory_space<vmem_shared>>
        tpu.enqueue_indirect_dma source(%arg10 : memref<128x128xbf16, #tpu.memory_space<vmem>>) target(%dma_start3A_106 : memref<10240x128xbf16, #tpu.memory_space<vmem_shared>>) offsets(%dma_start3A_103 : memref<128xi32, #tpu.memory_space<vmem>>) semaphore(%run_scoped3A : memref<!tpu.dma_semaphore, #tpu.memory_space<semaphore_mem>>) {add = true}
        %dma_wait3A_107 = arith.constant 0 : i32
        %dma_wait3A_108 = tpu.memref_slice %arg8[%add3A_88, %dma_wait3A_107] : memref<79x128xi32, #tpu.memory_space<vmem>> -> memref<1x128xi32, #tpu.memory_space<vmem>>
        %dma_wait3A_109 = tpu.memref_squeeze %dma_wait3A_108 : memref<1x128xi32, #tpu.memory_space<vmem>> -> memref<128xi32, #tpu.memory_space<vmem>>
        %dma_wait3A_110 = arith.constant 0 : i32
        %dma_wait3A_111 = arith.constant 0 : i32
        %dma_wait3A_112 = tpu.memref_slice %arg11[%dma_wait3A_110, %dma_wait3A_111] : memref<10240x128xbf16, #tpu.memory_space<vmem_shared>> -> memref<10240x128xbf16, #tpu.memory_space<vmem_shared>>
        tpu.wait_indirect_dma semaphore(%run_scoped3A : memref<!tpu.dma_semaphore, #tpu.memory_space<semaphore_mem>>) src(%arg10 : memref<128x128xbf16, #tpu.memory_space<vmem>>) dst(%dma_wait3A_112 : memref<10240x128xbf16, #tpu.memory_space<vmem_shared>>)
        tpu.yield
      }) : () -> ()
      %add3A_95 = arith.constant 2 : i32
      %add3A_96 = arith.addi %add3A_88, %add3A_95 : i32
      %lt3A_97 = arith.cmpi slt, %add3A_96, %select_n3A : i32
      %convert_element_type3A_98 = arith.extui %lt3A_97 : i1 to i32
      %cond3A_99 = arith.constant 0 : i32
      %cond3A_100 = arith.cmpi ne, %convert_element_type3A_98, %cond3A_99 : i32
      scf.if %cond3A_100 {
        %add3A_101 = arith.constant 2 : i32
        %add3A_102 = arith.addi %add3A_88, %add3A_101 : i32
        %dma_start3A_103 = arith.constant 0 : i32
        %dma_start3A_104 = tpu.memref_slice %arg7[%add3A_102, %dma_start3A_103] : memref<79x128xi32, #tpu.memory_space<vmem>> -> memref<1x128xi32, #tpu.memory_space<vmem>>
        %dma_start3A_105 = tpu.memref_squeeze %dma_start3A_104 : memref<1x128xi32, #tpu.memory_space<vmem>> -> memref<128xi32, #tpu.memory_space<vmem>>
        %dma_start3A_106 = arith.constant 0 : i32
        %dma_start3A_107 = arith.constant 0 : i32
        %dma_start3A_108 = tpu.memref_slice %arg2[%dma_start3A_106, %dma_start3A_107] : memref<10000x128xbf16, #tpu.memory_space<hbm>> -> memref<10000x128xbf16, #tpu.memory_space<hbm>>
        tpu.enqueue_indirect_dma source(%dma_start3A_108 : memref<10000x128xbf16, #tpu.memory_space<hbm>>) target(%arg10 : memref<128x128xbf16, #tpu.memory_space<vmem>>) offsets(%dma_start3A_105 : memref<128xi32, #tpu.memory_space<vmem>>) semaphore(%arg13 : memref<!tpu.dma_semaphore, #tpu.memory_space<semaphore_mem>>)
      } else {
      }
    }
    %scan3A_52 = arith.constant 39 : i32
    %lt3A_53 = arith.constant 2 : i32
    %lt3A_54 = arith.cmpi slt, %arg1, %lt3A_53 : i32
    %convert_element_type3A_55 = arith.extui %lt3A_54 : i1 to i32
    %cond3A_56 = arith.constant 0 : i32
    %cond3A_57 = arith.cmpi ne, %convert_element_type3A_55, %cond3A_56 : i32
    scf.if %cond3A_57 {
      %dma_wait3A = arith.constant 78 : i32
      %dma_wait3A_69 = arith.constant 0 : i32
      %dma_wait3A_70 = tpu.memref_slice %arg7[%dma_wait3A, %dma_wait3A_69] : memref<79x128xi32, #tpu.memory_space<vmem>> -> memref<1x128xi32, #tpu.memory_space<vmem>>
      %dma_wait3A_71 = tpu.memref_squeeze %dma_wait3A_70 : memref<1x128xi32, #tpu.memory_space<vmem>> -> memref<128xi32, #tpu.memory_space<vmem>>
      %dma_wait3A_72 = arith.constant 0 : i32
      %dma_wait3A_73 = arith.constant 0 : i32
      %dma_wait3A_74 = tpu.memref_slice %arg2[%dma_wait3A_72, %dma_wait3A_73] : memref<10000x128xbf16, #tpu.memory_space<hbm>> -> memref<10000x128xbf16, #tpu.memory_space<hbm>>
      tpu.wait_indirect_dma semaphore(%arg12 : memref<!tpu.dma_semaphore, #tpu.memory_space<semaphore_mem>>) src(%dma_wait3A_74 : memref<10000x128xbf16, #tpu.memory_space<hbm>>) dst(%arg9 : memref<128x128xbf16, #tpu.memory_space<vmem>>)
      %run_scoped3A = arith.constant 78 : i32
      "tpu.region"() ({
        %run_scoped3A_75 = tpu.sem_alloc : memref<!tpu.dma_semaphore, #tpu.memory_space<semaphore_mem>>
        %dma_start3A_76 = arith.constant 0 : i32
        %dma_start3A_77 = tpu.memref_slice %arg8[%run_scoped3A, %dma_start3A_76] : memref<79x128xi32, #tpu.memory_space<vmem>> -> memref<1x128xi32, #tpu.memory_space<vmem>>
        %dma_start3A_78 = tpu.memref_squeeze %dma_start3A_77 : memref<1x128xi32, #tpu.memory_space<vmem>> -> memref<128xi32, #tpu.memory_space<vmem>>
        %dma_start3A_79 = arith.constant 0 : i32
        %dma_start3A_80 = arith.constant 0 : i32
        %dma_start3A_81 = tpu.memref_slice %arg11[%dma_start3A_79, %dma_start3A_80] : memref<10240x128xbf16, #tpu.memory_space<vmem_shared>> -> memref<10240x128xbf16, #tpu.memory_space<vmem_shared>>
        tpu.enqueue_indirect_dma source(%arg9 : memref<128x128xbf16, #tpu.memory_space<vmem>>) target(%dma_start3A_81 : memref<10240x128xbf16, #tpu.memory_space<vmem_shared>>) offsets(%dma_start3A_78 : memref<128xi32, #tpu.memory_space<vmem>>) semaphore(%run_scoped3A_75 : memref<!tpu.dma_semaphore, #tpu.memory_space<semaphore_mem>>) {add = true}
        %dma_wait3A_82 = arith.constant 0 : i32
        %dma_wait3A_83 = tpu.memref_slice %arg8[%run_scoped3A, %dma_wait3A_82] : memref<79x128xi32, #tpu.memory_space<vmem>> -> memref<1x128xi32, #tpu.memory_space<vmem>>
        %dma_wait3A_84 = tpu.memref_squeeze %dma_wait3A_83 : memref<1x128xi32, #tpu.memory_space<vmem>> -> memref<128xi32, #tpu.memory_space<vmem>>
        %dma_wait3A_85 = arith.constant 0 : i32
        %dma_wait3A_86 = arith.constant 0 : i32
        %dma_wait3A_87 = tpu.memref_slice %arg11[%dma_wait3A_85, %dma_wait3A_86] : memref<10240x128xbf16, #tpu.memory_space<vmem_shared>> -> memref<10240x128xbf16, #tpu.memory_space<vmem_shared>>
        tpu.wait_indirect_dma semaphore(%run_scoped3A_75 : memref<!tpu.dma_semaphore, #tpu.memory_space<semaphore_mem>>) src(%arg9 : memref<128x128xbf16, #tpu.memory_space<vmem>>) dst(%dma_wait3A_87 : memref<10240x128xbf16, #tpu.memory_space<vmem_shared>>)
        tpu.yield
      }) : () -> ()
    } else {
    }
    %barrier3A_58 = arith.constant 0 : index
    tpu.barrier barrier_id(%barrier3A_58)
    %lt3A_59 = arith.constant 15 : i32
    %lt3A_60 = arith.cmpi slt, %arg1, %lt3A_59 : i32
    %convert_element_type3A_61 = arith.extui %lt3A_60 : i1 to i32
    %cond3A_62 = arith.constant 0 : i32
    %cond3A_63 = arith.cmpi ne, %convert_element_type3A_61, %cond3A_62 : i32
    scf.if %cond3A_63 {
      %mul3A_69 = arith.constant 640 : i32
      %mul3A_70 = arith.muli %arg1, %mul3A_69 : i32
      "tpu.region"() ({
        %run_scoped3A = tpu.sem_alloc : memref<!tpu.dma_semaphore, #tpu.memory_space<semaphore_mem>>
        %dma_start3A_71 = arith.constant 0 : i32
        %dma_start3A_72 = tpu.memref_slice %arg6[%arg0, %mul3A_70, %dma_start3A_71] : memref<2x10000x128xbf16, #tpu.memory_space<hbm>> -> memref<1x640x128xbf16, #tpu.memory_space<hbm>>
        %dma_start3A_73 = tpu.memref_squeeze %dma_start3A_72 : memref<1x640x128xbf16, #tpu.memory_space<hbm>> -> memref<640x128xbf16, #tpu.memory_space<hbm>>
        %dma_start3A_74 = arith.constant 0 : i32
        %dma_start3A_75 = tpu.memref_slice %arg11[%mul3A_70, %dma_start3A_74] : memref<10240x128xbf16, #tpu.memory_space<vmem_shared>> -> memref<640x128xbf16, #tpu.memory_space<vmem_shared>>
        tpu.enqueue_dma source(%dma_start3A_75 : memref<640x128xbf16, #tpu.memory_space<vmem_shared>>) target(%dma_start3A_73 : memref<640x128xbf16, #tpu.memory_space<hbm>>) target_semaphore(%run_scoped3A : memref<!tpu.dma_semaphore, #tpu.memory_space<semaphore_mem>>)
        %dma_wait3A = arith.constant 0 : i32
        %dma_wait3A_76 = tpu.memref_slice %arg6[%arg0, %mul3A_70, %dma_wait3A] : memref<2x10000x128xbf16, #tpu.memory_space<hbm>> -> memref<1x640x128xbf16, #tpu.memory_space<hbm>>
        %dma_wait3A_77 = tpu.memref_squeeze %dma_wait3A_76 : memref<1x640x128xbf16, #tpu.memory_space<hbm>> -> memref<640x128xbf16, #tpu.memory_space<hbm>>
        %dma_wait3A_78 = arith.constant 0 : i32
        %dma_wait3A_79 = tpu.memref_slice %arg11[%mul3A_70, %dma_wait3A_78] : memref<10240x128xbf16, #tpu.memory_space<vmem_shared>> -> memref<640x128xbf16, #tpu.memory_space<vmem_shared>>
        tpu.wait_dma2 semaphore(%run_scoped3A : memref<!tpu.dma_semaphore, #tpu.memory_space<semaphore_mem>>) src(%dma_wait3A_79 : memref<640x128xbf16, #tpu.memory_space<vmem_shared>>) dst(%dma_wait3A_77 : memref<640x128xbf16, #tpu.memory_space<hbm>>)
        tpu.yield
      }) : () -> ()
    } else {
    }
    %eq3A_64 = arith.constant 15 : i32
    %eq3A_65 = arith.cmpi eq, %arg1, %eq3A_64 : i32
    %convert_element_type3A_66 = arith.extui %eq3A_65 : i1 to i32
    %cond3A_67 = arith.constant 0 : i32
    %cond3A_68 = arith.cmpi ne, %convert_element_type3A_66, %cond3A_67 : i32
    scf.if %cond3A_68 {
      "tpu.region"() ({
        %run_scoped3A = tpu.sem_alloc : memref<!tpu.dma_semaphore, #tpu.memory_space<semaphore_mem>>
        %dma_start3A_69 = arith.constant 9600 : i32
        %dma_start3A_70 = arith.constant 0 : i32
        %dma_start3A_71 = tpu.memref_slice %arg6[%arg0, %dma_start3A_69, %dma_start3A_70] : memref<2x10000x128xbf16, #tpu.memory_space<hbm>> -> memref<1x400x128xbf16, #tpu.memory_space<hbm>>
        %dma_start3A_72 = tpu.memref_squeeze %dma_start3A_71 : memref<1x400x128xbf16, #tpu.memory_space<hbm>> -> memref<400x128xbf16, #tpu.memory_space<hbm>>
        %dma_start3A_73 = arith.constant 9600 : i32
        %dma_start3A_74 = arith.constant 0 : i32
        %dma_start3A_75 = tpu.memref_slice %arg11[%dma_start3A_73, %dma_start3A_74] : memref<10240x128xbf16, #tpu.memory_space<vmem_shared>> -> memref<400x128xbf16, #tpu.memory_space<vmem_shared>>
        tpu.enqueue_dma source(%dma_start3A_75 : memref<400x128xbf16, #tpu.memory_space<vmem_shared>>) target(%dma_start3A_72 : memref<400x128xbf16, #tpu.memory_space<hbm>>) target_semaphore(%run_scoped3A : memref<!tpu.dma_semaphore, #tpu.memory_space<semaphore_mem>>)
        %dma_wait3A = arith.constant 9600 : i32
        %dma_wait3A_76 = arith.constant 0 : i32
        %dma_wait3A_77 = tpu.memref_slice %arg6[%arg0, %dma_wait3A, %dma_wait3A_76] : memref<2x10000x128xbf16, #tpu.memory_space<hbm>> -> memref<1x400x128xbf16, #tpu.memory_space<hbm>>
        %dma_wait3A_78 = tpu.memref_squeeze %dma_wait3A_77 : memref<1x400x128xbf16, #tpu.memory_space<hbm>> -> memref<400x128xbf16, #tpu.memory_space<hbm>>
        %dma_wait3A_79 = arith.constant 9600 : i32
        %dma_wait3A_80 = arith.constant 0 : i32
        %dma_wait3A_81 = tpu.memref_slice %arg11[%dma_wait3A_79, %dma_wait3A_80] : memref<10240x128xbf16, #tpu.memory_space<vmem_shared>> -> memref<400x128xbf16, #tpu.memory_space<vmem_shared>>
        tpu.wait_dma2 semaphore(%run_scoped3A : memref<!tpu.dma_semaphore, #tpu.memory_space<semaphore_mem>>) src(%dma_wait3A_81 : memref<400x128xbf16, #tpu.memory_space<vmem_shared>>) dst(%dma_wait3A_78 : memref<400x128xbf16, #tpu.memory_space<hbm>>)
        tpu.yield
      }) : () -> ()
    } else {
    }
    return
  }
}

module attributes {stable_mosaic.version = 14 : i64} {
  func.func @_mm0_body(%arg0: i32, %arg1: memref<2000x128xf32, #tpu.memory_space<vmem>>, %arg2: memref<128x128xf32, #tpu.memory_space<vmem>>, %arg3: memref<2000x128xf32, #tpu.memory_space<vmem>>) attributes {dimension_semantics = [#tpu.dimension_semantics<arbitrary>], iteration_bounds = array<i64: 5>, scalar_prefetch = 0 : i64, scratch_operands = 0 : i64, tpu.core_type = #tpu.core_type<tc>, window_params = [{transform_indices = @transform_0, window_bounds = array<i64: 2000, 128>}, {pipeline_mode = #tpu.pipeline_mode<synchronous>, transform_indices = @transform_1, window_bounds = array<i64: 128, 128>}, {transform_indices = @transform_2, window_bounds = array<i64: 2000, 128>}]} {
    %get3A = arith.constant 0 : index
    %get3A_0 = arith.constant 0 : index
    %get3A_1 = vector.load %arg1[%get3A, %get3A_0] : memref<2000x128xf32, #tpu.memory_space<vmem>>, vector<2000x128xf32>
    %get3A_2 = arith.constant 0 : index
    %get3A_3 = arith.constant 0 : index
    %get3A_4 = vector.load %arg2[%get3A_2, %get3A_3] : memref<128x128xf32, #tpu.memory_space<vmem>>, vector<128x128xf32>
    %dot_general3A = arith.constant dense<0.000000e+00> : vector<2000x128xf32>
    %dot_general3A_5 = tpu.matmul %get3A_1, %get3A_4, %dot_general3A {dimension_numbers = #tpu.dot_dimension_numbers<[1], [0], [0], [1], [0, 0, 1, 1], [], []>, transpose_lhs_hint = false} : vector<2000x128xf32>, vector<128x128xf32>, vector<2000x128xf32> -> vector<2000x128xf32>
    %swap3A = arith.constant 0 : index
    %swap3A_6 = arith.constant 0 : index
    %swap3A_7 = vector.load %arg3[%swap3A, %swap3A_6] : memref<2000x128xf32, #tpu.memory_space<vmem>>, vector<2000x128xf32>
    tpu.vector_store %arg3[%swap3A, %swap3A_6], %dot_general3A_5 {strides = array<i32>} : memref<2000x128xf32, #tpu.memory_space<vmem>>, vector<2000x128xf32>,
    return
  }
  func.func @transform_0(%arg0: i32) -> (i32, i32) {
    %c0_i32 = arith.constant 0 : i32
    %c0_i32_0 = arith.constant 0 : i32
    return %arg0, %c0_i32 : i32, i32
  }
  func.func @transform_1(%arg0: i32) -> (i32, i32) {
    %c0_i32 = arith.constant 0 : i32
    %c0_i32_0 = arith.constant 0 : i32
    %c0_i32_1 = arith.constant 0 : i32
    return %c0_i32, %c0_i32_0 : i32, i32
  }
  func.func @transform_2(%arg0: i32) -> (i32, i32) {
    %c0_i32 = arith.constant 0 : i32
    %c0_i32_0 = arith.constant 0 : i32
    return %arg0, %c0_i32 : i32, i32
  }
}

module attributes {stable_mosaic.version = 14 : i64} {
  func.func @_pre_body(%arg0: i32, %arg1: memref<2000x128xf32, #tpu.memory_space<vmem>>, %arg2: memref<2x2000x16xf32, #tpu.memory_space<vmem>>, %arg3: memref<2000x128xf32, #tpu.memory_space<vmem>>, %arg4: memref<2000x1xf32, #tpu.memory_space<vmem>>) attributes {dimension_semantics = [#tpu.dimension_semantics<arbitrary>], iteration_bounds = array<i64: 5>, scalar_prefetch = 0 : i64, scratch_operands = 0 : i64, tpu.core_type = #tpu.core_type<tc>, window_params = [{transform_indices = @transform_0, window_bounds = array<i64: 2000, 128>}, {transform_indices = @transform_1, window_bounds = array<i64: 2, 2000, 16>}, {transform_indices = @transform_2, window_bounds = array<i64: 2000, 128>}, {transform_indices = @transform_3, window_bounds = array<i64: 2000, 1>}]} {
    %get3A = arith.constant 0 : index
    %get3A_0 = arith.constant 0 : index
    %get3A_1 = arith.constant 0 : index
    %get3A_2 = vector.load %arg2[%get3A, %get3A_0, %get3A_1] : memref<2x2000x16xf32, #tpu.memory_space<vmem>>, vector<2x2000x16xf32>
    %slice3A = vector.extract_strided_slice %get3A_2 {offsets = [0, 0, 0], sizes = [1, 2000, 1], strides = [1, 1, 1]} : vector<2x2000x16xf32> to vector<1x2000x1xf32>
    %squeeze3A = vector.shape_cast %slice3A : vector<1x2000x1xf32> to vector<2000x1xf32>
    %slice3A_3 = vector.extract_strided_slice %get3A_2 {offsets = [1, 0, 0], sizes = [1, 2000, 1], strides = [1, 1, 1]} : vector<2x2000x16xf32> to vector<1x2000x1xf32>
    %squeeze3A_4 = vector.shape_cast %slice3A_3 : vector<1x2000x1xf32> to vector<2000x1xf32>
    %add3A = arith.addf %squeeze3A, %squeeze3A_4 : vector<2000x1xf32>
    %add3A_5 = arith.constant 1.000000e+00 : f32
    %add3A_6 = vector.broadcast %add3A_5 : f32 to vector<2000x1xf32>
    %add3A_7 = arith.addf %add3A, %add3A_6 : vector<2000x1xf32>
    %rsqrt3A = math.rsqrt %add3A_7 : vector<2000x1xf32>
    %get3A_8 = arith.constant 0 : index
    %get3A_9 = arith.constant 0 : index
    %get3A_10 = vector.load %arg1[%get3A_8, %get3A_9] : memref<2000x128xf32, #tpu.memory_space<vmem>>, vector<2000x128xf32>
    %mul3A = vector.broadcast %rsqrt3A : vector<2000x1xf32> to vector<2000x128xf32>
    %mul3A_11 = arith.mulf %get3A_10, %mul3A : vector<2000x128xf32>
    %swap3A = arith.constant 0 : index
    %swap3A_12 = arith.constant 0 : index
    %swap3A_13 = vector.load %arg3[%swap3A, %swap3A_12] : memref<2000x128xf32, #tpu.memory_space<vmem>>, vector<2000x128xf32>
    tpu.vector_store %arg3[%swap3A, %swap3A_12], %mul3A_11 {strides = array<i32>} : memref<2000x128xf32, #tpu.memory_space<vmem>>, vector<2000x128xf32>,
    %swap3A_14 = arith.constant 0 : index
    %swap3A_15 = arith.constant 0 : index
    %swap3A_16 = vector.load %arg4[%swap3A_14, %swap3A_15] : memref<2000x1xf32, #tpu.memory_space<vmem>>, vector<2000x1xf32>
    tpu.vector_store %arg4[%swap3A_14, %swap3A_15], %rsqrt3A {strides = array<i32>} : memref<2000x1xf32, #tpu.memory_space<vmem>>, vector<2000x1xf32>,
    return
  }
  func.func @transform_0(%arg0: i32) -> (i32, i32) {
    %c0_i32 = arith.constant 0 : i32
    %c0_i32_0 = arith.constant 0 : i32
    return %arg0, %c0_i32 : i32, i32
  }
  func.func @transform_1(%arg0: i32) -> (i32, i32, i32) {
    %c0_i32 = arith.constant 0 : i32
    %c0_i32_0 = arith.constant 0 : i32
    %c0_i32_1 = arith.constant 0 : i32
    return %c0_i32, %arg0, %c0_i32_0 : i32, i32, i32
  }
  func.func @transform_2(%arg0: i32) -> (i32, i32) {
    %c0_i32 = arith.constant 0 : i32
    %c0_i32_0 = arith.constant 0 : i32
    return %arg0, %c0_i32 : i32, i32
  }
  func.func @transform_3(%arg0: i32) -> (i32, i32) {
    %c0_i32 = arith.constant 0 : i32
    %c0_i32_0 = arith.constant 0 : i32
    return %arg0, %c0_i32 : i32, i32
  }
}

module attributes {stable_mosaic.version = 14 : i64} {
  func.func @_mid_body(%arg0: i32, %arg1: memref<2x2000x128xf32, #tpu.memory_space<vmem>>, %arg2: memref<2000x1xf32, #tpu.memory_space<vmem>>, %arg3: memref<128xf32, #tpu.memory_space<vmem>>, %arg4: memref<128x128xf32, #tpu.memory_space<vmem>>, %arg5: memref<2000x128xf32, #tpu.memory_space<vmem>>) attributes {dimension_semantics = [#tpu.dimension_semantics<arbitrary>], iteration_bounds = array<i64: 5>, scalar_prefetch = 0 : i64, scratch_operands = 0 : i64, tpu.core_type = #tpu.core_type<tc>, window_params = [{transform_indices = @transform_0, window_bounds = array<i64: 2, 2000, 128>}, {transform_indices = @transform_1, window_bounds = array<i64: 2000, 1>}, {pipeline_mode = #tpu.pipeline_mode<synchronous>, transform_indices = @transform_2, window_bounds = array<i64: 128>}, {pipeline_mode = #tpu.pipeline_mode<synchronous>, transform_indices = @transform_3, window_bounds = array<i64: 128, 128>}, {transform_indices = @transform_4, window_bounds = array<i64: 2000, 128>}]} {
    %get3A = arith.constant 0 : index
    %get3A_0 = arith.constant 0 : index
    %get3A_1 = arith.constant 0 : index
    %get3A_2 = vector.load %arg1[%get3A, %get3A_0, %get3A_1] : memref<2x2000x128xf32, #tpu.memory_space<vmem>>, vector<2x2000x128xf32>
    %get3A_3 = arith.constant 0 : index
    %get3A_4 = arith.constant 0 : index
    %get3A_5 = vector.load %arg2[%get3A_3, %get3A_4] : memref<2000x1xf32, #tpu.memory_space<vmem>>, vector<2000x1xf32>
    %slice3A = vector.extract_strided_slice %get3A_2 {offsets = [0, 0, 0], sizes = [1, 2000, 128], strides = [1, 1, 1]} : vector<2x2000x128xf32> to vector<1x2000x128xf32>
    %squeeze3A = vector.shape_cast %slice3A : vector<1x2000x128xf32> to vector<2000x128xf32>
    %slice3A_6 = vector.extract_strided_slice %get3A_2 {offsets = [1, 0, 0], sizes = [1, 2000, 128], strides = [1, 1, 1]} : vector<2x2000x128xf32> to vector<1x2000x128xf32>
    %squeeze3A_7 = vector.shape_cast %slice3A_6 : vector<1x2000x128xf32> to vector<2000x128xf32>
    %add3A = arith.addf %squeeze3A, %squeeze3A_7 : vector<2000x128xf32>
    %mul3A = vector.broadcast %get3A_5 : vector<2000x1xf32> to vector<2000x128xf32>
    %mul3A_8 = arith.mulf %add3A, %mul3A : vector<2000x128xf32>
    %get3A_9 = arith.constant 0 : index
    %get3A_10 = vector.load %arg3[%get3A_9] : memref<128xf32, #tpu.memory_space<vmem>>, vector<128xf32>
    %broadcast_in_dim3A = vector.shape_cast %get3A_10 : vector<128xf32> to vector<1x128xf32>
    %add3A_11 = vector.broadcast %broadcast_in_dim3A : vector<1x128xf32> to vector<2000x128xf32>
    %add3A_12 = arith.addf %mul3A_8, %add3A_11 : vector<2000x128xf32>
    %max3A = arith.constant 0.000000e+00 : f32
    %max3A_13 = vector.broadcast %max3A : f32 to vector<2000x128xf32>
    %max3A_14 = arith.maximumf %add3A_12, %max3A_13 : vector<2000x128xf32>
    %get3A_15 = arith.constant 0 : index
    %get3A_16 = arith.constant 0 : index
    %get3A_17 = vector.load %arg4[%get3A_15, %get3A_16] : memref<128x128xf32, #tpu.memory_space<vmem>>, vector<128x128xf32>
    %dot_general3A = arith.constant dense<0.000000e+00> : vector<2000x128xf32>
    %dot_general3A_18 = tpu.matmul %max3A_14, %get3A_17, %dot_general3A {dimension_numbers = #tpu.dot_dimension_numbers<[1], [0], [0], [1], [0, 0, 1, 1], [], []>, transpose_lhs_hint = false} : vector<2000x128xf32>, vector<128x128xf32>, vector<2000x128xf32> -> vector<2000x128xf32>
    %mul3A_19 = vector.broadcast %get3A_5 : vector<2000x1xf32> to vector<2000x128xf32>
    %mul3A_20 = arith.mulf %dot_general3A_18, %mul3A_19 : vector<2000x128xf32>
    %swap3A = arith.constant 0 : index
    %swap3A_21 = arith.constant 0 : index
    %swap3A_22 = vector.load %arg5[%swap3A, %swap3A_21] : memref<2000x128xf32, #tpu.memory_space<vmem>>, vector<2000x128xf32>
    tpu.vector_store %arg5[%swap3A, %swap3A_21], %mul3A_20 {strides = array<i32>} : memref<2000x128xf32, #tpu.memory_space<vmem>>, vector<2000x128xf32>,
    return
  }
  func.func @transform_0(%arg0: i32) -> (i32, i32, i32) {
    %c0_i32 = arith.constant 0 : i32
    %c0_i32_0 = arith.constant 0 : i32
    %c0_i32_1 = arith.constant 0 : i32
    return %c0_i32, %arg0, %c0_i32_0 : i32, i32, i32
  }
  func.func @transform_1(%arg0: i32) -> (i32, i32) {
    %c0_i32 = arith.constant 0 : i32
    %c0_i32_0 = arith.constant 0 : i32
    return %arg0, %c0_i32 : i32, i32
  }
  func.func @transform_2(%arg0: i32) -> i32 {
    %c0_i32 = arith.constant 0 : i32
    %c0_i32_0 = arith.constant 0 : i32
    return %c0_i32 : i32
  }
  func.func @transform_3(%arg0: i32) -> (i32, i32) {
    %c0_i32 = arith.constant 0 : i32
    %c0_i32_0 = arith.constant 0 : i32
    %c0_i32_1 = arith.constant 0 : i32
    return %c0_i32, %c0_i32_0 : i32, i32
  }
  func.func @transform_4(%arg0: i32) -> (i32, i32) {
    %c0_i32 = arith.constant 0 : i32
    %c0_i32_0 = arith.constant 0 : i32
    return %arg0, %c0_i32 : i32, i32
  }
}

module attributes {stable_mosaic.version = 14 : i64} {
  func.func @_mid_body(%arg0: i32, %arg1: memref<2x2000x128xf32, #tpu.memory_space<vmem>>, %arg2: memref<2000x1xf32, #tpu.memory_space<vmem>>, %arg3: memref<128xf32, #tpu.memory_space<vmem>>, %arg4: memref<128x16xf32, #tpu.memory_space<vmem>>, %arg5: memref<2000x16xf32, #tpu.memory_space<vmem>>) attributes {dimension_semantics = [#tpu.dimension_semantics<arbitrary>], iteration_bounds = array<i64: 5>, scalar_prefetch = 0 : i64, scratch_operands = 0 : i64, tpu.core_type = #tpu.core_type<tc>, window_params = [{transform_indices = @transform_0, window_bounds = array<i64: 2, 2000, 128>}, {transform_indices = @transform_1, window_bounds = array<i64: 2000, 1>}, {pipeline_mode = #tpu.pipeline_mode<synchronous>, transform_indices = @transform_2, window_bounds = array<i64: 128>}, {pipeline_mode = #tpu.pipeline_mode<synchronous>, transform_indices = @transform_3, window_bounds = array<i64: 128, 16>}, {transform_indices = @transform_4, window_bounds = array<i64: 2000, 16>}]} {
    %get3A = arith.constant 0 : index
    %get3A_0 = arith.constant 0 : index
    %get3A_1 = arith.constant 0 : index
    %get3A_2 = vector.load %arg1[%get3A, %get3A_0, %get3A_1] : memref<2x2000x128xf32, #tpu.memory_space<vmem>>, vector<2x2000x128xf32>
    %get3A_3 = arith.constant 0 : index
    %get3A_4 = arith.constant 0 : index
    %get3A_5 = vector.load %arg2[%get3A_3, %get3A_4] : memref<2000x1xf32, #tpu.memory_space<vmem>>, vector<2000x1xf32>
    %slice3A = vector.extract_strided_slice %get3A_2 {offsets = [0, 0, 0], sizes = [1, 2000, 128], strides = [1, 1, 1]} : vector<2x2000x128xf32> to vector<1x2000x128xf32>
    %squeeze3A = vector.shape_cast %slice3A : vector<1x2000x128xf32> to vector<2000x128xf32>
    %slice3A_6 = vector.extract_strided_slice %get3A_2 {offsets = [1, 0, 0], sizes = [1, 2000, 128], strides = [1, 1, 1]} : vector<2x2000x128xf32> to vector<1x2000x128xf32>
    %squeeze3A_7 = vector.shape_cast %slice3A_6 : vector<1x2000x128xf32> to vector<2000x128xf32>
    %add3A = arith.addf %squeeze3A, %squeeze3A_7 : vector<2000x128xf32>
    %mul3A = vector.broadcast %get3A_5 : vector<2000x1xf32> to vector<2000x128xf32>
    %mul3A_8 = arith.mulf %add3A, %mul3A : vector<2000x128xf32>
    %get3A_9 = arith.constant 0 : index
    %get3A_10 = vector.load %arg3[%get3A_9] : memref<128xf32, #tpu.memory_space<vmem>>, vector<128xf32>
    %broadcast_in_dim3A = vector.shape_cast %get3A_10 : vector<128xf32> to vector<1x128xf32>
    %add3A_11 = vector.broadcast %broadcast_in_dim3A : vector<1x128xf32> to vector<2000x128xf32>
    %add3A_12 = arith.addf %mul3A_8, %add3A_11 : vector<2000x128xf32>
    %max3A = arith.constant 0.000000e+00 : f32
    %max3A_13 = vector.broadcast %max3A : f32 to vector<2000x128xf32>
    %max3A_14 = arith.maximumf %add3A_12, %max3A_13 : vector<2000x128xf32>
    %get3A_15 = arith.constant 0 : index
    %get3A_16 = arith.constant 0 : index
    %get3A_17 = vector.load %arg4[%get3A_15, %get3A_16] : memref<128x16xf32, #tpu.memory_space<vmem>>, vector<128x16xf32>
    %dot_general3A = arith.constant dense<0.000000e+00> : vector<2000x16xf32>
    %dot_general3A_18 = tpu.matmul %max3A_14, %get3A_17, %dot_general3A {dimension_numbers = #tpu.dot_dimension_numbers<[1], [0], [0], [1], [0, 0, 1, 1], [], []>, transpose_lhs_hint = false} : vector<2000x128xf32>, vector<128x16xf32>, vector<2000x16xf32> -> vector<2000x16xf32>
    %mul3A_19 = vector.broadcast %get3A_5 : vector<2000x1xf32> to vector<2000x16xf32>
    %mul3A_20 = arith.mulf %dot_general3A_18, %mul3A_19 : vector<2000x16xf32>
    %swap3A = arith.constant 0 : index
    %swap3A_21 = arith.constant 0 : index
    %swap3A_22 = vector.load %arg5[%swap3A, %swap3A_21] : memref<2000x16xf32, #tpu.memory_space<vmem>>, vector<2000x16xf32>
    tpu.vector_store %arg5[%swap3A, %swap3A_21], %mul3A_20 {strides = array<i32>} : memref<2000x16xf32, #tpu.memory_space<vmem>>, vector<2000x16xf32>,
    return
  }
  func.func @transform_0(%arg0: i32) -> (i32, i32, i32) {
    %c0_i32 = arith.constant 0 : i32
    %c0_i32_0 = arith.constant 0 : i32
    %c0_i32_1 = arith.constant 0 : i32
    return %c0_i32, %arg0, %c0_i32_0 : i32, i32, i32
  }
  func.func @transform_1(%arg0: i32) -> (i32, i32) {
    %c0_i32 = arith.constant 0 : i32
    %c0_i32_0 = arith.constant 0 : i32
    return %arg0, %c0_i32 : i32, i32
  }
  func.func @transform_2(%arg0: i32) -> i32 {
    %c0_i32 = arith.constant 0 : i32
    %c0_i32_0 = arith.constant 0 : i32
    return %c0_i32 : i32
  }
  func.func @transform_3(%arg0: i32) -> (i32, i32) {
    %c0_i32 = arith.constant 0 : i32
    %c0_i32_0 = arith.constant 0 : i32
    %c0_i32_1 = arith.constant 0 : i32
    return %c0_i32, %c0_i32_0 : i32, i32
  }
  func.func @transform_4(%arg0: i32) -> (i32, i32) {
    %c0_i32 = arith.constant 0 : i32
    %c0_i32_0 = arith.constant 0 : i32
    return %arg0, %c0_i32 : i32, i32
  }
}

module attributes {stable_mosaic.version = 14 : i64} {
  func.func @_post_body(%arg0: i32, %arg1: memref<2x2000x16xf32, #tpu.memory_space<vmem>>, %arg2: memref<2000x1xf32, #tpu.memory_space<vmem>>, %arg3: memref<16xf32, #tpu.memory_space<vmem>>, %arg4: memref<2000x16xf32, #tpu.memory_space<vmem>>) attributes {dimension_semantics = [#tpu.dimension_semantics<arbitrary>], iteration_bounds = array<i64: 5>, scalar_prefetch = 0 : i64, scratch_operands = 0 : i64, tpu.core_type = #tpu.core_type<tc>, window_params = [{transform_indices = @transform_0, window_bounds = array<i64: 2, 2000, 16>}, {transform_indices = @transform_1, window_bounds = array<i64: 2000, 1>}, {pipeline_mode = #tpu.pipeline_mode<synchronous>, transform_indices = @transform_2, window_bounds = array<i64: 16>}, {transform_indices = @transform_3, window_bounds = array<i64: 2000, 16>}]} {
    %get3A = arith.constant 0 : index
    %get3A_0 = arith.constant 0 : index
    %get3A_1 = arith.constant 0 : index
    %get3A_2 = vector.load %arg1[%get3A, %get3A_0, %get3A_1] : memref<2x2000x16xf32, #tpu.memory_space<vmem>>, vector<2x2000x16xf32>
    %slice3A = vector.extract_strided_slice %get3A_2 {offsets = [0, 0, 0], sizes = [1, 2000, 16], strides = [1, 1, 1]} : vector<2x2000x16xf32> to vector<1x2000x16xf32>
    %squeeze3A = vector.shape_cast %slice3A : vector<1x2000x16xf32> to vector<2000x16xf32>
    %slice3A_3 = vector.extract_strided_slice %get3A_2 {offsets = [1, 0, 0], sizes = [1, 2000, 16], strides = [1, 1, 1]} : vector<2x2000x16xf32> to vector<1x2000x16xf32>
    %squeeze3A_4 = vector.shape_cast %slice3A_3 : vector<1x2000x16xf32> to vector<2000x16xf32>
    %add3A = arith.addf %squeeze3A, %squeeze3A_4 : vector<2000x16xf32>
    %get3A_5 = arith.constant 0 : index
    %get3A_6 = arith.constant 0 : index
    %get3A_7 = vector.load %arg2[%get3A_5, %get3A_6] : memref<2000x1xf32, #tpu.memory_space<vmem>>, vector<2000x1xf32>
    %mul3A = vector.broadcast %get3A_7 : vector<2000x1xf32> to vector<2000x16xf32>
    %mul3A_8 = arith.mulf %add3A, %mul3A : vector<2000x16xf32>
    %get3A_9 = arith.constant 0 : index
    %get3A_10 = vector.load %arg3[%get3A_9] : memref<16xf32, #tpu.memory_space<vmem>>, vector<16xf32>
    %broadcast_in_dim3A = vector.shape_cast %get3A_10 : vector<16xf32> to vector<1x16xf32>
    %add3A_11 = vector.broadcast %broadcast_in_dim3A : vector<1x16xf32> to vector<2000x16xf32>
    %add3A_12 = arith.addf %mul3A_8, %add3A_11 : vector<2000x16xf32>
    %reduce_max3A = arith.constant dense<0xFF800000> : vector<2000xf32>
    %reduce_max3A_13 = vector.multi_reduction <maximumf>, %add3A_12, %reduce_max3A [1] : vector<2000x16xf32> to vector<2000xf32>
    %broadcast_in_dim3A_14 = vector.shape_cast %reduce_max3A_13 : vector<2000xf32> to vector<2000x1xf32>
    %sub3A = vector.broadcast %broadcast_in_dim3A_14 : vector<2000x1xf32> to vector<2000x16xf32>
    %sub3A_15 = arith.subf %add3A_12, %sub3A : vector<2000x16xf32>
    %exp3A = math.exp %sub3A_15 : vector<2000x16xf32>
    %reduce_sum3A = arith.constant dense<0.000000e+00> : vector<2000xf32>
    %reduce_sum3A_16 = vector.multi_reduction <add>, %exp3A, %reduce_sum3A [1] : vector<2000x16xf32> to vector<2000xf32>
    %broadcast_in_dim3A_17 = vector.shape_cast %reduce_sum3A_16 : vector<2000xf32> to vector<2000x1xf32>
    %log3A = math.log %broadcast_in_dim3A_17 : vector<2000x1xf32>
    %add3A_18 = arith.addf %broadcast_in_dim3A_14, %log3A : vector<2000x1xf32>
    %sub3A_19 = vector.broadcast %add3A_18 : vector<2000x1xf32> to vector<2000x16xf32>
    %sub3A_20 = arith.subf %add3A_12, %sub3A_19 : vector<2000x16xf32>
    %swap3A = arith.constant 0 : index
    %swap3A_21 = arith.constant 0 : index
    %swap3A_22 = vector.load %arg4[%swap3A, %swap3A_21] : memref<2000x16xf32, #tpu.memory_space<vmem>>, vector<2000x16xf32>
    tpu.vector_store %arg4[%swap3A, %swap3A_21], %sub3A_20 {strides = array<i32>} : memref<2000x16xf32, #tpu.memory_space<vmem>>, vector<2000x16xf32>,
    return
  }
  func.func @transform_0(%arg0: i32) -> (i32, i32, i32) {
    %c0_i32 = arith.constant 0 : i32
    %c0_i32_0 = arith.constant 0 : i32
    %c0_i32_1 = arith.constant 0 : i32
    return %c0_i32, %arg0, %c0_i32_0 : i32, i32, i32
  }
  func.func @transform_1(%arg0: i32) -> (i32, i32) {
    %c0_i32 = arith.constant 0 : i32
    %c0_i32_0 = arith.constant 0 : i32
    return %arg0, %c0_i32 : i32, i32
  }
  func.func @transform_2(%arg0: i32) -> i32 {
    %c0_i32 = arith.constant 0 : i32
    %c0_i32_0 = arith.constant 0 : i32
    return %c0_i32 : i32
  }
  func.func @transform_3(%arg0: i32) -> (i32, i32) {
    %c0_i32 = arith.constant 0 : i32
    %c0_i32_0 = arith.constant 0 : i32
    return %arg0, %c0_i32 : i32, i32
  }
}

</mosaic_0001>

<sc_bundles>
// kernel: kernel.11.cloned.1.call-start
scs
__scs_entry_jumppad:
0x0: {  	(pc) =	sbr.rel $0x88, $3  }
0x1: {  	(tag) =	ssettag $0x0;
	lr =	simm.s32 $0x1  }
0x2: {  	[smem:$0x3F99] =	sst lr;
	_ =	strace $0xD0000000  }
0x3: {  	_ = 	snop  }
0x4: {  	_ = 	snop  }
0x5: {  	_ = 	snop  }
0x6: {  	_ = 	snop  }
0x7: {  	_ = 	snop  }
__scs_overlays_trampoline_lowered:
0x8: {  	[smem:$0x3FA8] =	sst s0  }
0x9: {  	[smem:$0x3FA9] =	sst s1  }
0xa: {  	[smem:$0x3FAA] =	sst s2  }
0xb: {  	[smem:$0x3FAB] =	sst s3  }
0xc: {  	[smem:$0x3FAC] =	sst s4  }
0xd: {  	[smem:$0x3FAD] =	sst s5  }
0xe: {  	[smem:$0x3FAE] =	sst s6  }
0xf: {  	[smem:$0x3FAF] =	sst s7  }
0x10: {  	[smem:$0x3FB0] =	sst s8  }
0x11: {  	[smem:$0x3FB1] =	sst s9;
	s0 =	simm.s32 @!p0 $0x0  }
0x12: {  	s1 =	sld [smem:$0x3F97];
	s0 =	simm.s32 @p0 $0x1  }
0x13: {  	[smem:$0x3FB2] =	sst s0;
	s0 =	simm.s32 @!p1 $0x0  }
0x14: {  	s2 =	sld [smem:$0x3F96];
	s0 =	simm.s32 @p1 $0x1  }
0x15: {  	[smem:$0x3FB3] =	sst s0;
	s0 =	simm.s32 @!p2 $0x0  }
0x16: {  	s3 =	sld [smem:$0x3FDB];
	s0 =	simm.s32 @p2 $0x1  }
0x17: {  	s4 =	simm.s32 $0x1BF5;
	[smem:$0x3FB5] =	sst s0  }
0x18: {  	s0 =	sld [smem:$0x3F98];
	_ =	swait.ge [sflag:s4], $0x0  }
0x19: {  	s7 =	sld [smem:$0x3F99]  }
0x1a: {  	s8 =	sadd.s32 $0xFFFFE003, lr  }
0x1b: {  	s9 =	sadd.s32 $0xFFFFFEF7, lr;
	s5 =	simm.s32 $0xFFFFFFFF;
	p2 =	slt.u32 s8, $0xFFFFF086  }
0x1c: {  	p1 =	slt.u32 s9, $0xF7A;
	s5 =	simm.s32 @!p2 $0x0  }
0x1d: {  	s5 =	simm.s32 @p1 $0x1;
	p0 =	seq.s32 s7, s2  }
0x1e: {  	s7 =	smul.u32 @!p0 $0xF7A, s2;
	p2 =	seq.s32 @!p0 s5, $0x0  }
0x1f: {  	s9 =	smul.u32 $0xF7A, s1;
	s8 =	simm.s32 @!p0 $0x1BF5;
	p2 =	por !p2, p0  }
0x20: {  	[sflag:s8] =	ssyncset.s32 @!p0 $0xFFFFF086;
	s6 =	sadd.s32 @!p0 s3, s7;
	s7 =	simm.s32 @!p0 $0x108  }
0x21: {  	s3 =	sadd.s32 s3, s9;
	s6 =	sadd.s32 @!p0 $0x88, s6;
	s7 =	simm.s32 @p2 $0x1082  }
0x22: {  	[simem:s7], [sflag:s8] =	dma.local @!p0 [hbm:s6], $0xF7A  }
0x23: {  	s9 =	sor.u32 $0xD0000000, s2;
	s6 =	simm.s32 $0x108;
	_ =	swait.ge @!p0 [sflag:s8], $0x0  }
0x24: {  	s3 =	sadd.s32 $0x88, s3;
	s6 =	simm.s32 @!p1 $0x1082;
	[sflag:s4] =	ssyncset.s32 $0xFFFFF086  }
0x25: {  	[simem:s6], [sflag:s4] =	dma.local [hbm:s3], $0xF7A  }
0x26: {  	[smem:$0x3F99] =	sst s1;
	(tag) =	ssettag s2;
	_ =	strace s9  }
0x27: {  	s1 =	sld [smem:$0x3FA9]  }
0x28: {  	s2 =	sld [smem:$0x3FAA]  }
0x29: {  	s4 =	sld [smem:$0x3FAC]  }
0x2a: {  	p0 =	seq.s32 s5, $0x0;
	s5 =	sld [smem:$0x3FAD]  }
0x2b: {  	s6 =	sld [smem:$0x3FAE]  }
0x2c: {  	s7 =	sld [smem:$0x3FAF]  }
0x2d: {  	s3 =	simm.s32 $0x108;
	s8 =	sld [smem:$0x3FB0]  }
0x2e: {  	s3 =	simm.s32 @!p0 $0x1082;
	s9 =	sld [smem:$0x3FB1]  }
0x2f: {  	lr =	sadd.s32 s0, s3;
	s0 =	sld [smem:$0x3FA8]  }
0x30: {  	s3 =	sld [smem:$0x3FAB]  }
0x31: {  	[smem:$0x3FB4] =	sst s10  }
0x32: {  	s10 =	sld [smem:$0x3FB2];
	_ =	sdelay $0x3  }
0x33: {  	p0 =	seq.s32 s10, $0x1;
	s10 =	sld [smem:$0x3FB4];
	_ =	sdelay $0x3  }
0x34: {  	[smem:$0x3FB4] =	sst s10  }
0x35: {  	s10 =	sld [smem:$0x3FB3];
	_ =	sdelay $0x3  }
0x36: {  	p1 =	seq.s32 s10, $0x1;
	s10 =	sld [smem:$0x3FB4];
	_ =	sdelay $0x3  }
0x37: {  	[smem:$0x3FB4] =	sst s10  }
0x38: {  	s10 =	sld [smem:$0x3FB5]  }
0x39: {  	_ = 	snop;
	(pc) =	sbr.ind lr, $3  }
0x3a: {  	_ = 	snop  }
0x3b: {  	_ = 	snop  }
0x3c: {  	p2 =	seq.s32 s10, $0x1;
	s10 =	sld [smem:$0x3FB4]  }
0x3d: {  	_ =	shalt  }
0x3e: {  	_ =	shalt  }
0x3f: {  	_ =	shalt  }
0x40: {  	_ =	shalt  }
0x41: {  	_ =	shalt  }
0x42: {  	_ =	shalt  }
0x43: {  	_ =	shalt  }
0x44: {  	_ =	shalt  }
0x45: {  	_ =	shalt  }
0x46: {  	_ =	shalt  }
0x47: {  	_ =	shalt  }
0x48: {  	_ =	shalt  }
0x49: {  	_ =	shalt  }
0x4a: {  	_ =	shalt  }
0x4b: {  	_ =	shalt  }
0x4c: {  	_ =	shalt  }
0x4d: {  	_ =	shalt  }
0x4e: {  	_ =	shalt  }
0x4f: {  	_ =	shalt  }
0x50: {  	_ =	shalt  }
0x51: {  	_ =	shalt  }
0x52: {  	_ =	shalt  }
0x53: {  	_ =	shalt  }
0x54: {  	_ =	shalt  }
0x55: {  	_ =	shalt  }
0x56: {  	_ =	shalt  }
0x57: {  	_ =	shalt  }
0x58: {  	_ =	shalt  }
0x59: {  	_ =	shalt  }
0x5a: {  	_ =	shalt  }
0x5b: {  	_ =	shalt  }
0x5c: {  	_ =	shalt  }
0x5d: {  	_ =	shalt  }
0x5e: {  	_ =	shalt  }
0x5f: {  	_ =	shalt  }
0x60: {  	_ =	shalt  }
0x61: {  	_ =	shalt  }
0x62: {  	_ =	shalt  }
0x63: {  	_ =	shalt  }
0x64: {  	_ =	shalt  }
0x65: {  	_ =	shalt  }
0x66: {  	_ =	shalt  }
0x67: {  	_ =	shalt  }
0x68: {  	_ =	shalt  }
0x69: {  	_ =	shalt  }
0x6a: {  	_ =	shalt  }
0x6b: {  	_ =	shalt  }
0x6c: {  	_ =	shalt  }
0x6d: {  	_ =	shalt  }
0x6e: {  	_ =	shalt  }
0x6f: {  	_ =	shalt  }
0x70: {  	_ =	shalt  }
0x71: {  	_ =	shalt  }
0x72: {  	_ =	shalt  }
0x73: {  	_ =	shalt  }
0x74: {  	_ =	shalt  }
0x75: {  	_ =	shalt  }
0x76: {  	_ =	shalt  }
0x77: {  	_ =	shalt  }
0x78: {  	_ =	shalt  }
0x79: {  	_ =	shalt  }
0x7a: {  	_ =	shalt  }
0x7b: {  	_ =	shalt  }
0x7c: {  	_ =	shalt  }
0x7d: {  	_ =	shalt  }
0x7e: {  	_ =	shalt  }
0x7f: {  	_ =	shalt  }
0x80: {  	_ =	shalt  }
0x81: {  	_ =	shalt  }
0x82: {  	_ =	shalt  }
0x83: {  	_ =	shalt  }
0x84: {  	_ =	shalt  }
0x85: {  	_ =	shalt  }
0x86: {  	_ =	shalt  }
0x87: {  	_ =	shalt  }
.Lfunc_end0:
.L_simem_size_0:
called_computation_lowered:
.L_overlay_start_0:
0x88: {  	s2 =	sld [smem:$0x3FD9]  }
0x89: {  	s3 =	sld [smem:$0x3FFE];
	_ =	sdelay $0x1  }
0x8a: {  	s1 =	srdreg.scid  }
0x8b: {  	s0 =	sand.u32 $0x1, s1  }
0x8c: {  	s17 =	sshll.u32 s0, $0xA;
	s2 =	sadd.s32 s3, s2  }
0x8d: {  	s2 =	sadd.s32 s2, s17  }
0x8e: {  	[smem:$0x3FC0] =	sst s2  }
0x8f: {  	_ = 	snop  }
0x90: {  	s2 =	sld [smem:$0x3FD0];
	(tm) =	ssettm $0x1  }
0x91: {  	s18 =	sld [smem:$0x3FFB];
	_ =	sdelay $0x3  }
0x92: {  	_ =	strace s18  }
0x93: {  	s3 =	sld [smem:$0x3FFC];
	_ =	sdelay $0x3  }
0x94: {  	_ =	strace s3  }
0x95: {  	s3 =	sld [smem:$0x3FFD];
	_ =	sdelay $0x3  }
0x96: {  	_ =	strace s3  }
0x97: {  	_ =	strace $0x8FFFFFFF  }
0x98: {  	s19 =	sld [smem:$0x3FDB];
	_ =	sdelay $0x1  }
0x99: {  	s4 =	simm.s32 $_scs_section_size  }
0x9a: {  	s5 =	simm.s32 $_size__tile_overlayer_lowered;
	s6 =	simm.s32 $_tile_overlayer_lowered  }
0x9b: {  	s22 =	simm.s32 $0x1BFF;
	s21 =	sshll.u32 s6, $0x1;
	s3 =	sadd.s32 s4, s19  }
0x9c: {  	s7 =	simm.s32 $0x0;
	s20 =	sshll.u32 s5, $0x1;
	s5 =	sadd.s32 s21, s3  }
0x9d: {  	[timem:s7], [sflag:s22] =	dma.local [hbm:s5], s20  }
0x9e: {  	_ =	swait.ge [sflag:s22], s20  }
0x9f: {  	s4 =	ssub.s32 $0x0, s20;
	[sflag:s22] =	ssyncset.done $0x0  }
0xa0: {  	[sflag:s22] =	ssyncadd.s32 s4;
	_ =	sdelay $0x1  }
0xa1: {  	s23 =	simm.s32 $0x1B8B  }
0xa2: {  	_ =	swait.ge [sflag:s23], $0x1  }
0xa3: {  	[sflag:s23] =	ssyncset.done $0x0  }
0xa4: {  	s25 =	simm.s32 $0x1B8E;
	s24 =	sld [smem:$0x3FFE];
	[sflag:s23] =	ssyncadd.s32 $0xFFFFFFFF  }
0xa5: {  	s26 =	simm.s32 $execute0_lowered;
	[smem:$0x3FD2] =	sst s25  }
0xa6: {  	s5 =	sshll.u32 s26, $0x1;
	_ =	strace $0x80000046;
	[dreg:$0x1] =	wrdreg $0xFFFFFFFF  }
0xa7: {  	s28 =	simm.s32 $_size_execute0_lowered;
	s3 =	sadd.s32 s3, s5;
	[dreg:$0x0] =	wrdreg $0x0  }
0xa8: {  	s5 =	sshll.u32 s28, $0x1;
	[dreg:$0x2] =	wrdreg s3  }
0xa9: {  	[dreg:$0x3] =	wrdreg s5  }
0xaa: {  	[dreg:$0x4] =	wrdreg $0xC0  }
0xab: {  	_ =	task [dreg:s7], $0x5FFFF  }
0xac: {  	[dreg:$0x1] =	wrdreg $0xFFFFFFFF  }
0xad: {  	[dreg:$0x0] =	wrdreg $0x60  }
0xae: {  	[dreg:$0x2] =	wrdreg s24  }
0xaf: {  	[dreg:$0x3] =	wrdreg s2  }
0xb0: {  	[dreg:$0x4] =	wrdreg $0x2F800  }
0xb1: {  	[dreg:$0x5] =	wrdreg $0x9  }
0xb2: {  	_ =	task.clear_ibuf [dreg:s7], $0x6FFFF;
	_ =	strace $0x90000046  }
0xb3: {  	s29 =	simm.s32 $0x9;
	_ =	strace $0x80000048  }
0xb4: {  	_ =	swait.ge [sflag:s29], $0x1  }
0xb5: {  	[sflag:s29] =	ssyncadd.s32 $0xFFFFFFFF  }
0xb6: {  	_ =	strace $0x90000048  }
0xb7: {  	_ =	sfence  }
0xb8: {  	s30 =	sld [smem:$0x0];
	_ =	sdelay $0x2  }
0xb9: {  	s31 =	sshll.u32 s1, $0xD;
	s1 =	sshrl.u32 s1, $0x2  }
0xba: {  	s3 =	sand.u32 $0x4000, s31;
	s1 =	sadd.s32 s1, s30  }
0xbb: {  	s0 =	sor.u32 s3, s0;
	s1 =	sshll.u32 s1, $0x11  }
0xbc: {  	s0 =	sor.u32 s1, s0  }
0xbd: {  	s0 =	sadd.s32 $0x8F2B, s0  }
0xbe: {  	[sflag:s0] =	ssyncadd.remote.s32 $0x1  }
0xbf: {  	_ =	sfence.sel $0xFFFF  }
0xc0: {  	[dreg:$0x0] =	wrdreg $0xFFFFFFFF;
	(pc) =	sbr.abs _section_cstart, $3  }
0xc1: {  	[dreg:$0x1] =	wrdreg $0xFFFFFFFF  }
0xc2: {  	_ =	task.clear_ibuf [dreg:s7], $0x2FFFF;
	_ =	strace $0x9FFFFFFF  }
0xc3: {  	(tm) =	ssettm $0x7FFFFFFF  }
tec
execute0_lowered:
.L_overlay_start_1:
0x0: {  	(tag) =	ssettag $0x1  }
0x1: {  	s6 =	rddreg [dreg:$0x0]  }
0x2: {  	s1 =	srdreg.scid;
	s2 =	rddreg [dreg:$0x1]  }
0x3: {  	s0 =	stileid.u32;
	s3 =	rddreg [dreg:$0x2]  }
0x4: {  	s13 =	simm.s32 $0x80;
	s14 =	simm.s32 $0x2600;
	s15 =	simm.s32 $0x2680  }
0x5: {  	s16 =	simm.s32 $0x0;
	s5 =	sand.u32 $0x1, s1;
	s4 =	smul.u32 $0x4E, s0  }
0x6: {  	s7 =	smin.u32 s0, $0x2;
	s1 =	rddreg [dreg:$0x3];
	s9 =	smul.u32 $0x2800, s0  }
0x7: {  	p0 =	sgt.u32 s0, $0x1;
	s11 =	sshll.u32 s0, $0x6;
	s8 =	smul.u32 $0x27100, s5  }
0x8: {  	s10 =	smul.u32 $0x28000, s5;
	s30 =	ssub.s32 $0x2, s5;
	s5 =	sadd.s32 $0x15A00, s6  }
0x9: {  	s11 =	sor.u32 $0x1C01, s11;
	s7 =	sadd.s32 s7, s4;
	s4 =	simm.s32 $0x0  }
0xa: {  	s31 =	sshrl.u32 s30, $0x1;
	s12 =	sadd.s32 s9, s3;
	s7 =	sshll.u32 s7, $0x7  }
0xb: {  	[smem:$0x7FF] =	sst s4;
	s29 =	sadd.s32 s9, s10;
	s7 =	sadd.s32 s8, s7  }
0xc: {  	s10 =	ssub.s32 s30, s31;
	s9 =	simm.s32 $0x2780;
	s7 =	sshrl.u32 s7, $0x3  }
0xd: {  	s12 =	sshrl.u32 s12, $0x3;
	s8 =	sshrl.u32 s29, $0x3;
	s7 =	sadd.s32 s7, s6  }
0xe: {  	_ =	strace $0x80000047;
	s8 =	sadd.s32 s8, s6;
	s6 =	sadd.s32 $0xBC00, s7  }
0xf: {  	s7 =	sadd.s32 $0x15C00, s8;
	s8 =	smax.u32 s10, $0x1;
	s10 =	simm.s32 $0x1  }
.LBB2_1:
0x10: {  	s17 =	simm.s32 @p0 $0x0  }
0x11: {  	[tilespmem:s17], [sflag:$0x1] =	stream.linear.gather @p0 [hbm4b:s6+s17], $0x2700, $0x38;
	[tilespmem:$0x5780] =	vst v63  }
0x12: {  	s17 =	simm.s32 @p0 $0x1  }
0x13: {  	_ =	swait.ge @p0 [sflag:s17], $0x2700  }
0x14: {  	[sflag:s17] =	ssyncset.done @p0 $0x0  }
0x15: {  	[sflag:s17] =	ssyncadd.s32 @p0 $0xFFFFD900;
	s17 =	simm.s32 @!p0 $0x0  }
0x16: {  	[tilespmem:s17], [sflag:$0x1] =	stream.linear.gather @!p0 [hbm4b:s6+s17], $0x2780, $0x38;
	[tilespmem:$0x5780] =	vst v63  }
0x17: {  	s17 =	simm.s32 @!p0 $0x1  }
0x18: {  	_ =	swait.ge @!p0 [sflag:s17], $0x2780  }
0x19: {  	[sflag:s17] =	ssyncset.done @!p0 $0x0  }
0x1a: {  	[sflag:s17] =	ssyncadd.s32 @!p0 $0xFFFFD880  }
0x1b: {  	[tilespmem:s9], [sflag:$0x1] =	stream.linear.gather [hbm4b:s5+s4], $0x800, $0x38;
	[tilespmem:$0x5780] =	vst v63  }
0x1c: {  	_ =	swait.ge [sflag:s10], $0x800  }
0x1d: {  	[sflag:s10] =	ssyncset.done $0x0  }
0x1e: {  	[sflag:s10] =	ssyncadd.s32 $0xFFFFF800  }
0x1f: {  	[spmem:s12], [sflag:s11] =	dma.local [hbm:s2], $0x500  }
0x20: {  	_ =	swait.ge [sflag:s10], $0x500  }
0x21: {  	[sflag:s10] =	ssyncset.done $0x0  }
0x22: {  	[sflag:s10] =	ssyncadd.s32 $0xFFFFFB00  }
0x23: {  	s28 =	simm.s32 $0x0;
	[bflag:$0x0] =	sbarrier.arrive $0xFFFF  }
0x24: {  	[spmem:s3] =	stream.indirect.scatter.add.f32 [tilespmem:s9], [sflag:$0x1], $0x10, s28, s13, $0xb8;
	[tilespmem:$0x5780] =	vst v63  }
0x25: {  	_ =	swait.ge [sflag:s10], $0x800  }
0x26: {  	[sflag:s10] =	ssyncset.done $0x0  }
0x27: {  	s29 =	simm.s32 $0x80;
	[sflag:s10] =	ssyncadd.s32 $0xFFFFF800  }
0x28: {  	[spmem:s3] =	stream.indirect.scatter.add.f32 [tilespmem:s9], [sflag:$0x1], $0x10, s29, s13, $0xb8;
	[tilespmem:$0x5780] =	vst v63  }
0x29: {  	_ =	swait.ge [sflag:s10], $0x800  }
0x2a: {  	[sflag:s10] =	ssyncset.done $0x0  }
0x2b: {  	s30 =	simm.s32 $0x100;
	[sflag:s10] =	ssyncadd.s32 $0xFFFFF800  }
0x2c: {  	[spmem:s3] =	stream.indirect.scatter.add.f32 [tilespmem:s9], [sflag:$0x1], $0x10, s30, s13, $0xb8;
	[tilespmem:$0x5780] =	vst v63  }
0x2d: {  	_ =	swait.ge [sflag:s10], $0x800  }
0x2e: {  	[sflag:s10] =	ssyncset.done $0x0  }
0x2f: {  	s31 =	simm.s32 $0x180;
	[sflag:s10] =	ssyncadd.s32 $0xFFFFF800  }
0x30: {  	[spmem:s3] =	stream.indirect.scatter.add.f32 [tilespmem:s9], [sflag:$0x1], $0x10, s31, s13, $0xb8;
	[tilespmem:$0x5780] =	vst v63  }
0x31: {  	_ =	swait.ge [sflag:s10], $0x800  }
0x32: {  	s18 =	simm.s32 $0x4;
	s17 =	simm.s32 $0x380;
	[sflag:s10] =	ssyncset.done $0x0  }
.LBB2_2:
0x33: {  	s18 =	sadd.s32 $0x4, s18;
	s19 =	sadd.s32 $0xFFFFFE80, s17;
	[sflag:s10] =	ssyncadd.s32 $0xFFFFF800  }
0x34: {  	[spmem:s3] =	stream.indirect.scatter.add.f32 [tilespmem:s9], [sflag:$0x1], $0x10, s19, s13, $0xb8;
	[tilespmem:$0x5780] =	vst v63  }
0x35: {  	p1 =	slt.u32 s18, $0x48;
	_ =	swait.ge [sflag:s10], $0x800  }
0x36: {  	[sflag:s10] =	ssyncset.done $0x0  }
0x37: {  	s19 =	sadd.s32 $0xFFFFFF00, s17;
	[sflag:s10] =	ssyncadd.s32 $0xFFFFF800  }
0x38: {  	[spmem:s3] =	stream.indirect.scatter.add.f32 [tilespmem:s9], [sflag:$0x1], $0x10, s19, s13, $0xb8;
	[tilespmem:$0x5780] =	vst v63  }
0x39: {  	_ =	swait.ge [sflag:s10], $0x800  }
0x3a: {  	[sflag:s10] =	ssyncset.done $0x0  }
0x3b: {  	s19 =	sadd.s32 $0xFFFFFF80, s17;
	[sflag:s10] =	ssyncadd.s32 $0xFFFFF800  }
0x3c: {  	[spmem:s3] =	stream.indirect.scatter.add.f32 [tilespmem:s9], [sflag:$0x1], $0x10, s19, s13, $0xb8;
	[tilespmem:$0x5780] =	vst v63  }
0x3d: {  	_ =	swait.ge [sflag:s10], $0x800  }
.Ltmp0:
0x3e: {  	[sflag:s10] =	ssyncset.done $0x0;
	(pc) =	sbr.rel @p1 .LBB2_2-.Ltmp0, $4  }
0x3f: {  	[sflag:s10] =	ssyncadd.s32 $0xFFFFF800  }
0x40: {  	[spmem:s3] =	stream.indirect.scatter.add.f32 [tilespmem:s9], [sflag:$0x1], $0x10, s17, s13, $0xb8;
	[tilespmem:$0x5780] =	vst v63  }
0x41: {  	_ =	swait.ge [sflag:s10], $0x800  }
0x42: {  	s17 =	sadd.s32 $0x200, s17;
	[sflag:s10] =	ssyncset.done $0x0  }
0x43: {  	s18 =	sadd.s32 $0xFFFFFE80, s17;
	[sflag:s10] =	ssyncadd.s32 $0xFFFFF800  }
0x44: {  	[spmem:s3] =	stream.indirect.scatter.add.f32 [tilespmem:s9], [sflag:$0x1], $0x10, s18, s13, $0xb8;
	[tilespmem:$0x5780] =	vst v63  }
0x45: {  	_ =	swait.ge [sflag:s10], $0x800  }
0x46: {  	[sflag:s10] =	ssyncset.done $0x0  }
0x47: {  	s30 =	sadd.s32 $0xFFFFFF00, s17;
	[sflag:s10] =	ssyncadd.s32 $0xFFFFF800  }
0x48: {  	[spmem:s3] =	stream.indirect.scatter.add.f32 [tilespmem:s9], [sflag:$0x1], $0x10, s30, s13, $0xb8;
	[tilespmem:$0x5780] =	vst v63  }
0x49: {  	_ =	swait.ge [sflag:s10], $0x800  }
0x4a: {  	[sflag:s10] =	ssyncset.done $0x0  }
0x4b: {  	s31 =	sadd.s32 $0xFFFFFF80, s17;
	[sflag:s10] =	ssyncadd.s32 $0xFFFFF800  }
0x4c: {  	[spmem:s3] =	stream.indirect.scatter.add.f32 [tilespmem:s9], [sflag:$0x1], $0x10, s31, s13, $0xb8;
	[tilespmem:$0x5780] =	vst v63  }
0x4d: {  	_ =	swait.ge [sflag:s10], $0x800  }
0x4e: {  	[sflag:s10] =	ssyncset.done $0x0  }
0x4f: {  	[sflag:s10] =	ssyncadd.s32 $0xFFFFF800  }
0x50: {  	[spmem:s3] =	stream.indirect.scatter.add.f32 [tilespmem:s9], [sflag:$0x1], $0x10, s17, s13, $0xb8;
	[tilespmem:$0x5780] =	vst v63  }
0x51: {  	_ =	swait.ge [sflag:s10], $0x800  }
0x52: {  	[sflag:s10] =	ssyncset.done $0x0  }
0x53: {  	[sflag:s10] =	ssyncadd.s32 $0xFFFFF800  }
0x54: {  	[spmem:s3] =	stream.indirect.scatter.add.f32 [tilespmem:s9], [sflag:$0x1], $0x10, s14, s13, $0xb8;
	[tilespmem:$0x5780] =	vst v63  }
0x55: {  	_ =	swait.ge [sflag:s10], $0x800  }
0x56: {  	[sflag:s10] =	ssyncset.done $0x0  }
0x57: {  	[sflag:s10] =	ssyncadd.s32 $0xFFFFF800  }
0x58: {  	[spmem:s3] =	stream.indirect.scatter.add.f32 [tilespmem:s9], [sflag:$0x1], $0x10, s15, s13, $0xb8;
	[tilespmem:$0x5780] =	vst v63  }
0x59: {  	_ =	swait.ge [sflag:s10], $0x800  }
0x5a: {  	s19 =	simm.s32 @!p0 $0x2780;
	[sflag:s10] =	ssyncset.done $0x0  }
0x5b: {  	s18 =	simm.s32 @!p0 $0x2700;
	s17 =	simm.s32 @!p0 $0x80;
	[sflag:s10] =	ssyncadd.s32 $0xFFFFF800  }
0x5c: {  	[spmem:s3] =	stream.indirect.scatter.add.f32 @!p0 [tilespmem:s19], [sflag:$0x1], $0x10, s18, s17, $0xb8;
	[tilespmem:$0x5780] =	vst v63  }
0x5d: {  	s17 =	simm.s32 @!p0 $0x1  }
0x5e: {  	_ =	swait.ge @!p0 [sflag:s17], $0x800  }
0x5f: {  	s16 =	sadd.s32 $0x1, s16;
	[sflag:s17] =	ssyncset.done @!p0 $0x0  }
0x60: {  	p1 =	sne.s32 s16, s8;
	[sflag:s17] =	ssyncadd.s32 @!p0 $0xFFFFF800  }
.Ltmp1:
0x61: {  	[bflag:$0x0] =	sbarrier.arrive $0xFFFF;
	(pc) =	sbr.rel @p1 .LBB2_1-.Ltmp1, $4  }
0x62: {  	[hbm:s7], [sflag:s11] =	dma.local [spmem:s12], $0x500  }
0x63: {  	_ =	swait.ge [sflag:s10], $0x500  }
0x64: {  	[sflag:s10] =	ssyncset.done $0x0  }
0x65: {  	[sflag:s10] =	ssyncadd.s32 $0xFFFFFB00  }
0x66: {  	_ =	sfence.sel $0x180000  }
0x67: {  	[bflag:$0x0] =	sbarrier.arrive $0xFFFF  }
0x68: {  	p0 =	sne.s32 s0, $0x0;
	_ =	strace $0x90000047  }
0x69: {  	s0 =	sadd.s32 @!p0 $0x100000, s1;
	[bflag:$0x2] =	sbarrier.arrive $0xFFFF  }
0x6a: {  	[sflag:s0] =	ssyncadd.tile.s32 @!p0 $0x1;
	_ =	shalt  }
.Lfunc_end2:
_tile_overlayer_lowered:
.L_overlay_start_2:
0x6b: {  	(tag) =	ssettag $0x2  }
0x6c: {  	s0 =	rddreg [dreg:$0x0];
	s2 =	stileid.u32  }
0x6d: {  	s1 =	rddreg [dreg:$0x1];
	p0 =	sne.s32 s2, $0x0  }
0x6e: {  	s3 =	rddreg [dreg:$0x2];
	[bflag:$0x3] =	sbarrier.arrive $0xFFFF;
	s2 =	simm.s32 @!p0 $0x1C01  }
0x6f: {  	[timem:s3], [sflag:s2] =	dma.local @!p0 [hbm:s0], s1  }
0x70: {  	s0 =	simm.s32 @!p0 $0x1  }
0x71: {  	_ =	swait.ge @!p0 [sflag:s0], s1  }
0x72: {  	s1 =	ssub.s32 @!p0 $0x0, s1;
	[sflag:s0] =	ssyncset.done @!p0 $0x0  }
0x73: {  	[sflag:s0] =	ssyncadd.s32 @!p0 s1  }
0x74: {  	[bflag:$0x3] =	sbarrier.arrive $0xFFFF  }
0x75: {  	_ =	shalt  }

// kernel: kernel.14.cloned.1.call-start
scs
__scs_entry_jumppad:
0x0: {  	(pc) =	sbr.rel $0x88, $3  }
0x1: {  	(tag) =	ssettag $0x0;
	lr =	simm.s32 $0x1  }
0x2: {  	[smem:$0x3F99] =	sst lr;
	_ =	strace $0xD0000000  }
0x3: {  	_ = 	snop  }
0x4: {  	_ = 	snop  }
0x5: {  	_ = 	snop  }
0x6: {  	_ = 	snop  }
0x7: {  	_ = 	snop  }
__scs_overlays_trampoline_lowered:
0x8: {  	[smem:$0x3FA8] =	sst s0  }
0x9: {  	[smem:$0x3FA9] =	sst s1  }
0xa: {  	[smem:$0x3FAA] =	sst s2  }
0xb: {  	[smem:$0x3FAB] =	sst s3  }
0xc: {  	[smem:$0x3FAC] =	sst s4  }
0xd: {  	[smem:$0x3FAD] =	sst s5  }
0xe: {  	[smem:$0x3FAE] =	sst s6  }
0xf: {  	[smem:$0x3FAF] =	sst s7  }
0x10: {  	[smem:$0x3FB0] =	sst s8  }
0x11: {  	[smem:$0x3FB1] =	sst s9;
	s0 =	simm.s32 @!p0 $0x0  }
0x12: {  	s1 =	sld [smem:$0x3F97];
	s0 =	simm.s32 @p0 $0x1  }
0x13: {  	[smem:$0x3FB2] =	sst s0;
	s0 =	simm.s32 @!p1 $0x0  }
0x14: {  	s2 =	sld [smem:$0x3F96];
	s0 =	simm.s32 @p1 $0x1  }
0x15: {  	[smem:$0x3FB3] =	sst s0;
	s0 =	simm.s32 @!p2 $0x0  }
0x16: {  	s3 =	sld [smem:$0x3FDB];
	s0 =	simm.s32 @p2 $0x1  }
0x17: {  	s4 =	simm.s32 $0x1BF5;
	[smem:$0x3FB5] =	sst s0  }
0x18: {  	s0 =	sld [smem:$0x3F98];
	_ =	swait.ge [sflag:s4], $0x0  }
0x19: {  	s7 =	sld [smem:$0x3F99]  }
0x1a: {  	s8 =	sadd.s32 $0xFFFFE003, lr  }
0x1b: {  	s9 =	sadd.s32 $0xFFFFFEF7, lr;
	s5 =	simm.s32 $0xFFFFFFFF;
	p2 =	slt.u32 s8, $0xFFFFF086  }
0x1c: {  	p1 =	slt.u32 s9, $0xF7A;
	s5 =	simm.s32 @!p2 $0x0  }
0x1d: {  	s5 =	simm.s32 @p1 $0x1;
	p0 =	seq.s32 s7, s2  }
0x1e: {  	s7 =	smul.u32 @!p0 $0xF7A, s2;
	p2 =	seq.s32 @!p0 s5, $0x0  }
0x1f: {  	s9 =	smul.u32 $0xF7A, s1;
	s8 =	simm.s32 @!p0 $0x1BF5;
	p2 =	por !p2, p0  }
0x20: {  	[sflag:s8] =	ssyncset.s32 @!p0 $0xFFFFF086;
	s6 =	sadd.s32 @!p0 s3, s7;
	s7 =	simm.s32 @!p0 $0x108  }
0x21: {  	s3 =	sadd.s32 s3, s9;
	s6 =	sadd.s32 @!p0 $0x88, s6;
	s7 =	simm.s32 @p2 $0x1082  }
0x22: {  	[simem:s7], [sflag:s8] =	dma.local @!p0 [hbm:s6], $0xF7A  }
0x23: {  	s9 =	sor.u32 $0xD0000000, s2;
	s6 =	simm.s32 $0x108;
	_ =	swait.ge @!p0 [sflag:s8], $0x0  }
0x24: {  	s3 =	sadd.s32 $0x88, s3;
	s6 =	simm.s32 @!p1 $0x1082;
	[sflag:s4] =	ssyncset.s32 $0xFFFFF086  }
0x25: {  	[simem:s6], [sflag:s4] =	dma.local [hbm:s3], $0xF7A  }
0x26: {  	[smem:$0x3F99] =	sst s1;
	(tag) =	ssettag s2;
	_ =	strace s9  }
0x27: {  	s1 =	sld [smem:$0x3FA9]  }
0x28: {  	s2 =	sld [smem:$0x3FAA]  }
0x29: {  	s4 =	sld [smem:$0x3FAC]  }
0x2a: {  	p0 =	seq.s32 s5, $0x0;
	s5 =	sld [smem:$0x3FAD]  }
0x2b: {  	s6 =	sld [smem:$0x3FAE]  }
0x2c: {  	s7 =	sld [smem:$0x3FAF]  }
0x2d: {  	s3 =	simm.s32 $0x108;
	s8 =	sld [smem:$0x3FB0]  }
0x2e: {  	s3 =	simm.s32 @!p0 $0x1082;
	s9 =	sld [smem:$0x3FB1]  }
0x2f: {  	lr =	sadd.s32 s0, s3;
	s0 =	sld [smem:$0x3FA8]  }
0x30: {  	s3 =	sld [smem:$0x3FAB]  }
0x31: {  	[smem:$0x3FB4] =	sst s10  }
0x32: {  	s10 =	sld [smem:$0x3FB2];
	_ =	sdelay $0x3  }
0x33: {  	p0 =	seq.s32 s10, $0x1;
	s10 =	sld [smem:$0x3FB4];
	_ =	sdelay $0x3  }
0x34: {  	[smem:$0x3FB4] =	sst s10  }
0x35: {  	s10 =	sld [smem:$0x3FB3];
	_ =	sdelay $0x3  }
0x36: {  	p1 =	seq.s32 s10, $0x1;
	s10 =	sld [smem:$0x3FB4];
	_ =	sdelay $0x3  }
0x37: {  	[smem:$0x3FB4] =	sst s10  }
0x38: {  	s10 =	sld [smem:$0x3FB5]  }
0x39: {  	_ = 	snop;
	(pc) =	sbr.ind lr, $3  }
0x3a: {  	_ = 	snop  }
0x3b: {  	_ = 	snop  }
0x3c: {  	p2 =	seq.s32 s10, $0x1;
	s10 =	sld [smem:$0x3FB4]  }
0x3d: {  	_ =	shalt  }
0x3e: {  	_ =	shalt  }
0x3f: {  	_ =	shalt  }
0x40: {  	_ =	shalt  }
0x41: {  	_ =	shalt  }
0x42: {  	_ =	shalt  }
0x43: {  	_ =	shalt  }
0x44: {  	_ =	shalt  }
0x45: {  	_ =	shalt  }
0x46: {  	_ =	shalt  }
0x47: {  	_ =	shalt  }
0x48: {  	_ =	shalt  }
0x49: {  	_ =	shalt  }
0x4a: {  	_ =	shalt  }
0x4b: {  	_ =	shalt  }
0x4c: {  	_ =	shalt  }
0x4d: {  	_ =	shalt  }
0x4e: {  	_ =	shalt  }
0x4f: {  	_ =	shalt  }
0x50: {  	_ =	shalt  }
0x51: {  	_ =	shalt  }
0x52: {  	_ =	shalt  }
0x53: {  	_ =	shalt  }
0x54: {  	_ =	shalt  }
0x55: {  	_ =	shalt  }
0x56: {  	_ =	shalt  }
0x57: {  	_ =	shalt  }
0x58: {  	_ =	shalt  }
0x59: {  	_ =	shalt  }
0x5a: {  	_ =	shalt  }
0x5b: {  	_ =	shalt  }
0x5c: {  	_ =	shalt  }
0x5d: {  	_ =	shalt  }
0x5e: {  	_ =	shalt  }
0x5f: {  	_ =	shalt  }
0x60: {  	_ =	shalt  }
0x61: {  	_ =	shalt  }
0x62: {  	_ =	shalt  }
0x63: {  	_ =	shalt  }
0x64: {  	_ =	shalt  }
0x65: {  	_ =	shalt  }
0x66: {  	_ =	shalt  }
0x67: {  	_ =	shalt  }
0x68: {  	_ =	shalt  }
0x69: {  	_ =	shalt  }
0x6a: {  	_ =	shalt  }
0x6b: {  	_ =	shalt  }
0x6c: {  	_ =	shalt  }
0x6d: {  	_ =	shalt  }
0x6e: {  	_ =	shalt  }
0x6f: {  	_ =	shalt  }
0x70: {  	_ =	shalt  }
0x71: {  	_ =	shalt  }
0x72: {  	_ =	shalt  }
0x73: {  	_ =	shalt  }
0x74: {  	_ =	shalt  }
0x75: {  	_ =	shalt  }
0x76: {  	_ =	shalt  }
0x77: {  	_ =	shalt  }
0x78: {  	_ =	shalt  }
0x79: {  	_ =	shalt  }
0x7a: {  	_ =	shalt  }
0x7b: {  	_ =	shalt  }
0x7c: {  	_ =	shalt  }
0x7d: {  	_ =	shalt  }
0x7e: {  	_ =	shalt  }
0x7f: {  	_ =	shalt  }
0x80: {  	_ =	shalt  }
0x81: {  	_ =	shalt  }
0x82: {  	_ =	shalt  }
0x83: {  	_ =	shalt  }
0x84: {  	_ =	shalt  }
0x85: {  	_ =	shalt  }
0x86: {  	_ =	shalt  }
0x87: {  	_ =	shalt  }
.Lfunc_end0:
.L_simem_size_0:
called_computation.1_lowered:
.L_overlay_start_0:
0x88: {  	s2 =	sld [smem:$0x3FD9]  }
0x89: {  	s3 =	sld [smem:$0x3FFE];
	_ =	sdelay $0x1  }
0x8a: {  	s1 =	srdreg.scid  }
0x8b: {  	s0 =	sand.u32 $0x1, s1  }
0x8c: {  	s16 =	sshll.u32 s0, $0xA;
	s2 =	sadd.s32 s3, s2  }
0x8d: {  	s2 =	sadd.s32 s2, s16  }
0x8e: {  	[smem:$0x3FC0] =	sst s2  }
0x8f: {  	_ = 	snop  }
0x90: {  	(tm) =	ssettm $0x1  }
0x91: {  	s17 =	sld [smem:$0x3FFB];
	_ =	sdelay $0x3  }
0x92: {  	_ =	strace s17  }
0x93: {  	s2 =	sld [smem:$0x3FFC];
	_ =	sdelay $0x3  }
0x94: {  	_ =	strace s2  }
0x95: {  	s2 =	sld [smem:$0x3FFD];
	_ =	sdelay $0x3  }
0x96: {  	_ =	strace s2  }
0x97: {  	_ =	strace $0x8FFFFFFF  }
0x98: {  	s18 =	sld [smem:$0x3FDB];
	_ =	sdelay $0x1  }
0x99: {  	s19 =	simm.s32 $_scs_section_size  }
0x9a: {  	s4 =	simm.s32 $_size__tile_overlayer_lowered;
	s5 =	simm.s32 $_tile_overlayer_lowered  }
0x9b: {  	s22 =	simm.s32 $0x1BFF;
	s21 =	sshll.u32 s5, $0x1;
	s2 =	sadd.s32 s19, s18  }
0x9c: {  	s6 =	simm.s32 $0x0;
	s20 =	sshll.u32 s4, $0x1;
	s4 =	sadd.s32 s21, s2  }
0x9d: {  	[timem:s6], [sflag:s22] =	dma.local [hbm:s4], s20  }
0x9e: {  	_ =	swait.ge [sflag:s22], s20  }
0x9f: {  	s3 =	ssub.s32 $0x0, s20;
	[sflag:s22] =	ssyncset.done $0x0  }
0xa0: {  	[sflag:s22] =	ssyncadd.s32 s3;
	_ =	sdelay $0x1  }
0xa1: {  	s23 =	simm.s32 $0x1B8B  }
0xa2: {  	_ =	swait.ge [sflag:s23], $0x1  }
0xa3: {  	[sflag:s23] =	ssyncset.done $0x0  }
0xa4: {  	s25 =	simm.s32 $0x1B8E;
	s24 =	sld [smem:$0x3FFE];
	[sflag:s23] =	ssyncadd.s32 $0xFFFFFFFF  }
0xa5: {  	s26 =	simm.s32 $execute0_lowered;
	[smem:$0x3FD2] =	sst s25  }
0xa6: {  	s4 =	sshll.u32 s26, $0x1;
	_ =	strace $0x80000049;
	[dreg:$0x1] =	wrdreg $0xFFFFFFFF  }
0xa7: {  	s28 =	simm.s32 $_size_execute0_lowered;
	s2 =	sadd.s32 s2, s4;
	[dreg:$0x0] =	wrdreg $0x0  }
0xa8: {  	s4 =	sshll.u32 s28, $0x1;
	[dreg:$0x2] =	wrdreg s2  }
0xa9: {  	[dreg:$0x3] =	wrdreg s4  }
0xaa: {  	[dreg:$0x4] =	wrdreg $0xC0  }
0xab: {  	_ =	task [dreg:s6], $0x5FFFF  }
0xac: {  	[dreg:$0x1] =	wrdreg $0xFFFFFFFF  }
0xad: {  	[dreg:$0x0] =	wrdreg $0x60  }
0xae: {  	[dreg:$0x2] =	wrdreg s24  }
0xaf: {  	[dreg:$0x3] =	wrdreg $0x8F000  }
0xb0: {  	[dreg:$0x4] =	wrdreg $0x9  }
0xb1: {  	_ =	task.clear_ibuf [dreg:s6], $0x5FFFF;
	_ =	strace $0x90000049  }
0xb2: {  	s29 =	simm.s32 $0x9;
	_ =	strace $0x8000004B  }
0xb3: {  	_ =	swait.ge [sflag:s29], $0x1  }
0xb4: {  	[sflag:s29] =	ssyncadd.s32 $0xFFFFFFFF  }
0xb5: {  	_ =	strace $0x9000004B  }
0xb6: {  	_ =	sfence  }
0xb7: {  	s30 =	sld [smem:$0x0];
	_ =	sdelay $0x2  }
0xb8: {  	s31 =	sshll.u32 s1, $0xD;
	s1 =	sshrl.u32 s1, $0x2  }
0xb9: {  	s3 =	sand.u32 $0x4000, s31;
	s1 =	sadd.s32 s1, s30  }
0xba: {  	s0 =	sor.u32 s3, s0;
	s1 =	sshll.u32 s1, $0x11  }
0xbb: {  	s0 =	sor.u32 s1, s0  }
0xbc: {  	s0 =	sadd.s32 $0x8F2B, s0  }
0xbd: {  	[sflag:s0] =	ssyncadd.remote.s32 $0x1  }
0xbe: {  	_ =	sfence.sel $0xFFFF  }
0xbf: {  	[dreg:$0x0] =	wrdreg $0xFFFFFFFF;
	(pc) =	sbr.abs _section_cstart, $3  }
0xc0: {  	[dreg:$0x1] =	wrdreg $0xFFFFFFFF  }
0xc1: {  	_ =	task.clear_ibuf [dreg:s6], $0x2FFFF;
	_ =	strace $0x9FFFFFFF  }
0xc2: {  	(tm) =	ssettm $0x7FFFFFFF  }
0xc3: {  	_ =	shalt  }
tec
execute0_lowered:
.L_overlay_start_1:
0x0: {  	(tag) =	ssettag $0x1  }
0x1: {  	s1 =	rddreg [dreg:$0x0]  }
0x2: {  	s2 =	rddreg [dreg:$0x1]  }
0x3: {  	s0 =	stileid.u32;
	s3 =	srdreg.scid  }
0x4: {  	s28 =	simm.s32 $0x2;
	s29 =	simm.s32 $0x4D80;
	s31 =	simm.s32 $0x4E00  }
0x5: {  	s4 =	smul.u32 $0x4E, s0;
	s7 =	sand.u32 $0x1, s3;
	s5 =	smin.u32 s0, $0x2  }
0x6: {  	s3 =	simm.s32 $0x0;
	s12 =	smul.u32 $0x14000, s0;
	s13 =	sadd.s32 $0x47000, s1  }
0x7: {  	s10 =	sadd.s32 $0x46200, s1;
	p0 =	sgt.u32 s0, $0x1;
	s22 =	smul.u32 $0x27100, s7  }
0x8: {  	[smem:$0x7FF] =	sst s3;
	s23 =	ssub.s32 $0x2, s7;
	s14 =	smul.u32 $0x138800, s7  }
0x9: {  	p4 =	seq.s32 s7, $0x1;
	s4 =	sadd.s32 s5, s4;
	_ =	strace $0x8000004A  }
0xa: {  	s8 =	sshrl.u32 s12, $0x4;
	s24 =	sshrl.u32 s23, $0x1;
	s25 =	sshrl.u32 s12, $0x1  }
0xb: {  	p2 =	seq.s32 @p4 s0, $0xF;
	p5 =	seq.s32 @!p4 s0, $0xF;
	s6 =	sshll.u32 s4, $0x7  }
0xc: {  	s4 =	sadd.s32 $0x33600, s1;
	s11 =	sadd.s32 s8, s1;
	s15 =	ssub.s32 s23, s24  }
0xd: {  	s7 =	sadd.s32 s25, s2;
	s16 =	sshrl.u32 s14, $0x4;
	s14 =	sadd.s32 s12, s14  }
0xe: {  	s12 =	sadd.s32 $0x32800, s1;
	p1 =	por !p2, !p4;
	p2 =	por p2, !p4  }
0xf: {  	p3 =	por !p5, p4;
	p4 =	por p5, p4;
	s23 =	simm.s32 $0x4F00  }
0x10: {  	s24 =	simm.s32 $0x6F00;
	s25 =	simm.s32 $0x1;
	p5 =	seq.s32 s0, $0xF  }
0x11: {  	s5 =	sadd.s32 s22, s6;
	s8 =	sadd.s32 s4, s8;
	s11 =	sadd.s32 $0x1FC00, s11  }
0x12: {  	s16 =	sadd.s32 s13, s16;
	s30 =	sshrl.u32 s14, $0x4;
	s15 =	smax.u32 s15, $0x1  }
0x13: {  	s18 =	sshrl.u32 @!p2 s7, $0x3;
	s21 =	sshrl.u32 @!p4 s7, $0x3;
	s22 =	simm.s32 $0x80  }
0x14: {  	s5 =	sshrl.u32 s5, $0x3;
	s26 =	sadd.s32 $0x12C00, s16;
	s14 =	sadd.s32 s13, s30  }
.Ltmp0:
0x15: {  	s13 =	simm.s32 $0x0;
	s9 =	sadd.s32 s5, s1;
	(pc) =	sbr.rel .LBB2_1-.Ltmp0, $4  }
0x16: {  	[dreg:$0x4] =	wrdreg s26;
	s1 =	sshll.u32 @!p2 s0, $0x6;
	s26 =	simm.s32 $0x3  }
0x17: {  	s5 =	sadd.s32 $0x1E00, s9;
	s6 =	sadd.s32 $0xBC00, s9;
	s9 =	sadd.s32 $0x96000, s2  }
0x18: {  	s17 =	sor.u32 @!p2 $0x1C03, s1;
	s1 =	sshll.u32 @!p4 s0, $0x6;
	s16 =	sshrl.u32 @!p1 s9, $0x3  }
0x19: {  	[dreg:$0x3] =	wrdreg s9;
	s19 =	sshrl.u32 @!p3 s9, $0x3;
	s20 =	sor.u32 @!p4 $0x1C03, s1  }
.LBB2_7:
0x1a: {  	s1 =	rddreg [dreg:$0x3]  }
0x1b: {  	s9 =	rddreg [dreg:$0x4];
	s30 =	simm.s32 $0x1FC3;
	s1 =	sshrl.u32 s1, $0x3  }
0x1c: {  	[hbm:s9], [sflag:s30] =	dma.local [spmem:s1], $0xC80  }
0x1d: {  	_ =	swait.ge [sflag:s26], $0xC80  }
0x1e: {  	[sflag:s26] =	ssyncset.done $0x0  }
0x1f: {  	[sflag:s26] =	ssyncadd.s32 $0xFFFFF380  }
.LBB2_8:
0x20: {  	s13 =	sadd.s32 $0x1, s13  }
0x21: {  	p6 =	sne.s32 s13, s15  }
.Ltmp1:
0x22: {  	_ = 	snop;
	(pc) =	sbr.rel @!p6 .LBB2_9-.Ltmp1, $1  }
0x23: {  	_ =	sdelay $0x3  }
.LBB2_1:
0x24: {  	s1 =	simm.s32 @p0 $0x0;
	s30 =	simm.s32 @p0 $0x3  }
0x25: {  	[tilespmem:s1], [sflag:$0x3] =	stream.linear.gather @p0 [hbm4b:s5+s1], $0x2700, $0x38;
	[tilespmem:$0x12F00] =	vst v63  }
0x26: {  	_ =	swait.ge @p0 [sflag:s30], $0x2700  }
0x27: {  	[sflag:s30] =	ssyncset.done @p0 $0x0  }
0x28: {  	s9 =	simm.s32 @p0 $0x2780;
	[sflag:s30] =	ssyncadd.s32 @p0 $0xFFFFD900  }
0x29: {  	[tilespmem:s9], [sflag:$0x3] =	stream.linear.gather @p0 [hbm4b:s6+s1], $0x2700, $0x38;
	[tilespmem:$0x12F00] =	vst v63  }
0x2a: {  	_ =	swait.ge @p0 [sflag:s30], $0x2700  }
0x2b: {  	[sflag:s30] =	ssyncset.done @p0 $0x0  }
0x2c: {  	s1 =	simm.s32 @!p0 $0x0;
	s9 =	simm.s32 @!p0 $0x3;
	[sflag:s30] =	ssyncadd.s32 @p0 $0xFFFFD900  }
0x2d: {  	[tilespmem:s1], [sflag:$0x3] =	stream.linear.gather @!p0 [hbm4b:s5+s1], $0x2780, $0x38;
	[tilespmem:$0x12F00] =	vst v63  }
0x2e: {  	_ =	swait.ge @!p0 [sflag:s9], $0x2780  }
0x2f: {  	[sflag:s9] =	ssyncset.done @!p0 $0x0  }
0x30: {  	s30 =	simm.s32 @!p0 $0x2780;
	[sflag:s9] =	ssyncadd.s32 @!p0 $0xFFFFD880  }
0x31: {  	[tilespmem:s30], [sflag:$0x3] =	stream.linear.gather @!p0 [hbm4b:s6+s1], $0x2780, $0x38;
	[tilespmem:$0x12F00] =	vst v63  }
0x32: {  	_ =	swait.ge @!p0 [sflag:s9], $0x2780  }
0x33: {  	[sflag:s9] =	ssyncset.done @!p0 $0x0  }
0x34: {  	s1 =	simm.s32 @!p1 $0x1FC3;
	[sflag:s9] =	ssyncadd.s32 @!p0 $0xFFFFD880  }
0x35: {  	[spmem:s16], [sflag:s1] =	dma.local @!p1 [hbm:s12], $0xC80  }
0x36: {  	s1 =	simm.s32 @!p1 $0x3  }
0x37: {  	_ =	swait.ge @!p1 [sflag:s1], $0xC80  }
0x38: {  	[sflag:s1] =	ssyncset.done @!p1 $0x0  }
0x39: {  	[sflag:s1] =	ssyncadd.s32 @!p1 $0xFFFFF380;
	s1 =	simm.s32 @!p2 $0x3  }
0x3a: {  	[spmem:s18], [sflag:s17] =	dma.local @!p2 [hbm:s11], $0x1400  }
0x3b: {  	_ =	swait.ge @!p2 [sflag:s1], $0x1400  }
0x3c: {  	[sflag:s1] =	ssyncset.done @!p2 $0x0  }
0x3d: {  	[sflag:s1] =	ssyncadd.s32 @!p2 $0xFFFFEC00;
	s1 =	simm.s32 @!p3 $0x1FC3  }
0x3e: {  	[spmem:s19], [sflag:s1] =	dma.local @!p3 [hbm:s10], $0xC80  }
0x3f: {  	s1 =	simm.s32 @!p3 $0x3  }
0x40: {  	_ =	swait.ge @!p3 [sflag:s1], $0xC80  }
0x41: {  	[sflag:s1] =	ssyncset.done @!p3 $0x0  }
0x42: {  	[sflag:s1] =	ssyncadd.s32 @!p3 $0xFFFFF380;
	s1 =	simm.s32 @!p4 $0x3  }
0x43: {  	[spmem:s21], [sflag:s20] =	dma.local @!p4 [hbm:s8], $0x1400  }
0x44: {  	_ =	swait.ge @!p4 [sflag:s1], $0x1400  }
0x45: {  	[sflag:s1] =	ssyncset.done @!p4 $0x0  }
0x46: {  	[sflag:s1] =	ssyncadd.s32 @!p4 $0xFFFFEC00  }
0x47: {  	[bflag:$0x0] =	sbarrier.arrive $0xFFFF  }
0x48: {  	[tilespmem:s23], [sflag:$0x1] =	stream.indirect.gather [hbm4b:s4+s22], $0x40, s3, s22, $0xb8;
	[tilespmem:$0x12F00] =	vst v63  }
0x49: {  	_ = 	snop  }
0x4a: {  	[tilespmem:s24], [sflag:$0x2] =	stream.indirect.gather [hbm4b:s4+s22], $0x40, s22, s22, $0xb8;
	[tilespmem:$0x12F00] =	vst v63  }
0x4b: {  	_ =	swait.ge [sflag:s25], $0x2000  }
0x4c: {  	[sflag:s25] =	ssyncset.done $0x0  }
0x4d: {  	s9 =	simm.s32 $0x2780;
	[sflag:s25] =	ssyncadd.s32 $0xFFFFE000  }
0x4e: {  	[spmem:s2] =	stream.indirect.scatter.add.bf16 [tilespmem:s23], [sflag:$0x3], $0x40, s9, s22, $0xb8;
	[tilespmem:$0x12F00] =	vst v63  }
0x4f: {  	_ =	swait.ge [sflag:s26], $0x2000  }
0x50: {  	[sflag:s26] =	ssyncset.done $0x0  }
0x51: {  	s9 =	simm.s32 $0x100;
	[sflag:s26] =	ssyncadd.s32 $0xFFFFE000  }
0x52: {  	[tilespmem:s23], [sflag:$0x1] =	stream.indirect.gather [hbm4b:s4+s22], $0x40, s9, s22, $0xb8;
	[tilespmem:$0x12F00] =	vst v63  }
0x53: {  	_ =	swait.ge [sflag:s28], $0x2000  }
0x54: {  	[sflag:s28] =	ssyncset.done $0x0  }
0x55: {  	s9 =	simm.s32 $0x2800;
	[sflag:s28] =	ssyncadd.s32 $0xFFFFE000  }
0x56: {  	[spmem:s2] =	stream.indirect.scatter.add.bf16 [tilespmem:s24], [sflag:$0x3], $0x40, s9, s22, $0xb8;
	[tilespmem:$0x12F00] =	vst v63  }
0x57: {  	_ =	swait.ge [sflag:s26], $0x2000  }
0x58: {  	[sflag:s26] =	ssyncset.done $0x0  }
0x59: {  	s30 =	simm.s32 $0x400;
	s1 =	simm.s32 $0x180;
	[sflag:s26] =	ssyncadd.s32 $0xFFFFE000  }
.LBB2_2:
0x5a: {  	[tilespmem:s24], [sflag:$0x2] =	stream.indirect.gather [hbm4b:s4+s22], $0x40, s1, s22, $0xb8;
	[tilespmem:$0x12F00] =	vst v63  }
0x5b: {  	s1 =	smov.u32 s30  }
0x5c: {  	p6 =	sne.s32 s30, $0x9400;
	s30 =	sadd.s32 $0x400, s30;
	_ =	swait.ge [sflag:s25], $0x2000  }
0x5d: {  	s1 =	sshra.s32 s1, $0x2;
	[sflag:s25] =	ssyncset.done $0x0  }
0x5e: {  	s9 =	sadd.s32 $0x2780, s1;
	[sflag:s25] =	ssyncadd.s32 $0xFFFFE000  }
0x5f: {  	[spmem:s2] =	stream.indirect.scatter.add.bf16 [tilespmem:s23], [sflag:$0x3], $0x40, s9, s22, $0xb8;
	[tilespmem:$0x12F00] =	vst v63  }
0x60: {  	_ =	swait.ge [sflag:s26], $0x2000  }
0x61: {  	[sflag:s26] =	ssyncset.done $0x0  }
0x62: {  	s9 =	sadd.s32 $0x100, s1;
	[sflag:s26] =	ssyncadd.s32 $0xFFFFE000  }
0x63: {  	[tilespmem:s23], [sflag:$0x1] =	stream.indirect.gather [hbm4b:s4+s22], $0x40, s9, s22, $0xb8;
	[tilespmem:$0x12F00] =	vst v63  }
0x64: {  	_ =	swait.ge [sflag:s28], $0x2000  }
0x65: {  	[sflag:s28] =	ssyncset.done $0x0  }
.Ltmp2:
0x66: {  	s9 =	sadd.s32 $0x2800, s1;
	[sflag:s28] =	ssyncadd.s32 $0xFFFFE000;
	(pc) =	sbr.rel @p6 .LBB2_2-.Ltmp2, $4  }
0x67: {  	[spmem:s2] =	stream.indirect.scatter.add.bf16 [tilespmem:s24], [sflag:$0x3], $0x40, s9, s22, $0xb8;
	[tilespmem:$0x12F00] =	vst v63  }
0x68: {  	_ =	swait.ge [sflag:s26], $0x2000  }
0x69: {  	[sflag:s26] =	ssyncset.done $0x0  }
0x6a: {  	s1 =	sadd.s32 $0x180, s1;
	[sflag:s26] =	ssyncadd.s32 $0xFFFFE000  }
0x6b: {  	[tilespmem:s24], [sflag:$0x2] =	stream.indirect.gather [hbm4b:s4+s22], $0x40, s1, s22, $0xb8;
	[tilespmem:$0x12F00] =	vst v63  }
0x6c: {  	_ =	swait.ge [sflag:s25], $0x2000  }
0x6d: {  	[sflag:s25] =	ssyncset.done $0x0  }
.Ltmp3:
0x6e: {  	[sflag:s25] =	ssyncadd.s32 $0xFFFFE000;
	(pc) =	sbr.rel @p0 .LBB2_5-.Ltmp3, $4  }
0x6f: {  	[spmem:s2] =	stream.indirect.scatter.add.bf16 [tilespmem:s23], [sflag:$0x3], $0x40, s29, s22, $0xb8;
	[tilespmem:$0x12F00] =	vst v63  }
0x70: {  	_ =	swait.ge [sflag:s26], $0x2000  }
0x71: {  	[sflag:s26] =	ssyncset.done $0x0  }
0x72: {  	[sflag:s26] =	ssyncadd.s32 $0xFFFFE000  }
0x73: {  	s1 =	simm.s32 $0x2700  }
0x74: {  	[tilespmem:s23], [sflag:$0x1] =	stream.indirect.gather [hbm4b:s4+s22], $0x40, s1, s22, $0xb8;
	[tilespmem:$0x12F00] =	vst v63  }
0x75: {  	_ =	swait.ge [sflag:s28], $0x2000  }
0x76: {  	[sflag:s28] =	ssyncset.done $0x0  }
0x77: {  	[sflag:s28] =	ssyncadd.s32 $0xFFFFE000  }
0x78: {  	[spmem:s2] =	stream.indirect.scatter.add.bf16 [tilespmem:s24], [sflag:$0x3], $0x40, s31, s22, $0xb8;
	[tilespmem:$0x12F00] =	vst v63  }
0x79: {  	_ =	swait.ge [sflag:s26], $0x2000  }
0x7a: {  	[sflag:s26] =	ssyncset.done $0x0  }
0x7b: {  	[sflag:s26] =	ssyncadd.s32 $0xFFFFE000  }
0x7c: {  	_ =	swait.ge [sflag:s25], $0x2000  }
0x7d: {  	[sflag:s25] =	ssyncset.done $0x0  }
0x7e: {  	s30 =	simm.s32 $0x4E80;
	[sflag:s25] =	ssyncadd.s32 $0xFFFFE000  }
0x7f: {  	[spmem:s2] =	stream.indirect.scatter.add.bf16 [tilespmem:s23], [sflag:$0x3], $0x40, s30, s22, $0xb8;
	[tilespmem:$0x12F00] =	vst v63  }
.Ltmp4:
0x80: {  	_ =	swait.ge [sflag:s26], $0x2000;
	(pc) =	sbr.rel .LBB2_6-.Ltmp4, $3  }
0x81: {  	[sflag:s26] =	ssyncset.done $0x0  }
0x82: {  	[sflag:s26] =	ssyncadd.s32 $0xFFFFE000  }
0x83: {  	[bflag:$0x0] =	sbarrier.arrive $0xFFFF;
	_ =	sdelay $0x1  }
.LBB2_5:
0x84: {  	_ =	swait.ge [sflag:s28], $0x2000  }
0x85: {  	[sflag:s28] =	ssyncset.done $0x0  }
0x86: {  	[sflag:s28] =	ssyncadd.s32 $0xFFFFE000  }
0x87: {  	[spmem:s2] =	stream.indirect.scatter.add.bf16 [tilespmem:s24], [sflag:$0x3], $0x40, s31, s22, $0xb8;
	[tilespmem:$0x12F00] =	vst v63  }
.Ltmp5:
0x88: {  	_ =	swait.ge [sflag:s26], $0x2000;
	(pc) =	sbr.rel @p5 .LBB2_7-.Ltmp5, $3  }
0x89: {  	[sflag:s26] =	ssyncset.done $0x0  }
0x8a: {  	[sflag:s26] =	ssyncadd.s32 $0xFFFFE000  }
0x8b: {  	[bflag:$0x0] =	sbarrier.arrive $0xFFFF;
	_ =	sdelay $0x1  }
.LBB2_6:
0x8c: {  	s1 =	sshll.u32 s0, $0x6  }
.Ltmp6:
0x8d: {  	s9 =	sshrl.u32 s7, $0x3;
	s1 =	sor.u32 $0x1C03, s1;
	(pc) =	sbr.rel .LBB2_8-.Ltmp6, $4  }
0x8e: {  	[hbm:s14], [sflag:s1] =	dma.local [spmem:s9], $0x1400  }
0x8f: {  	_ =	swait.ge [sflag:s26], $0x1400  }
0x90: {  	[sflag:s26] =	ssyncset.done $0x0  }
0x91: {  	[sflag:s26] =	ssyncadd.s32 $0xFFFFEC00  }
.LBB2_9:
0x92: {  	_ =	sfence.sel $0x180000  }
0x93: {  	[bflag:$0x0] =	sbarrier.arrive $0xFFFF  }
0x94: {  	_ =	strace $0x9000004A  }
0x95: {  	[bflag:$0x2] =	sbarrier.arrive $0xFFFF  }
0x96: {  	p0 =	sne.s32 s0, $0x0;
	s0 =	rddreg [dreg:$0x2]  }
0x97: {  	s0 =	sadd.s32 @!p0 $0x100000, s0  }
0x98: {  	[sflag:s0] =	ssyncadd.tile.s32 @!p0 $0x1;
	_ =	shalt  }
.Lfunc_end2:
_tile_overlayer_lowered:
.L_overlay_start_2:
0x99: {  	(tag) =	ssettag $0x2  }
0x9a: {  	s0 =	rddreg [dreg:$0x0];
	s2 =	stileid.u32  }
0x9b: {  	s1 =	rddreg [dreg:$0x1];
	p0 =	sne.s32 s2, $0x0  }
0x9c: {  	s3 =	rddreg [dreg:$0x2];
	[bflag:$0x3] =	sbarrier.arrive $0xFFFF;
	s2 =	simm.s32 @!p0 $0x1C03  }
0x9d: {  	[timem:s3], [sflag:s2] =	dma.local @!p0 [hbm:s0], s1  }
0x9e: {  	s0 =	simm.s32 @!p0 $0x3  }
0x9f: {  	_ =	swait.ge @!p0 [sflag:s0], s1  }
0xa0: {  	s1 =	ssub.s32 @!p0 $0x0, s1;
	[sflag:s0] =	ssyncset.done @!p0 $0x0  }
0xa1: {  	[sflag:s0] =	ssyncadd.s32 @!p0 s1  }
0xa2: {  	[bflag:$0x3] =	sbarrier.arrive $0xFFFF  }
0xa3: {  	_ =	shalt  }

// kernel: kernel.17.cloned.1.call-start
scs
__scs_entry_jumppad:
0x0: {  	(pc) =	sbr.rel $0x88, $3  }
0x1: {  	(tag) =	ssettag $0x0;
	lr =	simm.s32 $0x1  }
0x2: {  	[smem:$0x3F99] =	sst lr;
	_ =	strace $0xD0000000  }
0x3: {  	_ = 	snop  }
0x4: {  	_ = 	snop  }
0x5: {  	_ = 	snop  }
0x6: {  	_ = 	snop  }
0x7: {  	_ = 	snop  }
__scs_overlays_trampoline_lowered:
0x8: {  	[smem:$0x3FA8] =	sst s0  }
0x9: {  	[smem:$0x3FA9] =	sst s1  }
0xa: {  	[smem:$0x3FAA] =	sst s2  }
0xb: {  	[smem:$0x3FAB] =	sst s3  }
0xc: {  	[smem:$0x3FAC] =	sst s4  }
0xd: {  	[smem:$0x3FAD] =	sst s5  }
0xe: {  	[smem:$0x3FAE] =	sst s6  }
0xf: {  	[smem:$0x3FAF] =	sst s7  }
0x10: {  	[smem:$0x3FB0] =	sst s8  }
0x11: {  	[smem:$0x3FB1] =	sst s9;
	s0 =	simm.s32 @!p0 $0x0  }
0x12: {  	s1 =	sld [smem:$0x3F97];
	s0 =	simm.s32 @p0 $0x1  }
0x13: {  	[smem:$0x3FB2] =	sst s0;
	s0 =	simm.s32 @!p1 $0x0  }
0x14: {  	s2 =	sld [smem:$0x3F96];
	s0 =	simm.s32 @p1 $0x1  }
0x15: {  	[smem:$0x3FB3] =	sst s0;
	s0 =	simm.s32 @!p2 $0x0  }
0x16: {  	s3 =	sld [smem:$0x3FDB];
	s0 =	simm.s32 @p2 $0x1  }
0x17: {  	s4 =	simm.s32 $0x1BF5;
	[smem:$0x3FB5] =	sst s0  }
0x18: {  	s0 =	sld [smem:$0x3F98];
	_ =	swait.ge [sflag:s4], $0x0  }
0x19: {  	s7 =	sld [smem:$0x3F99]  }
0x1a: {  	s8 =	sadd.s32 $0xFFFFE003, lr  }
0x1b: {  	s9 =	sadd.s32 $0xFFFFFEF7, lr;
	s5 =	simm.s32 $0xFFFFFFFF;
	p2 =	slt.u32 s8, $0xFFFFF086  }
0x1c: {  	p1 =	slt.u32 s9, $0xF7A;
	s5 =	simm.s32 @!p2 $0x0  }
0x1d: {  	s5 =	simm.s32 @p1 $0x1;
	p0 =	seq.s32 s7, s2  }
0x1e: {  	s7 =	smul.u32 @!p0 $0xF7A, s2;
	p2 =	seq.s32 @!p0 s5, $0x0  }
0x1f: {  	s9 =	smul.u32 $0xF7A, s1;
	s8 =	simm.s32 @!p0 $0x1BF5;
	p2 =	por !p2, p0  }
0x20: {  	[sflag:s8] =	ssyncset.s32 @!p0 $0xFFFFF086;
	s6 =	sadd.s32 @!p0 s3, s7;
	s7 =	simm.s32 @!p0 $0x108  }
0x21: {  	s3 =	sadd.s32 s3, s9;
	s6 =	sadd.s32 @!p0 $0x88, s6;
	s7 =	simm.s32 @p2 $0x1082  }
0x22: {  	[simem:s7], [sflag:s8] =	dma.local @!p0 [hbm:s6], $0xF7A  }
0x23: {  	s9 =	sor.u32 $0xD0000000, s2;
	s6 =	simm.s32 $0x108;
	_ =	swait.ge @!p0 [sflag:s8], $0x0  }
0x24: {  	s3 =	sadd.s32 $0x88, s3;
	s6 =	simm.s32 @!p1 $0x1082;
	[sflag:s4] =	ssyncset.s32 $0xFFFFF086  }
0x25: {  	[simem:s6], [sflag:s4] =	dma.local [hbm:s3], $0xF7A  }
0x26: {  	[smem:$0x3F99] =	sst s1;
	(tag) =	ssettag s2;
	_ =	strace s9  }
0x27: {  	s1 =	sld [smem:$0x3FA9]  }
0x28: {  	s2 =	sld [smem:$0x3FAA]  }
0x29: {  	s4 =	sld [smem:$0x3FAC]  }
0x2a: {  	p0 =	seq.s32 s5, $0x0;
	s5 =	sld [smem:$0x3FAD]  }
0x2b: {  	s6 =	sld [smem:$0x3FAE]  }
0x2c: {  	s7 =	sld [smem:$0x3FAF]  }
0x2d: {  	s3 =	simm.s32 $0x108;
	s8 =	sld [smem:$0x3FB0]  }
0x2e: {  	s3 =	simm.s32 @!p0 $0x1082;
	s9 =	sld [smem:$0x3FB1]  }
0x2f: {  	lr =	sadd.s32 s0, s3;
	s0 =	sld [smem:$0x3FA8]  }
0x30: {  	s3 =	sld [smem:$0x3FAB]  }
0x31: {  	[smem:$0x3FB4] =	sst s10  }
0x32: {  	s10 =	sld [smem:$0x3FB2];
	_ =	sdelay $0x3  }
0x33: {  	p0 =	seq.s32 s10, $0x1;
	s10 =	sld [smem:$0x3FB4];
	_ =	sdelay $0x3  }
0x34: {  	[smem:$0x3FB4] =	sst s10  }
0x35: {  	s10 =	sld [smem:$0x3FB3];
	_ =	sdelay $0x3  }
0x36: {  	p1 =	seq.s32 s10, $0x1;
	s10 =	sld [smem:$0x3FB4];
	_ =	sdelay $0x3  }
0x37: {  	[smem:$0x3FB4] =	sst s10  }
0x38: {  	s10 =	sld [smem:$0x3FB5]  }
0x39: {  	_ = 	snop;
	(pc) =	sbr.ind lr, $3  }
0x3a: {  	_ = 	snop  }
0x3b: {  	_ = 	snop  }
0x3c: {  	p2 =	seq.s32 s10, $0x1;
	s10 =	sld [smem:$0x3FB4]  }
0x3d: {  	_ =	shalt  }
0x3e: {  	_ =	shalt  }
0x3f: {  	_ =	shalt  }
0x40: {  	_ =	shalt  }
0x41: {  	_ =	shalt  }
0x42: {  	_ =	shalt  }
0x43: {  	_ =	shalt  }
0x44: {  	_ =	shalt  }
0x45: {  	_ =	shalt  }
0x46: {  	_ =	shalt  }
0x47: {  	_ =	shalt  }
0x48: {  	_ =	shalt  }
0x49: {  	_ =	shalt  }
0x4a: {  	_ =	shalt  }
0x4b: {  	_ =	shalt  }
0x4c: {  	_ =	shalt  }
0x4d: {  	_ =	shalt  }
0x4e: {  	_ =	shalt  }
0x4f: {  	_ =	shalt  }
0x50: {  	_ =	shalt  }
0x51: {  	_ =	shalt  }
0x52: {  	_ =	shalt  }
0x53: {  	_ =	shalt  }
0x54: {  	_ =	shalt  }
0x55: {  	_ =	shalt  }
0x56: {  	_ =	shalt  }
0x57: {  	_ =	shalt  }
0x58: {  	_ =	shalt  }
0x59: {  	_ =	shalt  }
0x5a: {  	_ =	shalt  }
0x5b: {  	_ =	shalt  }
0x5c: {  	_ =	shalt  }
0x5d: {  	_ =	shalt  }
0x5e: {  	_ =	shalt  }
0x5f: {  	_ =	shalt  }
0x60: {  	_ =	shalt  }
0x61: {  	_ =	shalt  }
0x62: {  	_ =	shalt  }
0x63: {  	_ =	shalt  }
0x64: {  	_ =	shalt  }
0x65: {  	_ =	shalt  }
0x66: {  	_ =	shalt  }
0x67: {  	_ =	shalt  }
0x68: {  	_ =	shalt  }
0x69: {  	_ =	shalt  }
0x6a: {  	_ =	shalt  }
0x6b: {  	_ =	shalt  }
0x6c: {  	_ =	shalt  }
0x6d: {  	_ =	shalt  }
0x6e: {  	_ =	shalt  }
0x6f: {  	_ =	shalt  }
0x70: {  	_ =	shalt  }
0x71: {  	_ =	shalt  }
0x72: {  	_ =	shalt  }
0x73: {  	_ =	shalt  }
0x74: {  	_ =	shalt  }
0x75: {  	_ =	shalt  }
0x76: {  	_ =	shalt  }
0x77: {  	_ =	shalt  }
0x78: {  	_ =	shalt  }
0x79: {  	_ =	shalt  }
0x7a: {  	_ =	shalt  }
0x7b: {  	_ =	shalt  }
0x7c: {  	_ =	shalt  }
0x7d: {  	_ =	shalt  }
0x7e: {  	_ =	shalt  }
0x7f: {  	_ =	shalt  }
0x80: {  	_ =	shalt  }
0x81: {  	_ =	shalt  }
0x82: {  	_ =	shalt  }
0x83: {  	_ =	shalt  }
0x84: {  	_ =	shalt  }
0x85: {  	_ =	shalt  }
0x86: {  	_ =	shalt  }
0x87: {  	_ =	shalt  }
.Lfunc_end0:
.L_simem_size_0:
called_computation.2_lowered:
.L_overlay_start_0:
0x88: {  	s2 =	sld [smem:$0x3FD9]  }
0x89: {  	s3 =	sld [smem:$0x3FFE];
	_ =	sdelay $0x1  }
0x8a: {  	s1 =	srdreg.scid  }
0x8b: {  	s0 =	sand.u32 $0x1, s1  }
0x8c: {  	s16 =	sshll.u32 s0, $0xA;
	s2 =	sadd.s32 s3, s2  }
0x8d: {  	s2 =	sadd.s32 s2, s16  }
0x8e: {  	[smem:$0x3FC0] =	sst s2  }
0x8f: {  	_ = 	snop  }
0x90: {  	(tm) =	ssettm $0x1  }
0x91: {  	s17 =	sld [smem:$0x3FFB];
	_ =	sdelay $0x3  }
0x92: {  	_ =	strace s17  }
0x93: {  	s2 =	sld [smem:$0x3FFC];
	_ =	sdelay $0x3  }
0x94: {  	_ =	strace s2  }
0x95: {  	s2 =	sld [smem:$0x3FFD];
	_ =	sdelay $0x3  }
0x96: {  	_ =	strace s2  }
0x97: {  	_ =	strace $0x8FFFFFFF  }
0x98: {  	s18 =	sld [smem:$0x3FDB];
	_ =	sdelay $0x1  }
0x99: {  	s19 =	simm.s32 $_scs_section_size  }
0x9a: {  	s4 =	simm.s32 $_size__tile_overlayer_lowered;
	s5 =	simm.s32 $_tile_overlayer_lowered  }
0x9b: {  	s22 =	simm.s32 $0x1BFF;
	s21 =	sshll.u32 s5, $0x1;
	s2 =	sadd.s32 s19, s18  }
0x9c: {  	s6 =	simm.s32 $0x0;
	s20 =	sshll.u32 s4, $0x1;
	s4 =	sadd.s32 s21, s2  }
0x9d: {  	[timem:s6], [sflag:s22] =	dma.local [hbm:s4], s20  }
0x9e: {  	_ =	swait.ge [sflag:s22], s20  }
0x9f: {  	s3 =	ssub.s32 $0x0, s20;
	[sflag:s22] =	ssyncset.done $0x0  }
0xa0: {  	[sflag:s22] =	ssyncadd.s32 s3;
	_ =	sdelay $0x1  }
0xa1: {  	s23 =	simm.s32 $0x1B8B  }
0xa2: {  	_ =	swait.ge [sflag:s23], $0x1  }
0xa3: {  	[sflag:s23] =	ssyncset.done $0x0  }
0xa4: {  	s25 =	simm.s32 $0x1B8E;
	s24 =	sld [smem:$0x3FFE];
	[sflag:s23] =	ssyncadd.s32 $0xFFFFFFFF  }
0xa5: {  	s26 =	simm.s32 $execute0_lowered;
	[smem:$0x3FD2] =	sst s25  }
0xa6: {  	s4 =	sshll.u32 s26, $0x1;
	_ =	strace $0x8000004C;
	[dreg:$0x1] =	wrdreg $0xFFFFFFFF  }
0xa7: {  	s28 =	simm.s32 $_size_execute0_lowered;
	s2 =	sadd.s32 s2, s4;
	[dreg:$0x0] =	wrdreg $0x0  }
0xa8: {  	s4 =	sshll.u32 s28, $0x1;
	[dreg:$0x2] =	wrdreg s2  }
0xa9: {  	[dreg:$0x3] =	wrdreg s4  }
0xaa: {  	[dreg:$0x4] =	wrdreg $0xC0  }
0xab: {  	_ =	task [dreg:s6], $0x5FFFF  }
0xac: {  	[dreg:$0x1] =	wrdreg $0xFFFFFFFF  }
0xad: {  	[dreg:$0x0] =	wrdreg $0x60  }
0xae: {  	[dreg:$0x2] =	wrdreg s24  }
0xaf: {  	[dreg:$0x3] =	wrdreg $0x8F000  }
0xb0: {  	[dreg:$0x4] =	wrdreg $0x9  }
0xb1: {  	_ =	task.clear_ibuf [dreg:s6], $0x5FFFF;
	_ =	strace $0x9000004C  }
0xb2: {  	s29 =	simm.s32 $0x9;
	_ =	strace $0x8000004E  }
0xb3: {  	_ =	swait.ge [sflag:s29], $0x1  }
0xb4: {  	[sflag:s29] =	ssyncadd.s32 $0xFFFFFFFF  }
0xb5: {  	_ =	strace $0x9000004E  }
0xb6: {  	_ =	sfence  }
0xb7: {  	s30 =	sld [smem:$0x0];
	_ =	sdelay $0x2  }
0xb8: {  	s31 =	sshll.u32 s1, $0xD;
	s1 =	sshrl.u32 s1, $0x2  }
0xb9: {  	s3 =	sand.u32 $0x4000, s31;
	s1 =	sadd.s32 s1, s30  }
0xba: {  	s0 =	sor.u32 s3, s0;
	s1 =	sshll.u32 s1, $0x11  }
0xbb: {  	s0 =	sor.u32 s1, s0  }
0xbc: {  	s0 =	sadd.s32 $0x8F2B, s0  }
0xbd: {  	[sflag:s0] =	ssyncadd.remote.s32 $0x1  }
0xbe: {  	_ =	sfence.sel $0xFFFF  }
0xbf: {  	[dreg:$0x0] =	wrdreg $0xFFFFFFFF;
	(pc) =	sbr.abs _section_cstart, $3  }
0xc0: {  	[dreg:$0x1] =	wrdreg $0xFFFFFFFF  }
0xc1: {  	_ =	task.clear_ibuf [dreg:s6], $0x2FFFF;
	_ =	strace $0x9FFFFFFF  }
0xc2: {  	(tm) =	ssettm $0x7FFFFFFF  }
0xc3: {  	_ =	shalt  }
tec
execute0_lowered:
.L_overlay_start_1:
0x0: {  	(tag) =	ssettag $0x1  }
0x1: {  	s1 =	rddreg [dreg:$0x0]  }
0x2: {  	s2 =	rddreg [dreg:$0x1]  }
0x3: {  	s0 =	stileid.u32;
	s3 =	srdreg.scid  }
0x4: {  	s28 =	simm.s32 $0x2;
	s29 =	simm.s32 $0x4D80;
	s31 =	simm.s32 $0x4E00  }
0x5: {  	s4 =	smul.u32 $0x4E, s0;
	s7 =	sand.u32 $0x1, s3;
	s5 =	smin.u32 s0, $0x2  }
0x6: {  	s3 =	simm.s32 $0x0;
	s12 =	smul.u32 $0x14000, s0;
	s13 =	sadd.s32 $0x47000, s1  }
0x7: {  	s10 =	sadd.s32 $0x46200, s1;
	p0 =	sgt.u32 s0, $0x1;
	s22 =	smul.u32 $0x27100, s7  }
0x8: {  	[smem:$0x7FF] =	sst s3;
	s23 =	ssub.s32 $0x2, s7;
	s14 =	smul.u32 $0x138800, s7  }
0x9: {  	p4 =	seq.s32 s7, $0x1;
	s4 =	sadd.s32 s5, s4;
	_ =	strace $0x8000004D  }
0xa: {  	s8 =	sshrl.u32 s12, $0x4;
	s24 =	sshrl.u32 s23, $0x1;
	s25 =	sshrl.u32 s12, $0x1  }
0xb: {  	p2 =	seq.s32 @p4 s0, $0xF;
	p5 =	seq.s32 @!p4 s0, $0xF;
	s6 =	sshll.u32 s4, $0x7  }
0xc: {  	s4 =	sadd.s32 $0x33600, s1;
	s11 =	sadd.s32 s8, s1;
	s15 =	ssub.s32 s23, s24  }
0xd: {  	s7 =	sadd.s32 s25, s2;
	s16 =	sshrl.u32 s14, $0x4;
	s14 =	sadd.s32 s12, s14  }
0xe: {  	s12 =	sadd.s32 $0x32800, s1;
	p1 =	por !p2, !p4;
	p2 =	por p2, !p4  }
0xf: {  	p3 =	por !p5, p4;
	p4 =	por p5, p4;
	s23 =	simm.s32 $0x4F00  }
0x10: {  	s24 =	simm.s32 $0x6F00;
	s25 =	simm.s32 $0x1;
	p5 =	seq.s32 s0, $0xF  }
0x11: {  	s5 =	sadd.s32 s22, s6;
	s8 =	sadd.s32 s4, s8;
	s11 =	sadd.s32 $0x1FC00, s11  }
0x12: {  	s16 =	sadd.s32 s13, s16;
	s30 =	sshrl.u32 s14, $0x4;
	s15 =	smax.u32 s15, $0x1  }
0x13: {  	s18 =	sshrl.u32 @!p2 s7, $0x3;
	s21 =	sshrl.u32 @!p4 s7, $0x3;
	s22 =	simm.s32 $0x80  }
0x14: {  	s5 =	sshrl.u32 s5, $0x3;
	s26 =	sadd.s32 $0x12C00, s16;
	s14 =	sadd.s32 s13, s30  }
.Ltmp0:
0x15: {  	s13 =	simm.s32 $0x0;
	s9 =	sadd.s32 s5, s1;
	(pc) =	sbr.rel .LBB2_1-.Ltmp0, $4  }
0x16: {  	[dreg:$0x4] =	wrdreg s26;
	s1 =	sshll.u32 @!p2 s0, $0x6;
	s26 =	simm.s32 $0x3  }
0x17: {  	s5 =	sadd.s32 $0x1E00, s9;
	s6 =	sadd.s32 $0xBC00, s9;
	s9 =	sadd.s32 $0x96000, s2  }
0x18: {  	s17 =	sor.u32 @!p2 $0x1C03, s1;
	s1 =	sshll.u32 @!p4 s0, $0x6;
	s16 =	sshrl.u32 @!p1 s9, $0x3  }
0x19: {  	[dreg:$0x3] =	wrdreg s9;
	s19 =	sshrl.u32 @!p3 s9, $0x3;
	s20 =	sor.u32 @!p4 $0x1C03, s1  }
.LBB2_7:
0x1a: {  	s1 =	rddreg [dreg:$0x3]  }
0x1b: {  	s9 =	rddreg [dreg:$0x4];
	s30 =	simm.s32 $0x1FC3;
	s1 =	sshrl.u32 s1, $0x3  }
0x1c: {  	[hbm:s9], [sflag:s30] =	dma.local [spmem:s1], $0xC80  }
0x1d: {  	_ =	swait.ge [sflag:s26], $0xC80  }
0x1e: {  	[sflag:s26] =	ssyncset.done $0x0  }
0x1f: {  	[sflag:s26] =	ssyncadd.s32 $0xFFFFF380  }
.LBB2_8:
0x20: {  	s13 =	sadd.s32 $0x1, s13  }
0x21: {  	p6 =	sne.s32 s13, s15  }
.Ltmp1:
0x22: {  	_ = 	snop;
	(pc) =	sbr.rel @!p6 .LBB2_9-.Ltmp1, $1  }
0x23: {  	_ =	sdelay $0x3  }
.LBB2_1:
0x24: {  	s1 =	simm.s32 @p0 $0x0;
	s30 =	simm.s32 @p0 $0x3  }
0x25: {  	[tilespmem:s1], [sflag:$0x3] =	stream.linear.gather @p0 [hbm4b:s5+s1], $0x2700, $0x38;
	[tilespmem:$0x12F00] =	vst v63  }
0x26: {  	_ =	swait.ge @p0 [sflag:s30], $0x2700  }
0x27: {  	[sflag:s30] =	ssyncset.done @p0 $0x0  }
0x28: {  	s9 =	simm.s32 @p0 $0x2780;
	[sflag:s30] =	ssyncadd.s32 @p0 $0xFFFFD900  }
0x29: {  	[tilespmem:s9], [sflag:$0x3] =	stream.linear.gather @p0 [hbm4b:s6+s1], $0x2700, $0x38;
	[tilespmem:$0x12F00] =	vst v63  }
0x2a: {  	_ =	swait.ge @p0 [sflag:s30], $0x2700  }
0x2b: {  	[sflag:s30] =	ssyncset.done @p0 $0x0  }
0x2c: {  	s1 =	simm.s32 @!p0 $0x0;
	s9 =	simm.s32 @!p0 $0x3;
	[sflag:s30] =	ssyncadd.s32 @p0 $0xFFFFD900  }
0x2d: {  	[tilespmem:s1], [sflag:$0x3] =	stream.linear.gather @!p0 [hbm4b:s5+s1], $0x2780, $0x38;
	[tilespmem:$0x12F00] =	vst v63  }
0x2e: {  	_ =	swait.ge @!p0 [sflag:s9], $0x2780  }
0x2f: {  	[sflag:s9] =	ssyncset.done @!p0 $0x0  }
0x30: {  	s30 =	simm.s32 @!p0 $0x2780;
	[sflag:s9] =	ssyncadd.s32 @!p0 $0xFFFFD880  }
0x31: {  	[tilespmem:s30], [sflag:$0x3] =	stream.linear.gather @!p0 [hbm4b:s6+s1], $0x2780, $0x38;
	[tilespmem:$0x12F00] =	vst v63  }
0x32: {  	_ =	swait.ge @!p0 [sflag:s9], $0x2780  }
0x33: {  	[sflag:s9] =	ssyncset.done @!p0 $0x0  }
0x34: {  	s1 =	simm.s32 @!p1 $0x1FC3;
	[sflag:s9] =	ssyncadd.s32 @!p0 $0xFFFFD880  }
0x35: {  	[spmem:s16], [sflag:s1] =	dma.local @!p1 [hbm:s12], $0xC80  }
0x36: {  	s1 =	simm.s32 @!p1 $0x3  }
0x37: {  	_ =	swait.ge @!p1 [sflag:s1], $0xC80  }
0x38: {  	[sflag:s1] =	ssyncset.done @!p1 $0x0  }
0x39: {  	[sflag:s1] =	ssyncadd.s32 @!p1 $0xFFFFF380;
	s1 =	simm.s32 @!p2 $0x3  }
0x3a: {  	[spmem:s18], [sflag:s17] =	dma.local @!p2 [hbm:s11], $0x1400  }
0x3b: {  	_ =	swait.ge @!p2 [sflag:s1], $0x1400  }
0x3c: {  	[sflag:s1] =	ssyncset.done @!p2 $0x0  }
0x3d: {  	[sflag:s1] =	ssyncadd.s32 @!p2 $0xFFFFEC00;
	s1 =	simm.s32 @!p3 $0x1FC3  }
0x3e: {  	[spmem:s19], [sflag:s1] =	dma.local @!p3 [hbm:s10], $0xC80  }
0x3f: {  	s1 =	simm.s32 @!p3 $0x3  }
0x40: {  	_ =	swait.ge @!p3 [sflag:s1], $0xC80  }
0x41: {  	[sflag:s1] =	ssyncset.done @!p3 $0x0  }
0x42: {  	[sflag:s1] =	ssyncadd.s32 @!p3 $0xFFFFF380;
	s1 =	simm.s32 @!p4 $0x3  }
0x43: {  	[spmem:s21], [sflag:s20] =	dma.local @!p4 [hbm:s8], $0x1400  }
0x44: {  	_ =	swait.ge @!p4 [sflag:s1], $0x1400  }
0x45: {  	[sflag:s1] =	ssyncset.done @!p4 $0x0  }
0x46: {  	[sflag:s1] =	ssyncadd.s32 @!p4 $0xFFFFEC00  }
0x47: {  	[bflag:$0x0] =	sbarrier.arrive $0xFFFF  }
0x48: {  	[tilespmem:s23], [sflag:$0x1] =	stream.indirect.gather [hbm4b:s4+s22], $0x40, s3, s22, $0xb8;
	[tilespmem:$0x12F00] =	vst v63  }
0x49: {  	_ = 	snop  }
0x4a: {  	[tilespmem:s24], [sflag:$0x2] =	stream.indirect.gather [hbm4b:s4+s22], $0x40, s22, s22, $0xb8;
	[tilespmem:$0x12F00] =	vst v63  }
0x4b: {  	_ =	swait.ge [sflag:s25], $0x2000  }
0x4c: {  	[sflag:s25] =	ssyncset.done $0x0  }
0x4d: {  	s9 =	simm.s32 $0x2780;
	[sflag:s25] =	ssyncadd.s32 $0xFFFFE000  }
0x4e: {  	[spmem:s2] =	stream.indirect.scatter.add.bf16 [tilespmem:s23], [sflag:$0x3], $0x40, s9, s22, $0xb8;
	[tilespmem:$0x12F00] =	vst v63  }
0x4f: {  	_ =	swait.ge [sflag:s26], $0x2000  }
0x50: {  	[sflag:s26] =	ssyncset.done $0x0  }
0x51: {  	s9 =	simm.s32 $0x100;
	[sflag:s26] =	ssyncadd.s32 $0xFFFFE000  }
0x52: {  	[tilespmem:s23], [sflag:$0x1] =	stream.indirect.gather [hbm4b:s4+s22], $0x40, s9, s22, $0xb8;
	[tilespmem:$0x12F00] =	vst v63  }
0x53: {  	_ =	swait.ge [sflag:s28], $0x2000  }
0x54: {  	[sflag:s28] =	ssyncset.done $0x0  }
0x55: {  	s9 =	simm.s32 $0x2800;
	[sflag:s28] =	ssyncadd.s32 $0xFFFFE000  }
0x56: {  	[spmem:s2] =	stream.indirect.scatter.add.bf16 [tilespmem:s24], [sflag:$0x3], $0x40, s9, s22, $0xb8;
	[tilespmem:$0x12F00] =	vst v63  }
0x57: {  	_ =	swait.ge [sflag:s26], $0x2000  }
0x58: {  	[sflag:s26] =	ssyncset.done $0x0  }
0x59: {  	s30 =	simm.s32 $0x400;
	s1 =	simm.s32 $0x180;
	[sflag:s26] =	ssyncadd.s32 $0xFFFFE000  }
.LBB2_2:
0x5a: {  	[tilespmem:s24], [sflag:$0x2] =	stream.indirect.gather [hbm4b:s4+s22], $0x40, s1, s22, $0xb8;
	[tilespmem:$0x12F00] =	vst v63  }
0x5b: {  	s1 =	smov.u32 s30  }
0x5c: {  	p6 =	sne.s32 s30, $0x9400;
	s30 =	sadd.s32 $0x400, s30;
	_ =	swait.ge [sflag:s25], $0x2000  }
0x5d: {  	s1 =	sshra.s32 s1, $0x2;
	[sflag:s25] =	ssyncset.done $0x0  }
0x5e: {  	s9 =	sadd.s32 $0x2780, s1;
	[sflag:s25] =	ssyncadd.s32 $0xFFFFE000  }
0x5f: {  	[spmem:s2] =	stream.indirect.scatter.add.bf16 [tilespmem:s23], [sflag:$0x3], $0x40, s9, s22, $0xb8;
	[tilespmem:$0x12F00] =	vst v63  }
0x60: {  	_ =	swait.ge [sflag:s26], $0x2000  }
0x61: {  	[sflag:s26] =	ssyncset.done $0x0  }
0x62: {  	s9 =	sadd.s32 $0x100, s1;
	[sflag:s26] =	ssyncadd.s32 $0xFFFFE000  }
0x63: {  	[tilespmem:s23], [sflag:$0x1] =	stream.indirect.gather [hbm4b:s4+s22], $0x40, s9, s22, $0xb8;
	[tilespmem:$0x12F00] =	vst v63  }
0x64: {  	_ =	swait.ge [sflag:s28], $0x2000  }
0x65: {  	[sflag:s28] =	ssyncset.done $0x0  }
.Ltmp2:
0x66: {  	s9 =	sadd.s32 $0x2800, s1;
	[sflag:s28] =	ssyncadd.s32 $0xFFFFE000;
	(pc) =	sbr.rel @p6 .LBB2_2-.Ltmp2, $4  }
0x67: {  	[spmem:s2] =	stream.indirect.scatter.add.bf16 [tilespmem:s24], [sflag:$0x3], $0x40, s9, s22, $0xb8;
	[tilespmem:$0x12F00] =	vst v63  }
0x68: {  	_ =	swait.ge [sflag:s26], $0x2000  }
0x69: {  	[sflag:s26] =	ssyncset.done $0x0  }
0x6a: {  	s1 =	sadd.s32 $0x180, s1;
	[sflag:s26] =	ssyncadd.s32 $0xFFFFE000  }
0x6b: {  	[tilespmem:s24], [sflag:$0x2] =	stream.indirect.gather [hbm4b:s4+s22], $0x40, s1, s22, $0xb8;
	[tilespmem:$0x12F00] =	vst v63  }
0x6c: {  	_ =	swait.ge [sflag:s25], $0x2000  }
0x6d: {  	[sflag:s25] =	ssyncset.done $0x0  }
.Ltmp3:
0x6e: {  	[sflag:s25] =	ssyncadd.s32 $0xFFFFE000;
	(pc) =	sbr.rel @p0 .LBB2_5-.Ltmp3, $4  }
0x6f: {  	[spmem:s2] =	stream.indirect.scatter.add.bf16 [tilespmem:s23], [sflag:$0x3], $0x40, s29, s22, $0xb8;
	[tilespmem:$0x12F00] =	vst v63  }
0x70: {  	_ =	swait.ge [sflag:s26], $0x2000  }
0x71: {  	[sflag:s26] =	ssyncset.done $0x0  }
0x72: {  	[sflag:s26] =	ssyncadd.s32 $0xFFFFE000  }
0x73: {  	s1 =	simm.s32 $0x2700  }
0x74: {  	[tilespmem:s23], [sflag:$0x1] =	stream.indirect.gather [hbm4b:s4+s22], $0x40, s1, s22, $0xb8;
	[tilespmem:$0x12F00] =	vst v63  }
0x75: {  	_ =	swait.ge [sflag:s28], $0x2000  }
0x76: {  	[sflag:s28] =	ssyncset.done $0x0  }
0x77: {  	[sflag:s28] =	ssyncadd.s32 $0xFFFFE000  }
0x78: {  	[spmem:s2] =	stream.indirect.scatter.add.bf16 [tilespmem:s24], [sflag:$0x3], $0x40, s31, s22, $0xb8;
	[tilespmem:$0x12F00] =	vst v63  }
0x79: {  	_ =	swait.ge [sflag:s26], $0x2000  }
0x7a: {  	[sflag:s26] =	ssyncset.done $0x0  }
0x7b: {  	[sflag:s26] =	ssyncadd.s32 $0xFFFFE000  }
0x7c: {  	_ =	swait.ge [sflag:s25], $0x2000  }
0x7d: {  	[sflag:s25] =	ssyncset.done $0x0  }
0x7e: {  	s30 =	simm.s32 $0x4E80;
	[sflag:s25] =	ssyncadd.s32 $0xFFFFE000  }
0x7f: {  	[spmem:s2] =	stream.indirect.scatter.add.bf16 [tilespmem:s23], [sflag:$0x3], $0x40, s30, s22, $0xb8;
	[tilespmem:$0x12F00] =	vst v63  }
.Ltmp4:
0x80: {  	_ =	swait.ge [sflag:s26], $0x2000;
	(pc) =	sbr.rel .LBB2_6-.Ltmp4, $3  }
0x81: {  	[sflag:s26] =	ssyncset.done $0x0  }
0x82: {  	[sflag:s26] =	ssyncadd.s32 $0xFFFFE000  }
0x83: {  	[bflag:$0x0] =	sbarrier.arrive $0xFFFF;
	_ =	sdelay $0x1  }
.LBB2_5:
0x84: {  	_ =	swait.ge [sflag:s28], $0x2000  }
0x85: {  	[sflag:s28] =	ssyncset.done $0x0  }
0x86: {  	[sflag:s28] =	ssyncadd.s32 $0xFFFFE000  }
0x87: {  	[spmem:s2] =	stream.indirect.scatter.add.bf16 [tilespmem:s24], [sflag:$0x3], $0x40, s31, s22, $0xb8;
	[tilespmem:$0x12F00] =	vst v63  }
.Ltmp5:
0x88: {  	_ =	swait.ge [sflag:s26], $0x2000;
	(pc) =	sbr.rel @p5 .LBB2_7-.Ltmp5, $3  }
0x89: {  	[sflag:s26] =	ssyncset.done $0x0  }
0x8a: {  	[sflag:s26] =	ssyncadd.s32 $0xFFFFE000  }
0x8b: {  	[bflag:$0x0] =	sbarrier.arrive $0xFFFF;
	_ =	sdelay $0x1  }
.LBB2_6:
0x8c: {  	s1 =	sshll.u32 s0, $0x6  }
.Ltmp6:
0x8d: {  	s9 =	sshrl.u32 s7, $0x3;
	s1 =	sor.u32 $0x1C03, s1;
	(pc) =	sbr.rel .LBB2_8-.Ltmp6, $4  }
0x8e: {  	[hbm:s14], [sflag:s1] =	dma.local [spmem:s9], $0x1400  }
0x8f: {  	_ =	swait.ge [sflag:s26], $0x1400  }
0x90: {  	[sflag:s26] =	ssyncset.done $0x0  }
0x91: {  	[sflag:s26] =	ssyncadd.s32 $0xFFFFEC00  }
.LBB2_9:
0x92: {  	_ =	sfence.sel $0x180000  }
0x93: {  	[bflag:$0x0] =	sbarrier.arrive $0xFFFF  }
0x94: {  	_ =	strace $0x9000004D  }
0x95: {  	[bflag:$0x2] =	sbarrier.arrive $0xFFFF  }
0x96: {  	p0 =	sne.s32 s0, $0x0;
	s0 =	rddreg [dreg:$0x2]  }
0x97: {  	s0 =	sadd.s32 @!p0 $0x100000, s0  }
0x98: {  	[sflag:s0] =	ssyncadd.tile.s32 @!p0 $0x1;
	_ =	shalt  }
.Lfunc_end2:
_tile_overlayer_lowered:
.L_overlay_start_2:
0x99: {  	(tag) =	ssettag $0x2  }
0x9a: {  	s0 =	rddreg [dreg:$0x0];
	s2 =	stileid.u32  }
0x9b: {  	s1 =	rddreg [dreg:$0x1];
	p0 =	sne.s32 s2, $0x0  }
0x9c: {  	s3 =	rddreg [dreg:$0x2];
	[bflag:$0x3] =	sbarrier.arrive $0xFFFF;
	s2 =	simm.s32 @!p0 $0x1C03  }
0x9d: {  	[timem:s3], [sflag:s2] =	dma.local @!p0 [hbm:s0], s1  }
0x9e: {  	s0 =	simm.s32 @!p0 $0x3  }
0x9f: {  	_ =	swait.ge @!p0 [sflag:s0], s1  }
0xa0: {  	s1 =	ssub.s32 @!p0 $0x0, s1;
	[sflag:s0] =	ssyncset.done @!p0 $0x0  }
0xa1: {  	[sflag:s0] =	ssyncadd.s32 @!p0 s1  }
0xa2: {  	[bflag:$0x3] =	sbarrier.arrive $0xFFFF  }
0xa3: {  	_ =	shalt  }

// kernel: kernel.20.cloned.1.call-start
scs
__scs_entry_jumppad:
0x0: {  	(pc) =	sbr.rel $0x88, $3  }
0x1: {  	(tag) =	ssettag $0x0;
	lr =	simm.s32 $0x1  }
0x2: {  	[smem:$0x3F99] =	sst lr;
	_ =	strace $0xD0000000  }
0x3: {  	_ = 	snop  }
0x4: {  	_ = 	snop  }
0x5: {  	_ = 	snop  }
0x6: {  	_ = 	snop  }
0x7: {  	_ = 	snop  }
__scs_overlays_trampoline_lowered:
0x8: {  	[smem:$0x3FA8] =	sst s0  }
0x9: {  	[smem:$0x3FA9] =	sst s1  }
0xa: {  	[smem:$0x3FAA] =	sst s2  }
0xb: {  	[smem:$0x3FAB] =	sst s3  }
0xc: {  	[smem:$0x3FAC] =	sst s4  }
0xd: {  	[smem:$0x3FAD] =	sst s5  }
0xe: {  	[smem:$0x3FAE] =	sst s6  }
0xf: {  	[smem:$0x3FAF] =	sst s7  }
0x10: {  	[smem:$0x3FB0] =	sst s8  }
0x11: {  	[smem:$0x3FB1] =	sst s9;
	s0 =	simm.s32 @!p0 $0x0  }
0x12: {  	s1 =	sld [smem:$0x3F97];
	s0 =	simm.s32 @p0 $0x1  }
0x13: {  	[smem:$0x3FB2] =	sst s0;
	s0 =	simm.s32 @!p1 $0x0  }
0x14: {  	s2 =	sld [smem:$0x3F96];
	s0 =	simm.s32 @p1 $0x1  }
0x15: {  	[smem:$0x3FB3] =	sst s0;
	s0 =	simm.s32 @!p2 $0x0  }
0x16: {  	s3 =	sld [smem:$0x3FDB];
	s0 =	simm.s32 @p2 $0x1  }
0x17: {  	s4 =	simm.s32 $0x1BF5;
	[smem:$0x3FB5] =	sst s0  }
0x18: {  	s0 =	sld [smem:$0x3F98];
	_ =	swait.ge [sflag:s4], $0x0  }
0x19: {  	s7 =	sld [smem:$0x3F99]  }
0x1a: {  	s8 =	sadd.s32 $0xFFFFE003, lr  }
0x1b: {  	s9 =	sadd.s32 $0xFFFFFEF7, lr;
	s5 =	simm.s32 $0xFFFFFFFF;
	p2 =	slt.u32 s8, $0xFFFFF086  }
0x1c: {  	p1 =	slt.u32 s9, $0xF7A;
	s5 =	simm.s32 @!p2 $0x0  }
0x1d: {  	s5 =	simm.s32 @p1 $0x1;
	p0 =	seq.s32 s7, s2  }
0x1e: {  	s7 =	smul.u32 @!p0 $0xF7A, s2;
	p2 =	seq.s32 @!p0 s5, $0x0  }
0x1f: {  	s9 =	smul.u32 $0xF7A, s1;
	s8 =	simm.s32 @!p0 $0x1BF5;
	p2 =	por !p2, p0  }
0x20: {  	[sflag:s8] =	ssyncset.s32 @!p0 $0xFFFFF086;
	s6 =	sadd.s32 @!p0 s3, s7;
	s7 =	simm.s32 @!p0 $0x108  }
0x21: {  	s3 =	sadd.s32 s3, s9;
	s6 =	sadd.s32 @!p0 $0x88, s6;
	s7 =	simm.s32 @p2 $0x1082  }
0x22: {  	[simem:s7], [sflag:s8] =	dma.local @!p0 [hbm:s6], $0xF7A  }
0x23: {  	s9 =	sor.u32 $0xD0000000, s2;
	s6 =	simm.s32 $0x108;
	_ =	swait.ge @!p0 [sflag:s8], $0x0  }
0x24: {  	s3 =	sadd.s32 $0x88, s3;
	s6 =	simm.s32 @!p1 $0x1082;
	[sflag:s4] =	ssyncset.s32 $0xFFFFF086  }
0x25: {  	[simem:s6], [sflag:s4] =	dma.local [hbm:s3], $0xF7A  }
0x26: {  	[smem:$0x3F99] =	sst s1;
	(tag) =	ssettag s2;
	_ =	strace s9  }
0x27: {  	s1 =	sld [smem:$0x3FA9]  }
0x28: {  	s2 =	sld [smem:$0x3FAA]  }
0x29: {  	s4 =	sld [smem:$0x3FAC]  }
0x2a: {  	p0 =	seq.s32 s5, $0x0;
	s5 =	sld [smem:$0x3FAD]  }
0x2b: {  	s6 =	sld [smem:$0x3FAE]  }
0x2c: {  	s7 =	sld [smem:$0x3FAF]  }
0x2d: {  	s3 =	simm.s32 $0x108;
	s8 =	sld [smem:$0x3FB0]  }
0x2e: {  	s3 =	simm.s32 @!p0 $0x1082;
	s9 =	sld [smem:$0x3FB1]  }
0x2f: {  	lr =	sadd.s32 s0, s3;
	s0 =	sld [smem:$0x3FA8]  }
0x30: {  	s3 =	sld [smem:$0x3FAB]  }
0x31: {  	[smem:$0x3FB4] =	sst s10  }
0x32: {  	s10 =	sld [smem:$0x3FB2];
	_ =	sdelay $0x3  }
0x33: {  	p0 =	seq.s32 s10, $0x1;
	s10 =	sld [smem:$0x3FB4];
	_ =	sdelay $0x3  }
0x34: {  	[smem:$0x3FB4] =	sst s10  }
0x35: {  	s10 =	sld [smem:$0x3FB3];
	_ =	sdelay $0x3  }
0x36: {  	p1 =	seq.s32 s10, $0x1;
	s10 =	sld [smem:$0x3FB4];
	_ =	sdelay $0x3  }
0x37: {  	[smem:$0x3FB4] =	sst s10  }
0x38: {  	s10 =	sld [smem:$0x3FB5]  }
0x39: {  	_ = 	snop;
	(pc) =	sbr.ind lr, $3  }
0x3a: {  	_ = 	snop  }
0x3b: {  	_ = 	snop  }
0x3c: {  	p2 =	seq.s32 s10, $0x1;
	s10 =	sld [smem:$0x3FB4]  }
0x3d: {  	_ =	shalt  }
0x3e: {  	_ =	shalt  }
0x3f: {  	_ =	shalt  }
0x40: {  	_ =	shalt  }
0x41: {  	_ =	shalt  }
0x42: {  	_ =	shalt  }
0x43: {  	_ =	shalt  }
0x44: {  	_ =	shalt  }
0x45: {  	_ =	shalt  }
0x46: {  	_ =	shalt  }
0x47: {  	_ =	shalt  }
0x48: {  	_ =	shalt  }
0x49: {  	_ =	shalt  }
0x4a: {  	_ =	shalt  }
0x4b: {  	_ =	shalt  }
0x4c: {  	_ =	shalt  }
0x4d: {  	_ =	shalt  }
0x4e: {  	_ =	shalt  }
0x4f: {  	_ =	shalt  }
0x50: {  	_ =	shalt  }
0x51: {  	_ =	shalt  }
0x52: {  	_ =	shalt  }
0x53: {  	_ =	shalt  }
0x54: {  	_ =	shalt  }
0x55: {  	_ =	shalt  }
0x56: {  	_ =	shalt  }
0x57: {  	_ =	shalt  }
0x58: {  	_ =	shalt  }
0x59: {  	_ =	shalt  }
0x5a: {  	_ =	shalt  }
0x5b: {  	_ =	shalt  }
0x5c: {  	_ =	shalt  }
0x5d: {  	_ =	shalt  }
0x5e: {  	_ =	shalt  }
0x5f: {  	_ =	shalt  }
0x60: {  	_ =	shalt  }
0x61: {  	_ =	shalt  }
0x62: {  	_ =	shalt  }
0x63: {  	_ =	shalt  }
0x64: {  	_ =	shalt  }
0x65: {  	_ =	shalt  }
0x66: {  	_ =	shalt  }
0x67: {  	_ =	shalt  }
0x68: {  	_ =	shalt  }
0x69: {  	_ =	shalt  }
0x6a: {  	_ =	shalt  }
0x6b: {  	_ =	shalt  }
0x6c: {  	_ =	shalt  }
0x6d: {  	_ =	shalt  }
0x6e: {  	_ =	shalt  }
0x6f: {  	_ =	shalt  }
0x70: {  	_ =	shalt  }
0x71: {  	_ =	shalt  }
0x72: {  	_ =	shalt  }
0x73: {  	_ =	shalt  }
0x74: {  	_ =	shalt  }
0x75: {  	_ =	shalt  }
0x76: {  	_ =	shalt  }
0x77: {  	_ =	shalt  }
0x78: {  	_ =	shalt  }
0x79: {  	_ =	shalt  }
0x7a: {  	_ =	shalt  }
0x7b: {  	_ =	shalt  }
0x7c: {  	_ =	shalt  }
0x7d: {  	_ =	shalt  }
0x7e: {  	_ =	shalt  }
0x7f: {  	_ =	shalt  }
0x80: {  	_ =	shalt  }
0x81: {  	_ =	shalt  }
0x82: {  	_ =	shalt  }
0x83: {  	_ =	shalt  }
0x84: {  	_ =	shalt  }
0x85: {  	_ =	shalt  }
0x86: {  	_ =	shalt  }
0x87: {  	_ =	shalt  }
.Lfunc_end0:
.L_simem_size_0:
called_computation.3_lowered:
.L_overlay_start_0:
0x88: {  	s2 =	sld [smem:$0x3FD9]  }
0x89: {  	s3 =	sld [smem:$0x3FFE];
	_ =	sdelay $0x1  }
0x8a: {  	s1 =	srdreg.scid  }
0x8b: {  	s0 =	sand.u32 $0x1, s1  }
0x8c: {  	s17 =	sshll.u32 s0, $0xA;
	s2 =	sadd.s32 s3, s2  }
0x8d: {  	s2 =	sadd.s32 s2, s17  }
0x8e: {  	[smem:$0x3FC0] =	sst s2  }
0x8f: {  	_ = 	snop  }
0x90: {  	s2 =	sld [smem:$0x3FD0];
	(tm) =	ssettm $0x1  }
0x91: {  	s18 =	sld [smem:$0x3FFB];
	_ =	sdelay $0x3  }
0x92: {  	_ =	strace s18  }
0x93: {  	s3 =	sld [smem:$0x3FFC];
	_ =	sdelay $0x3  }
0x94: {  	_ =	strace s3  }
0x95: {  	s3 =	sld [smem:$0x3FFD];
	_ =	sdelay $0x3  }
0x96: {  	_ =	strace s3  }
0x97: {  	_ =	strace $0x8FFFFFFF  }
0x98: {  	s19 =	sld [smem:$0x3FDB];
	_ =	sdelay $0x1  }
0x99: {  	s4 =	simm.s32 $_scs_section_size  }
0x9a: {  	s5 =	simm.s32 $_size__tile_overlayer_lowered;
	s6 =	simm.s32 $_tile_overlayer_lowered  }
0x9b: {  	s22 =	simm.s32 $0x1BFF;
	s21 =	sshll.u32 s6, $0x1;
	s3 =	sadd.s32 s4, s19  }
0x9c: {  	s7 =	simm.s32 $0x0;
	s20 =	sshll.u32 s5, $0x1;
	s5 =	sadd.s32 s21, s3  }
0x9d: {  	[timem:s7], [sflag:s22] =	dma.local [hbm:s5], s20  }
0x9e: {  	_ =	swait.ge [sflag:s22], s20  }
0x9f: {  	s4 =	ssub.s32 $0x0, s20;
	[sflag:s22] =	ssyncset.done $0x0  }
0xa0: {  	[sflag:s22] =	ssyncadd.s32 s4;
	_ =	sdelay $0x1  }
0xa1: {  	s23 =	simm.s32 $0x1B8B  }
0xa2: {  	_ =	swait.ge [sflag:s23], $0x1  }
0xa3: {  	[sflag:s23] =	ssyncset.done $0x0  }
0xa4: {  	s25 =	simm.s32 $0x1B8E;
	s24 =	sld [smem:$0x3FFE];
	[sflag:s23] =	ssyncadd.s32 $0xFFFFFFFF  }
0xa5: {  	s26 =	simm.s32 $execute0_lowered;
	[smem:$0x3FD2] =	sst s25  }
0xa6: {  	s5 =	sshll.u32 s26, $0x1;
	_ =	strace $0x8000004F;
	[dreg:$0x1] =	wrdreg $0xFFFFFFFF  }
0xa7: {  	s28 =	simm.s32 $_size_execute0_lowered;
	s3 =	sadd.s32 s3, s5;
	[dreg:$0x0] =	wrdreg $0x0  }
0xa8: {  	s5 =	sshll.u32 s28, $0x1;
	[dreg:$0x2] =	wrdreg s3  }
0xa9: {  	[dreg:$0x3] =	wrdreg s5  }
0xaa: {  	[dreg:$0x4] =	wrdreg $0xC0  }
0xab: {  	_ =	task [dreg:s7], $0x5FFFF  }
0xac: {  	[dreg:$0x1] =	wrdreg $0xFFFFFFFF  }
0xad: {  	[dreg:$0x0] =	wrdreg $0x60  }
0xae: {  	[dreg:$0x2] =	wrdreg s2  }
0xaf: {  	[dreg:$0x3] =	wrdreg s24  }
0xb0: {  	[dreg:$0x4] =	wrdreg $0x5F000  }
0xb1: {  	[dreg:$0x5] =	wrdreg $0x9  }
0xb2: {  	_ =	task.clear_ibuf [dreg:s7], $0x6FFFF;
	_ =	strace $0x9000004F  }
0xb3: {  	s29 =	simm.s32 $0x9;
	_ =	strace $0x80000051  }
0xb4: {  	_ =	swait.ge [sflag:s29], $0x1  }
0xb5: {  	[sflag:s29] =	ssyncadd.s32 $0xFFFFFFFF  }
0xb6: {  	_ =	strace $0x90000051  }
0xb7: {  	_ =	sfence  }
0xb8: {  	s30 =	sld [smem:$0x0];
	_ =	sdelay $0x2  }
0xb9: {  	s31 =	sshll.u32 s1, $0xD;
	s1 =	sshrl.u32 s1, $0x2  }
0xba: {  	s3 =	sand.u32 $0x4000, s31;
	s1 =	sadd.s32 s1, s30  }
0xbb: {  	s0 =	sor.u32 s3, s0;
	s1 =	sshll.u32 s1, $0x11  }
0xbc: {  	s0 =	sor.u32 s1, s0  }
0xbd: {  	s0 =	sadd.s32 $0x8F2B, s0  }
0xbe: {  	[sflag:s0] =	ssyncadd.remote.s32 $0x1  }
0xbf: {  	_ =	sfence.sel $0xFFFF  }
0xc0: {  	[dreg:$0x0] =	wrdreg $0xFFFFFFFF;
	(pc) =	sbr.abs _section_cstart, $3  }
0xc1: {  	[dreg:$0x1] =	wrdreg $0xFFFFFFFF  }
0xc2: {  	_ =	task.clear_ibuf [dreg:s7], $0x2FFFF;
	_ =	strace $0x9FFFFFFF  }
0xc3: {  	(tm) =	ssettm $0x7FFFFFFF  }
tec
execute0_lowered:
.L_overlay_start_1:
0x0: {  	(tag) =	ssettag $0x1  }
0x1: {  	s1 =	rddreg [dreg:$0x0]  }
0x2: {  	s0 =	stileid.u32;
	s12 =	rddreg [dreg:$0x1]  }
0x3: {  	s2 =	srdreg.scid;
	s3 =	rddreg [dreg:$0x2]  }
0x4: {  	s22 =	simm.s32 $0x80;
	s23 =	simm.s32 $0x4F00;
	s24 =	simm.s32 $0x5700  }
0x5: {  	s28 =	simm.s32 $0x2;
	s29 =	simm.s32 $0x4D80;
	s31 =	simm.s32 $0x4E00  }
0x6: {  	s4 =	smul.u32 $0x4E, s0;
	s2 =	sand.u32 $0x1, s2;
	s5 =	smin.u32 s0, $0x2  }
0x7: {  	s14 =	smul.u32 $0x2800, s0;
	s15 =	sadd.s32 $0x1AA00, s12;
	s9 =	sadd.s32 $0x25800, s3  }
0x8: {  	s10 =	sadd.s32 $0x4B00, s1;
	p0 =	sgt.u32 s0, $0x1;
	s13 =	smul.u32 $0x27100, s2  }
0x9: {  	s25 =	ssub.s32 $0x2, s2;
	p4 =	seq.s32 s2, $0x1;
	s5 =	sadd.s32 s5, s4  }
0xa: {  	s4 =	simm.s32 $0x0;
	s8 =	sshrl.u32 s14, $0x3;
	s7 =	sshrl.u32 s25, $0x1  }
0xb: {  	p2 =	seq.s32 @p4 s0, $0xF;
	p5 =	seq.s32 @!p4 s0, $0xF;
	s5 =	sshll.u32 s5, $0x7  }
0xc: {  	[smem:$0x7FF] =	sst s4;
	s11 =	sadd.s32 s8, s12;
	s16 =	ssub.s32 s25, s7  }
0xd: {  	s7 =	sadd.s32 s14, s3;
	s8 =	sadd.s32 s1, s8;
	s26 =	sshrl.u32 s13, $0x3  }
0xe: {  	p1 =	por !p2, !p4;
	p2 =	por p2, !p4;
	p3 =	por !p5, p4  }
0xf: {  	p4 =	por p5, p4;
	s25 =	simm.s32 $0x1;
	p5 =	seq.s32 s0, $0xF  }
0x10: {  	s5 =	sadd.s32 s13, s5;
	_ =	strace $0x80000050;
	s11 =	sadd.s32 $0x15A00, s11  }
0x11: {  	s2 =	sadd.s32 s15, s26;
	s13 =	sadd.s32 s14, s13;
	s18 =	sshrl.u32 @!p2 s7, $0x3  }
0x12: {  	[dreg:$0x4] =	wrdreg s9;
	s19 =	sshrl.u32 @!p3 s9, $0x3;
	s21 =	sshrl.u32 @!p4 s7, $0x3  }
0x13: {  	s26 =	simm.s32 $0x3;
	s5 =	sshrl.u32 s5, $0x3;
	s2 =	sadd.s32 $0x4B00, s2  }
.Ltmp0:
0x14: {  	s30 =	sshrl.u32 s13, $0x3;
	s13 =	simm.s32 $0x0;
	(pc) =	sbr.rel .LBB2_1-.Ltmp0, $4  }
0x15: {  	s6 =	sadd.s32 s5, s12;
	s12 =	sadd.s32 $0x1A500, s12;
	[dreg:$0x5] =	wrdreg s2  }
0x16: {  	s14 =	sadd.s32 s15, s30;
	s15 =	smax.u32 s16, $0x1;
	s2 =	sshll.u32 @!p2 s0, $0x6  }
0x17: {  	s16 =	sshrl.u32 @!p1 s9, $0x3;
	s17 =	sor.u32 @!p2 $0x1C03, s2;
	s2 =	sshll.u32 @!p4 s0, $0x6  }
0x18: {  	s5 =	sadd.s32 $0x1E00, s6;
	s6 =	sadd.s32 $0xBC00, s6;
	s20 =	sor.u32 @!p4 $0x1C03, s2  }
.LBB2_7:
0x19: {  	s2 =	rddreg [dreg:$0x4]  }
0x1a: {  	s9 =	rddreg [dreg:$0x5];
	s30 =	simm.s32 $0x1FC3;
	s2 =	sshrl.u32 s2, $0x3  }
0x1b: {  	[hbm:s9], [sflag:s30] =	dma.local [spmem:s2], $0x320  }
0x1c: {  	_ =	swait.ge [sflag:s26], $0x320  }
0x1d: {  	[sflag:s26] =	ssyncset.done $0x0  }
0x1e: {  	[sflag:s26] =	ssyncadd.s32 $0xFFFFFCE0  }
.LBB2_8:
0x1f: {  	s13 =	sadd.s32 $0x1, s13  }
0x20: {  	p6 =	sne.s32 s13, s15  }
.Ltmp1:
0x21: {  	_ = 	snop;
	(pc) =	sbr.rel @!p6 .LBB2_9-.Ltmp1, $1  }
0x22: {  	_ =	sdelay $0x3  }
.LBB2_1:
0x23: {  	s2 =	simm.s32 @p0 $0x0;
	s30 =	simm.s32 @p0 $0x3  }
0x24: {  	[tilespmem:s2], [sflag:$0x3] =	stream.linear.gather @p0 [hbm4b:s5+s2], $0x2700, $0x38;
	[tilespmem:$0x8700] =	vst v63  }
0x25: {  	_ =	swait.ge @p0 [sflag:s30], $0x2700  }
0x26: {  	[sflag:s30] =	ssyncset.done @p0 $0x0  }
0x27: {  	s9 =	simm.s32 @p0 $0x2780;
	[sflag:s30] =	ssyncadd.s32 @p0 $0xFFFFD900  }
0x28: {  	[tilespmem:s9], [sflag:$0x3] =	stream.linear.gather @p0 [hbm4b:s6+s2], $0x2700, $0x38;
	[tilespmem:$0x8700] =	vst v63  }
0x29: {  	_ =	swait.ge @p0 [sflag:s30], $0x2700  }
0x2a: {  	[sflag:s30] =	ssyncset.done @p0 $0x0  }
0x2b: {  	s2 =	simm.s32 @!p0 $0x0;
	s9 =	simm.s32 @!p0 $0x3;
	[sflag:s30] =	ssyncadd.s32 @p0 $0xFFFFD900  }
0x2c: {  	[tilespmem:s2], [sflag:$0x3] =	stream.linear.gather @!p0 [hbm4b:s5+s2], $0x2780, $0x38;
	[tilespmem:$0x8700] =	vst v63  }
0x2d: {  	_ =	swait.ge @!p0 [sflag:s9], $0x2780  }
0x2e: {  	[sflag:s9] =	ssyncset.done @!p0 $0x0  }
0x2f: {  	s30 =	simm.s32 @!p0 $0x2780;
	[sflag:s9] =	ssyncadd.s32 @!p0 $0xFFFFD880  }
0x30: {  	[tilespmem:s30], [sflag:$0x3] =	stream.linear.gather @!p0 [hbm4b:s6+s2], $0x2780, $0x38;
	[tilespmem:$0x8700] =	vst v63  }
0x31: {  	_ =	swait.ge @!p0 [sflag:s9], $0x2780  }
0x32: {  	[sflag:s9] =	ssyncset.done @!p0 $0x0  }
0x33: {  	s2 =	simm.s32 @!p1 $0x1FC3;
	[sflag:s9] =	ssyncadd.s32 @!p0 $0xFFFFD880  }
0x34: {  	[spmem:s16], [sflag:s2] =	dma.local @!p1 [hbm:s12], $0x320  }
0x35: {  	s2 =	simm.s32 @!p1 $0x3  }
0x36: {  	_ =	swait.ge @!p1 [sflag:s2], $0x320  }
0x37: {  	[sflag:s2] =	ssyncset.done @!p1 $0x0  }
0x38: {  	[sflag:s2] =	ssyncadd.s32 @!p1 $0xFFFFFCE0;
	s2 =	simm.s32 @!p2 $0x3  }
0x39: {  	[spmem:s18], [sflag:s17] =	dma.local @!p2 [hbm:s11], $0x500  }
0x3a: {  	_ =	swait.ge @!p2 [sflag:s2], $0x500  }
0x3b: {  	[sflag:s2] =	ssyncset.done @!p2 $0x0  }
0x3c: {  	[sflag:s2] =	ssyncadd.s32 @!p2 $0xFFFFFB00;
	s2 =	simm.s32 @!p3 $0x1FC3  }
0x3d: {  	[spmem:s19], [sflag:s2] =	dma.local @!p3 [hbm:s10], $0x320  }
0x3e: {  	s2 =	simm.s32 @!p3 $0x3  }
0x3f: {  	_ =	swait.ge @!p3 [sflag:s2], $0x320  }
0x40: {  	[sflag:s2] =	ssyncset.done @!p3 $0x0  }
0x41: {  	[sflag:s2] =	ssyncadd.s32 @!p3 $0xFFFFFCE0;
	s2 =	simm.s32 @!p4 $0x3  }
0x42: {  	[spmem:s21], [sflag:s20] =	dma.local @!p4 [hbm:s8], $0x500  }
0x43: {  	_ =	swait.ge @!p4 [sflag:s2], $0x500  }
0x44: {  	[sflag:s2] =	ssyncset.done @!p4 $0x0  }
0x45: {  	[sflag:s2] =	ssyncadd.s32 @!p4 $0xFFFFFB00  }
0x46: {  	[bflag:$0x0] =	sbarrier.arrive $0xFFFF  }
0x47: {  	[tilespmem:s23], [sflag:$0x1] =	stream.indirect.gather [hbm4b:s1+s22], $0x10, s4, s22, $0xb8;
	[tilespmem:$0x8700] =	vst v63  }
0x48: {  	_ = 	snop  }
0x49: {  	[tilespmem:s24], [sflag:$0x2] =	stream.indirect.gather [hbm4b:s1+s22], $0x10, s22, s22, $0xb8;
	[tilespmem:$0x8700] =	vst v63  }
0x4a: {  	_ =	swait.ge [sflag:s25], $0x800  }
0x4b: {  	[sflag:s25] =	ssyncset.done $0x0  }
0x4c: {  	s9 =	simm.s32 $0x2780;
	[sflag:s25] =	ssyncadd.s32 $0xFFFFF800  }
0x4d: {  	[spmem:s3] =	stream.indirect.scatter.add.f32 [tilespmem:s23], [sflag:$0x3], $0x10, s9, s22, $0xb8;
	[tilespmem:$0x8700] =	vst v63  }
0x4e: {  	_ =	swait.ge [sflag:s26], $0x800  }
0x4f: {  	[sflag:s26] =	ssyncset.done $0x0  }
0x50: {  	s9 =	simm.s32 $0x100;
	[sflag:s26] =	ssyncadd.s32 $0xFFFFF800  }
0x51: {  	[tilespmem:s23], [sflag:$0x1] =	stream.indirect.gather [hbm4b:s1+s22], $0x10, s9, s22, $0xb8;
	[tilespmem:$0x8700] =	vst v63  }
0x52: {  	_ =	swait.ge [sflag:s28], $0x800  }
0x53: {  	[sflag:s28] =	ssyncset.done $0x0  }
0x54: {  	s9 =	simm.s32 $0x2800;
	[sflag:s28] =	ssyncadd.s32 $0xFFFFF800  }
0x55: {  	[spmem:s3] =	stream.indirect.scatter.add.f32 [tilespmem:s24], [sflag:$0x3], $0x10, s9, s22, $0xb8;
	[tilespmem:$0x8700] =	vst v63  }
0x56: {  	_ =	swait.ge [sflag:s26], $0x800  }
0x57: {  	[sflag:s26] =	ssyncset.done $0x0  }
0x58: {  	s30 =	simm.s32 $0x400;
	s2 =	simm.s32 $0x180;
	[sflag:s26] =	ssyncadd.s32 $0xFFFFF800  }
.LBB2_2:
0x59: {  	[tilespmem:s24], [sflag:$0x2] =	stream.indirect.gather [hbm4b:s1+s22], $0x10, s2, s22, $0xb8;
	[tilespmem:$0x8700] =	vst v63  }
0x5a: {  	s2 =	smov.u32 s30  }
0x5b: {  	p6 =	sne.s32 s30, $0x9400;
	s30 =	sadd.s32 $0x400, s30;
	_ =	swait.ge [sflag:s25], $0x800  }
0x5c: {  	s2 =	sshra.s32 s2, $0x2;
	[sflag:s25] =	ssyncset.done $0x0  }
0x5d: {  	s9 =	sadd.s32 $0x2780, s2;
	[sflag:s25] =	ssyncadd.s32 $0xFFFFF800  }
0x5e: {  	[spmem:s3] =	stream.indirect.scatter.add.f32 [tilespmem:s23], [sflag:$0x3], $0x10, s9, s22, $0xb8;
	[tilespmem:$0x8700] =	vst v63  }
0x5f: {  	_ =	swait.ge [sflag:s26], $0x800  }
0x60: {  	[sflag:s26] =	ssyncset.done $0x0  }
0x61: {  	s9 =	sadd.s32 $0x100, s2;
	[sflag:s26] =	ssyncadd.s32 $0xFFFFF800  }
0x62: {  	[tilespmem:s23], [sflag:$0x1] =	stream.indirect.gather [hbm4b:s1+s22], $0x10, s9, s22, $0xb8;
	[tilespmem:$0x8700] =	vst v63  }
0x63: {  	_ =	swait.ge [sflag:s28], $0x800  }
0x64: {  	[sflag:s28] =	ssyncset.done $0x0  }
.Ltmp2:
0x65: {  	s9 =	sadd.s32 $0x2800, s2;
	[sflag:s28] =	ssyncadd.s32 $0xFFFFF800;
	(pc) =	sbr.rel @p6 .LBB2_2-.Ltmp2, $4  }
0x66: {  	[spmem:s3] =	stream.indirect.scatter.add.f32 [tilespmem:s24], [sflag:$0x3], $0x10, s9, s22, $0xb8;
	[tilespmem:$0x8700] =	vst v63  }
0x67: {  	_ =	swait.ge [sflag:s26], $0x800  }
0x68: {  	[sflag:s26] =	ssyncset.done $0x0  }
0x69: {  	s2 =	sadd.s32 $0x180, s2;
	[sflag:s26] =	ssyncadd.s32 $0xFFFFF800  }
0x6a: {  	[tilespmem:s24], [sflag:$0x2] =	stream.indirect.gather [hbm4b:s1+s22], $0x10, s2, s22, $0xb8;
	[tilespmem:$0x8700] =	vst v63  }
0x6b: {  	_ =	swait.ge [sflag:s25], $0x800  }
0x6c: {  	[sflag:s25] =	ssyncset.done $0x0  }
.Ltmp3:
0x6d: {  	[sflag:s25] =	ssyncadd.s32 $0xFFFFF800;
	(pc) =	sbr.rel @p0 .LBB2_5-.Ltmp3, $4  }
0x6e: {  	[spmem:s3] =	stream.indirect.scatter.add.f32 [tilespmem:s23], [sflag:$0x3], $0x10, s29, s22, $0xb8;
	[tilespmem:$0x8700] =	vst v63  }
0x6f: {  	_ =	swait.ge [sflag:s26], $0x800  }
0x70: {  	[sflag:s26] =	ssyncset.done $0x0  }
0x71: {  	[sflag:s26] =	ssyncadd.s32 $0xFFFFF800  }
0x72: {  	s2 =	simm.s32 $0x2700  }
0x73: {  	[tilespmem:s23], [sflag:$0x1] =	stream.indirect.gather [hbm4b:s1+s22], $0x10, s2, s22, $0xb8;
	[tilespmem:$0x8700] =	vst v63  }
0x74: {  	_ =	swait.ge [sflag:s28], $0x800  }
0x75: {  	[sflag:s28] =	ssyncset.done $0x0  }
0x76: {  	[sflag:s28] =	ssyncadd.s32 $0xFFFFF800  }
0x77: {  	[spmem:s3] =	stream.indirect.scatter.add.f32 [tilespmem:s24], [sflag:$0x3], $0x10, s31, s22, $0xb8;
	[tilespmem:$0x8700] =	vst v63  }
0x78: {  	_ =	swait.ge [sflag:s26], $0x800  }
0x79: {  	[sflag:s26] =	ssyncset.done $0x0  }
0x7a: {  	[sflag:s26] =	ssyncadd.s32 $0xFFFFF800  }
0x7b: {  	_ =	swait.ge [sflag:s25], $0x800  }
0x7c: {  	[sflag:s25] =	ssyncset.done $0x0  }
0x7d: {  	s30 =	simm.s32 $0x4E80;
	[sflag:s25] =	ssyncadd.s32 $0xFFFFF800  }
0x7e: {  	[spmem:s3] =	stream.indirect.scatter.add.f32 [tilespmem:s23], [sflag:$0x3], $0x10, s30, s22, $0xb8;
	[tilespmem:$0x8700] =	vst v63  }
.Ltmp4:
0x7f: {  	_ =	swait.ge [sflag:s26], $0x800;
	(pc) =	sbr.rel .LBB2_6-.Ltmp4, $3  }
0x80: {  	[sflag:s26] =	ssyncset.done $0x0  }
0x81: {  	[sflag:s26] =	ssyncadd.s32 $0xFFFFF800  }
0x82: {  	[bflag:$0x0] =	sbarrier.arrive $0xFFFF;
	_ =	sdelay $0x1  }
.LBB2_5:
0x83: {  	_ =	swait.ge [sflag:s28], $0x800  }
0x84: {  	[sflag:s28] =	ssyncset.done $0x0  }
0x85: {  	[sflag:s28] =	ssyncadd.s32 $0xFFFFF800  }
0x86: {  	[spmem:s3] =	stream.indirect.scatter.add.f32 [tilespmem:s24], [sflag:$0x3], $0x10, s31, s22, $0xb8;
	[tilespmem:$0x8700] =	vst v63  }
.Ltmp5:
0x87: {  	_ =	swait.ge [sflag:s26], $0x800;
	(pc) =	sbr.rel @p5 .LBB2_7-.Ltmp5, $3  }
0x88: {  	[sflag:s26] =	ssyncset.done $0x0  }
0x89: {  	[sflag:s26] =	ssyncadd.s32 $0xFFFFF800  }
0x8a: {  	[bflag:$0x0] =	sbarrier.arrive $0xFFFF;
	_ =	sdelay $0x1  }
.LBB2_6:
0x8b: {  	s2 =	sshll.u32 s0, $0x6  }
.Ltmp6:
0x8c: {  	s9 =	sshrl.u32 s7, $0x3;
	s2 =	sor.u32 $0x1C03, s2;
	(pc) =	sbr.rel .LBB2_8-.Ltmp6, $4  }
0x8d: {  	[hbm:s14], [sflag:s2] =	dma.local [spmem:s9], $0x500  }
0x8e: {  	_ =	swait.ge [sflag:s26], $0x500  }
0x8f: {  	[sflag:s26] =	ssyncset.done $0x0  }
0x90: {  	[sflag:s26] =	ssyncadd.s32 $0xFFFFFB00  }
.LBB2_9:
0x91: {  	_ =	sfence.sel $0x180000  }
0x92: {  	[bflag:$0x0] =	sbarrier.arrive $0xFFFF  }
0x93: {  	_ =	strace $0x90000050  }
0x94: {  	[bflag:$0x2] =	sbarrier.arrive $0xFFFF  }
0x95: {  	p0 =	sne.s32 s0, $0x0;
	s0 =	rddreg [dreg:$0x3]  }
0x96: {  	s0 =	sadd.s32 @!p0 $0x100000, s0  }
0x97: {  	[sflag:s0] =	ssyncadd.tile.s32 @!p0 $0x1;
	_ =	shalt  }
.Lfunc_end2:
_tile_overlayer_lowered:
.L_overlay_start_2:
0x98: {  	(tag) =	ssettag $0x2  }
0x99: {  	s0 =	rddreg [dreg:$0x0];
	s2 =	stileid.u32  }
0x9a: {  	s1 =	rddreg [dreg:$0x1];
	p0 =	sne.s32 s2, $0x0  }
0x9b: {  	s3 =	rddreg [dreg:$0x2];
	[bflag:$0x3] =	sbarrier.arrive $0xFFFF;
	s2 =	simm.s32 @!p0 $0x1C03  }
0x9c: {  	[timem:s3], [sflag:s2] =	dma.local @!p0 [hbm:s0], s1  }
0x9d: {  	s0 =	simm.s32 @!p0 $0x3  }
0x9e: {  	_ =	swait.ge @!p0 [sflag:s0], s1  }
0x9f: {  	s1 =	ssub.s32 @!p0 $0x0, s1;
	[sflag:s0] =	ssyncset.done @!p0 $0x0  }
0xa0: {  	[sflag:s0] =	ssyncadd.s32 @!p0 s1  }
0xa1: {  	[bflag:$0x3] =	sbarrier.arrive $0xFFFF  }
0xa2: {  	_ =	shalt  }

</sc_bundles>
